<compile_context>
chip_gen: v7x
topology: tpu7x:2x2x1
jax: 0.10.2.dev20260603
libtpu: 0.0.44.dev20260713+nightly
codegen_flags: <defaults>
</compile_context>

<pallas_src>
import functools

import jax
import jax.numpy as jnp
from jax import lax
from jax.experimental import pallas as pl
from jax.experimental.pallas import tpu as pltpu
from jax.experimental.pallas import tpu_sc as plsc

_N, _C, _D, _H, _W = 4, 128, 2, 200, 176
_CD = _C * _D
_HW = _H * _W
_NNZ = 150000
_NC = 2
_NS = 16
_NW = _NC * _NS
_HB = _H // (_NW // _N)
_RW = _HB * _W
_CHUNK = 6000
_NCHUNK = _NNZ // _CHUNK
_QPC = _CHUNK // 16
_AG = 15
_GSUB = 88
_MAPN = 2 * _RW


def _hc_body(feat_hbm, idx_hbm, out_hbm, map_v, idxa, idxb,
             rows_a, rows_b, ob_a, ob_b,
             sem_ia, sem_ib, sem_ga, sem_gb, sem_oa, sem_ob):
    wid = lax.axis_index("s") * _NC + lax.axis_index("c")
    n = wid // (_NW // _N)
    hb = wid - n * (_NW // _N)
    base0 = n * (_D * _HW) + hb * _RW
    base1 = base0 + _HW
    iota16 = lax.broadcasted_iota(jnp.int32, (16,), 0)

    def init_body(i, _):
        map_v[pl.ds(i * 16, 16)] = jnp.full((16,), -1, jnp.int32)
        return 0

    lax.fori_loop(0, _MAPN // 16, init_body, 0)

    def idx_copy(c, buf, sem):
        return pltpu.make_async_copy(
            idx_hbm.at[pl.ds(c * _CHUNK, _CHUNK)], buf, sem)

    def scan_chunk(c, buf):
        def q_body(q, _):
            gs = [buf[pl.ds((q * _AG + t) * 16, 16)] for t in range(_AG)]
            for t in range(_AG):
                g = gs[t]
                s0 = g - base0
                s1 = g - base1
                in0 = s0.astype(jnp.uint32) < jnp.uint32(_RW)
                in1 = s1.astype(jnp.uint32) < jnp.uint32(_RW)
                m = in0 | in1
                local = jnp.where(in0, s0, s1 + _RW)
                local = jnp.where(m, local, 0)
                vid = (c * _CHUNK + (q * _AG + t) * 16) + iota16
                plsc.store_scatter(map_v, [local], vid, mask=m)
            return 0

        lax.fori_loop(0, _QPC // _AG, q_body, 0)

    idx_copy(0, idxa, sem_ia).start()

    def a_body(t, _):
        a = 2 * t
        b = a + 1

        @pl.when(b < _NCHUNK)
        def _():
            idx_copy(b, idxb, sem_ib).start()

        idx_copy(a, idxa, sem_ia).wait()
        scan_chunk(a, idxa)

        @pl.when(a + 2 < _NCHUNK)
        def _():
            idx_copy(a + 2, idxa, sem_ia).start()

        @pl.when(b < _NCHUNK)
        def _():
            idx_copy(b, idxb, sem_ib).wait()
            scan_chunk(b, idxb)

        return 0

    lax.fori_loop(0, (_NCHUNK + 1) // 2, a_body, 0)

    ch_idx = [[(i * 16 + iota16) * _D + d for i in range(_C // 16)]
              for d in range(_D)]

    zero16 = jnp.zeros((16,), jnp.float32)

    def zero_rows(rows):
        @plsc.parallel_loop(0, _GSUB, 1, unroll=2)
        def z_body(w):
            for half in range(2):
                for i in range(_C // 16):
                    rows[_GSUB * half + w, pl.ds(i * 16, 16)] = zero16

    def gathers(r, w0, rows, sem):
        mo = r * _W + w0
        cps = []
        for d in range(2):
            cp = pltpu.make_async_copy(
                feat_hbm.at[plsc.Indices(map_v.at[pl.ds(d * _RW + mo, _GSUB)],
                                         ignored_value=-1)],
                rows.at[pl.ds(d * _GSUB, _GSUB)], sem)
            cps.append(cp)
        return cps

    def out_copy(r, w0, ob, sem):
        return pltpu.make_async_copy(
            ob, out_hbm.at[n, hb * _HB + r, pl.ds(w0, _GSUB), :], sem)

    def interleave(rows, ob):
        @plsc.parallel_loop(0, _GSUB, 1, unroll=2)
        def w_body(w):
            wv = jnp.full((16,), 0, jnp.int32) + w
            for i in range(_C // 16):
                v0 = rows[w, pl.ds(i * 16, 16)]
                plsc.store_scatter(ob, [wv, ch_idx[0][i]], v0)
                v1 = rows[_GSUB + w, pl.ds(i * 16, 16)]
                plsc.store_scatter(ob, [wv, ch_idx[1][i]], v1)

    zero_rows(rows_a)
    for cp in gathers(0, 0, rows_a, sem_ga):
        cp.start()

    def b_body(t, _):
        zero_rows(rows_b)
        for cp in gathers(t, _GSUB, rows_b, sem_gb):
            cp.start()
        for cp in gathers(t, 0, rows_a, sem_ga):
            cp.wait()

        @pl.when(t > 0)
        def _():
            out_copy(t, 0, ob_a, sem_oa).wait()

        interleave(rows_a, ob_a)
        out_copy(t, 0, ob_a, sem_oa).start()

        @pl.when(t + 1 < _HB)
        def _():
            zero_rows(rows_a)
            for cp in gathers(t + 1, 0, rows_a, sem_ga):
                cp.start()

        for cp in gathers(t, _GSUB, rows_b, sem_gb):
            cp.wait()

        @pl.when(t > 0)
        def _():
            out_copy(t, _GSUB, ob_b, sem_ob).wait()

        interleave(rows_b, ob_b)
        out_copy(t, _GSUB, ob_b, sem_ob).start()
        return 0

    lax.fori_loop(0, _HB, b_body, 0)
    out_copy(_HB - 1, 0, ob_a, sem_oa).wait()
    out_copy(_HB - 1, _GSUB, ob_b, sem_ob).wait()


_hc_kernel = functools.partial(
    pl.kernel,
    out_type=jax.ShapeDtypeStruct((_N, _H, _W, _CD), jnp.float32),
    mesh=plsc.VectorSubcoreMesh(core_axis_name="c", subcore_axis_name="s"),
    scratch_types=[
        pltpu.VMEM((_MAPN,), jnp.int32),
        pltpu.VMEM((_CHUNK,), jnp.int32),
        pltpu.VMEM((_CHUNK,), jnp.int32),
        pltpu.VMEM((_D * _GSUB, _C), jnp.float32),
        pltpu.VMEM((_D * _GSUB, _C), jnp.float32),
        pltpu.VMEM((_GSUB, _CD), jnp.float32),
        pltpu.VMEM((_GSUB, _CD), jnp.float32),
        pltpu.SemaphoreType.DMA,
        pltpu.SemaphoreType.DMA,
        pltpu.SemaphoreType.DMA,
        pltpu.SemaphoreType.DMA,
        pltpu.SemaphoreType.DMA,
        pltpu.SemaphoreType.DMA,
    ],
    compiler_params=pltpu.CompilerParams(
        needs_layout_passes=False, use_tc_tiling_on_sc=True),
)(_hc_body)


def kernel(features, indices):
    out = _hc_kernel(features, indices)
    return jnp.transpose(out, (0, 3, 1, 2))

# --- scband reference (transcript-rebuilt; emitter-appended) ---
"""Pipeline reference for scband-height-compression-20555713478939 (READ-ONLY COPY).

The authoritative reference and input builder live on the scoring server;
editing this copy changes nothing except your own understanding.
"""

import jax, jax.numpy as jnp
import numpy as np

# OpenPCDet SECOND-style config: sparse 3D backbone output
# spatial_shape (D,H,W) = (2, 200, 176), C = 128, batch N = 4
# NUM_BEV_FEATURES = C * D = 256
N, C, D, H, W = 4, 128, 2, 200, 176
NNZ = 150000  # total active voxels across the batch


def setup_inputs(seed: int = 0) -> dict:
    key = jax.random.key(seed)
    k1, k2 = jax.random.split(key)
    features = jax.random.normal(k1, (NNZ, C), dtype=jnp.float32)
    # flat linear index into the (N, D, H, W) dense grid for each active voxel
    indices = jax.random.randint(k2, (NNZ,), 0, N * D * H * W, dtype=jnp.int32)
    return {"features": features, "indices": indices}


def reference(features, indices):
    # encoded_spconv_tensor.dense(): scatter sparse voxel features into the
    # dense (N, C, D, H, W) grid (scatter-overwrite; spconv indices are unique)
    dense_flat = jnp.zeros((N * D * H * W, C), dtype=features.dtype)
    dense_flat = dense_flat.at[indices].set(features)
    dense = dense_flat.reshape(N, D, H, W, C)
    dense = jnp.transpose(dense, (0, 4, 1, 2, 3))  # (N, C, D, H, W)
    # HeightCompression: view(N, C*D, H, W)
    spatial_features = dense.reshape(N, C * D, H, W)
    return spatial_features

if __name__ == "__main__":
    import jax
    _d = setup_inputs()
    print(jax.jit(kernel)(*tuple(_d.values())))

</pallas_src>

<mosaic_0001>
#map = affine_map<(d0, d1) -> (0, 0)>
#map1 = affine_map<(d0, d1) -> (0)>
#map2 = affine_map<(d0, d1) -> (0, 0, 0, 0)>
module attributes {stable_mosaic.version = 14 : i64} {
  func.func @_hc_body(%arg0: i32, %arg1: i32, %arg2: memref<150000x128xf32, #tpu.memory_space<hbm>>, %arg3: memref<150000xi32, #tpu.memory_space<hbm>>, %arg4: memref<4x200x176x256xf32, #tpu.memory_space<hbm>>, %arg5: memref<8800xi32, #tpu.memory_space<vmem>>, %arg6: memref<6000xi32, #tpu.memory_space<vmem>>, %arg7: memref<6000xi32, #tpu.memory_space<vmem>>, %arg8: memref<176x128xf32, #tpu.memory_space<vmem>>, %arg9: memref<176x128xf32, #tpu.memory_space<vmem>>, %arg10: memref<88x256xf32, #tpu.memory_space<vmem>>, %arg11: memref<88x256xf32, #tpu.memory_space<vmem>>, %arg12: memref<!tpu.dma_semaphore, #tpu.memory_space<semaphore_mem>>, %arg13: memref<!tpu.dma_semaphore, #tpu.memory_space<semaphore_mem>>, %arg14: memref<!tpu.dma_semaphore, #tpu.memory_space<semaphore_mem>>, %arg15: memref<!tpu.dma_semaphore, #tpu.memory_space<semaphore_mem>>, %arg16: memref<!tpu.dma_semaphore, #tpu.memory_space<semaphore_mem>>, %arg17: memref<!tpu.dma_semaphore, #tpu.memory_space<semaphore_mem>>) attributes {dimension_semantics = [#tpu.dimension_semantics<core_parallel>, #tpu.dimension_semantics<subcore_parallel>], iteration_bounds = array<i64: 2, 16>, scalar_prefetch = 0 : i64, scratch_operands = 13 : i64, tpu.core_type = #tpu.core_type<sc_vector_subcore>, window_params = [{transform_indices = #map}, {transform_indices = #map1}, {transform_indices = #map2}]} {
    %mul3A = arith.constant 2 : i32
    %mul3A_0 = arith.muli %arg1, %mul3A : i32
    %add3A = arith.addi %mul3A_0, %arg0 : i32
    %jit3A = arith.constant 8 : i32
    %div3A = arith.divsi %add3A, %jit3A : i32
    %sign3A = arith.constant 0 : i32
    %sign3A_1 = arith.cmpi sgt, %add3A, %sign3A : i32
    %sign3A_2 = arith.extui %sign3A_1 : i1 to i32
    %sign3A_3 = arith.constant 0 : i32
    %sign3A_4 = arith.cmpi slt, %add3A, %sign3A_3 : i32
    %sign3A_5 = arith.extui %sign3A_4 : i1 to i32
    %sign3A_6 = arith.subi %sign3A_2, %sign3A_5 : i32
    %sign3A_7 = arith.constant 0 : i32
    %sign3A_8 = arith.cmpi sgt, %jit3A, %sign3A_7 : i32
    %sign3A_9 = arith.extui %sign3A_8 : i1 to i32
    %sign3A_10 = arith.constant 0 : i32
    %sign3A_11 = arith.cmpi slt, %jit3A, %sign3A_10 : i32
    %sign3A_12 = arith.extui %sign3A_11 : i1 to i32
    %sign3A_13 = arith.subi %sign3A_9, %sign3A_12 : i32
    %ne3A = arith.cmpi ne, %sign3A_6, %sign3A_13 : i32
    %rem3A = arith.remsi %add3A, %jit3A : i32
    %ne3A_14 = arith.constant 0 : i32
    %ne3A_15 = arith.cmpi ne, %rem3A, %ne3A_14 : i32
    %and3A = arith.andi %ne3A, %ne3A_15 : i1
    %sub3A = arith.constant 1 : i32
    %sub3A_16 = arith.subi %div3A, %sub3A : i32
    %select_n3A = arith.select %and3A, %sub3A_16, %div3A : i32
    %mul3A_17 = arith.constant 8 : i32
    %mul3A_18 = arith.muli %select_n3A, %mul3A_17 : i32
    %sub3A_19 = arith.subi %add3A, %mul3A_18 : i32
    %mul3A_20 = arith.constant 70400 : i32
    %mul3A_21 = arith.muli %select_n3A, %mul3A_20 : i32
    %mul3A_22 = arith.constant 4400 : i32
    %mul3A_23 = arith.muli %sub3A_19, %mul3A_22 : i32
    %add3A_24 = arith.addi %mul3A_21, %mul3A_23 : i32
    %add3A_25 = arith.constant 35200 : i32
    %add3A_26 = arith.addi %add3A_24, %add3A_25 : i32
    %iota3A = tpu.iota {dimensions = array<i32: 0>} : vector<16xi32>
    %scan3A = arith.constant 0 : i32
    %scan3A_27 = arith.constant 0 : i32
    %scan3A_28 = arith.constant 550 : i32
    %scan3A_29 = arith.addi %scan3A_27, %scan3A_28 : i32
    %scan3A_30 = arith.constant 1 : i32
    %scan3A_31 = scf.for %scan3A_238 = %scan3A_27 to %scan3A_29 step %scan3A_30 iter_args(%scan3A_239 = %scan3A) -> (i32)  : i32 {
      %broadcast_in_dim3A_240 = arith.constant -1 : i32
      %broadcast_in_dim3A_241 = vector.broadcast %broadcast_in_dim3A_240 : i32 to vector<16xi32>
      %mul3A_242 = arith.constant 16 : i32
      %mul3A_243 = arith.muli %scan3A_238, %mul3A_242 : i32
      %swap3A = arith.index_cast %mul3A_243 : i32 to index
      %swap3A_244 = tpu.vector_load %arg5[%swap3A] {strides = array<i32>} : memref<8800xi32, #tpu.memory_space<vmem>>, vector<16xi32>,
      tpu.vector_store %arg5[%swap3A], %broadcast_in_dim3A_241 {strides = array<i32>} : memref<8800xi32, #tpu.memory_space<vmem>>, vector<16xi32>,
      %scan3A_245 = arith.constant 0 : i32
      scf.yield %scan3A_245 : i32
    }
    %scan3A_32 = arith.constant 550 : i32
    %dma_start3A = arith.constant 0 : i32
    %dma_start3A_33 = tpu.memref_slice %arg3[%dma_start3A] : memref<150000xi32, #tpu.memory_space<hbm>> -> memref<6000xi32, #tpu.memory_space<hbm>>
    %dma_start3A_34 = arith.constant 0 : i32
    %dma_start3A_35 = tpu.memref_slice %arg3[%dma_start3A_34] : memref<150000xi32, #tpu.memory_space<hbm>> -> memref<6000xi32, #tpu.memory_space<hbm>>
    tpu.enqueue_dma source(%dma_start3A_35 : memref<6000xi32, #tpu.memory_space<hbm>>) target(%arg6 : memref<6000xi32, #tpu.memory_space<vmem>>) target_semaphore(%arg12 : memref<!tpu.dma_semaphore, #tpu.memory_space<semaphore_mem>>)
    %scan3A_36 = arith.constant 0 : i32
    %scan3A_37 = arith.constant 0 : i32
    %scan3A_38 = arith.constant 13 : i32
    %scan3A_39 = arith.addi %scan3A_37, %scan3A_38 : i32
    %scan3A_40 = arith.constant 1 : i32
    %scan3A_41 = scf.for %scan3A_238 = %scan3A_37 to %scan3A_39 step %scan3A_40 iter_args(%scan3A_239 = %scan3A_36) -> (i32)  : i32 {
      %mul3A_240 = arith.constant 2 : i32
      %mul3A_241 = arith.muli %mul3A_240, %scan3A_238 : i32
      %add3A_242 = arith.constant 1 : i32
      %add3A_243 = arith.addi %mul3A_241, %add3A_242 : i32
      %lt3A = arith.constant 25 : i32
      %lt3A_244 = arith.cmpi slt, %add3A_243, %lt3A : i32
      %convert_element_type3A = arith.extui %lt3A_244 : i1 to i32
      %cond3A = arith.constant 0 : i32
      %cond3A_245 = arith.cmpi ne, %convert_element_type3A, %cond3A : i32
      scf.if %cond3A_245 {
        %mul3A_270 = arith.constant 6000 : i32
        %mul3A_271 = arith.muli %add3A_243, %mul3A_270 : i32
        %dma_start3A_272 = tpu.memref_slice %arg3[%mul3A_271] : memref<150000xi32, #tpu.memory_space<hbm>> -> memref<6000xi32, #tpu.memory_space<hbm>>
        %dma_start3A_273 = tpu.memref_slice %arg3[%mul3A_271] : memref<150000xi32, #tpu.memory_space<hbm>> -> memref<6000xi32, #tpu.memory_space<hbm>>
        tpu.enqueue_dma source(%dma_start3A_273 : memref<6000xi32, #tpu.memory_space<hbm>>) target(%arg7 : memref<6000xi32, #tpu.memory_space<vmem>>) target_semaphore(%arg13 : memref<!tpu.dma_semaphore, #tpu.memory_space<semaphore_mem>>)
      } else {
      }
      %mul3A_246 = arith.constant 6000 : i32
      %mul3A_247 = arith.muli %mul3A_241, %mul3A_246 : i32
      %dma_wait3A_248 = tpu.memref_slice %arg3[%mul3A_247] : memref<150000xi32, #tpu.memory_space<hbm>> -> memref<6000xi32, #tpu.memory_space<hbm>>
      %dma_wait3A_249 = tpu.memref_slice %arg3[%mul3A_247] : memref<150000xi32, #tpu.memory_space<hbm>> -> memref<6000xi32, #tpu.memory_space<hbm>>
      tpu.wait_dma2 semaphore(%arg12 : memref<!tpu.dma_semaphore, #tpu.memory_space<semaphore_mem>>) src(%dma_wait3A_249 : memref<6000xi32, #tpu.memory_space<hbm>>) dst(%arg6 : memref<6000xi32, #tpu.memory_space<vmem>>)
      %scan3A_250 = arith.constant 0 : i32
      %scan3A_251 = arith.constant 0 : i32
      %scan3A_252 = arith.constant 25 : i32
      %scan3A_253 = arith.addi %scan3A_251, %scan3A_252 : i32
      %scan3A_254 = arith.constant 1 : i32
      %scan3A_255 = scf.for %scan3A_270 = %scan3A_251 to %scan3A_253 step %scan3A_254 iter_args(%scan3A_271 = %scan3A_250) -> (i32)  : i32 {
        %mul3A_272 = arith.constant 15 : i32
        %mul3A_273 = arith.muli %scan3A_270, %mul3A_272 : i32
        %add3A_274 = arith.constant 0 : i32
        %add3A_275 = arith.addi %mul3A_273, %add3A_274 : i32
        %mul3A_276 = arith.constant 16 : i32
        %mul3A_277 = arith.muli %add3A_275, %mul3A_276 : i32
        %get3A = arith.index_cast %mul3A_277 : i32 to index
        %get3A_278 = tpu.vector_load %arg6[%get3A] {strides = array<i32>} : memref<6000xi32, #tpu.memory_space<vmem>>, vector<16xi32>,
        %mul3A_279 = arith.constant 15 : i32
        %mul3A_280 = arith.muli %scan3A_270, %mul3A_279 : i32
        %add3A_281 = arith.constant 1 : i32
        %add3A_282 = arith.addi %mul3A_280, %add3A_281 : i32
        %mul3A_283 = arith.constant 16 : i32
        %mul3A_284 = arith.muli %add3A_282, %mul3A_283 : i32
        %get3A_285 = arith.index_cast %mul3A_284 : i32 to index
        %get3A_286 = tpu.vector_load %arg6[%get3A_285] {strides = array<i32>} : memref<6000xi32, #tpu.memory_space<vmem>>, vector<16xi32>,
        %mul3A_287 = arith.constant 15 : i32
        %mul3A_288 = arith.muli %scan3A_270, %mul3A_287 : i32
        %add3A_289 = arith.constant 2 : i32
        %add3A_290 = arith.addi %mul3A_288, %add3A_289 : i32
        %mul3A_291 = arith.constant 16 : i32
        %mul3A_292 = arith.muli %add3A_290, %mul3A_291 : i32
        %get3A_293 = arith.index_cast %mul3A_292 : i32 to index
        %get3A_294 = tpu.vector_load %arg6[%get3A_293] {strides = array<i32>} : memref<6000xi32, #tpu.memory_space<vmem>>, vector<16xi32>,
        %mul3A_295 = arith.constant 15 : i32
        %mul3A_296 = arith.muli %scan3A_270, %mul3A_295 : i32
        %add3A_297 = arith.constant 3 : i32
        %add3A_298 = arith.addi %mul3A_296, %add3A_297 : i32
        %mul3A_299 = arith.constant 16 : i32
        %mul3A_300 = arith.muli %add3A_298, %mul3A_299 : i32
        %get3A_301 = arith.index_cast %mul3A_300 : i32 to index
        %get3A_302 = tpu.vector_load %arg6[%get3A_301] {strides = array<i32>} : memref<6000xi32, #tpu.memory_space<vmem>>, vector<16xi32>,
        %mul3A_303 = arith.constant 15 : i32
        %mul3A_304 = arith.muli %scan3A_270, %mul3A_303 : i32
        %add3A_305 = arith.constant 4 : i32
        %add3A_306 = arith.addi %mul3A_304, %add3A_305 : i32
        %mul3A_307 = arith.constant 16 : i32
        %mul3A_308 = arith.muli %add3A_306, %mul3A_307 : i32
        %get3A_309 = arith.index_cast %mul3A_308 : i32 to index
        %get3A_310 = tpu.vector_load %arg6[%get3A_309] {strides = array<i32>} : memref<6000xi32, #tpu.memory_space<vmem>>, vector<16xi32>,
        %mul3A_311 = arith.constant 15 : i32
        %mul3A_312 = arith.muli %scan3A_270, %mul3A_311 : i32
        %add3A_313 = arith.constant 5 : i32
        %add3A_314 = arith.addi %mul3A_312, %add3A_313 : i32
        %mul3A_315 = arith.constant 16 : i32
        %mul3A_316 = arith.muli %add3A_314, %mul3A_315 : i32
        %get3A_317 = arith.index_cast %mul3A_316 : i32 to index
        %get3A_318 = tpu.vector_load %arg6[%get3A_317] {strides = array<i32>} : memref<6000xi32, #tpu.memory_space<vmem>>, vector<16xi32>,
        %mul3A_319 = arith.constant 15 : i32
        %mul3A_320 = arith.muli %scan3A_270, %mul3A_319 : i32
        %add3A_321 = arith.constant 6 : i32
        %add3A_322 = arith.addi %mul3A_320, %add3A_321 : i32
        %mul3A_323 = arith.constant 16 : i32
        %mul3A_324 = arith.muli %add3A_322, %mul3A_323 : i32
        %get3A_325 = arith.index_cast %mul3A_324 : i32 to index
        %get3A_326 = tpu.vector_load %arg6[%get3A_325] {strides = array<i32>} : memref<6000xi32, #tpu.memory_space<vmem>>, vector<16xi32>,
        %mul3A_327 = arith.constant 15 : i32
        %mul3A_328 = arith.muli %scan3A_270, %mul3A_327 : i32
        %add3A_329 = arith.constant 7 : i32
        %add3A_330 = arith.addi %mul3A_328, %add3A_329 : i32
        %mul3A_331 = arith.constant 16 : i32
        %mul3A_332 = arith.muli %add3A_330, %mul3A_331 : i32
        %get3A_333 = arith.index_cast %mul3A_332 : i32 to index
        %get3A_334 = tpu.vector_load %arg6[%get3A_333] {strides = array<i32>} : memref<6000xi32, #tpu.memory_space<vmem>>, vector<16xi32>,
        %mul3A_335 = arith.constant 15 : i32
        %mul3A_336 = arith.muli %scan3A_270, %mul3A_335 : i32
        %add3A_337 = arith.constant 8 : i32
        %add3A_338 = arith.addi %mul3A_336, %add3A_337 : i32
        %mul3A_339 = arith.constant 16 : i32
        %mul3A_340 = arith.muli %add3A_338, %mul3A_339 : i32
        %get3A_341 = arith.index_cast %mul3A_340 : i32 to index
        %get3A_342 = tpu.vector_load %arg6[%get3A_341] {strides = array<i32>} : memref<6000xi32, #tpu.memory_space<vmem>>, vector<16xi32>,
        %mul3A_343 = arith.constant 15 : i32
        %mul3A_344 = arith.muli %scan3A_270, %mul3A_343 : i32
        %add3A_345 = arith.constant 9 : i32
        %add3A_346 = arith.addi %mul3A_344, %add3A_345 : i32
        %mul3A_347 = arith.constant 16 : i32
        %mul3A_348 = arith.muli %add3A_346, %mul3A_347 : i32
        %get3A_349 = arith.index_cast %mul3A_348 : i32 to index
        %get3A_350 = tpu.vector_load %arg6[%get3A_349] {strides = array<i32>} : memref<6000xi32, #tpu.memory_space<vmem>>, vector<16xi32>,
        %mul3A_351 = arith.constant 15 : i32
        %mul3A_352 = arith.muli %scan3A_270, %mul3A_351 : i32
        %add3A_353 = arith.constant 10 : i32
        %add3A_354 = arith.addi %mul3A_352, %add3A_353 : i32
        %mul3A_355 = arith.constant 16 : i32
        %mul3A_356 = arith.muli %add3A_354, %mul3A_355 : i32
        %get3A_357 = arith.index_cast %mul3A_356 : i32 to index
        %get3A_358 = tpu.vector_load %arg6[%get3A_357] {strides = array<i32>} : memref<6000xi32, #tpu.memory_space<vmem>>, vector<16xi32>,
        %mul3A_359 = arith.constant 15 : i32
        %mul3A_360 = arith.muli %scan3A_270, %mul3A_359 : i32
        %add3A_361 = arith.constant 11 : i32
        %add3A_362 = arith.addi %mul3A_360, %add3A_361 : i32
        %mul3A_363 = arith.constant 16 : i32
        %mul3A_364 = arith.muli %add3A_362, %mul3A_363 : i32
        %get3A_365 = arith.index_cast %mul3A_364 : i32 to index
        %get3A_366 = tpu.vector_load %arg6[%get3A_365] {strides = array<i32>} : memref<6000xi32, #tpu.memory_space<vmem>>, vector<16xi32>,
        %mul3A_367 = arith.constant 15 : i32
        %mul3A_368 = arith.muli %scan3A_270, %mul3A_367 : i32
        %add3A_369 = arith.constant 12 : i32
        %add3A_370 = arith.addi %mul3A_368, %add3A_369 : i32
        %mul3A_371 = arith.constant 16 : i32
        %mul3A_372 = arith.muli %add3A_370, %mul3A_371 : i32
        %get3A_373 = arith.index_cast %mul3A_372 : i32 to index
        %get3A_374 = tpu.vector_load %arg6[%get3A_373] {strides = array<i32>} : memref<6000xi32, #tpu.memory_space<vmem>>, vector<16xi32>,
        %mul3A_375 = arith.constant 15 : i32
        %mul3A_376 = arith.muli %scan3A_270, %mul3A_375 : i32
        %add3A_377 = arith.constant 13 : i32
        %add3A_378 = arith.addi %mul3A_376, %add3A_377 : i32
        %mul3A_379 = arith.constant 16 : i32
        %mul3A_380 = arith.muli %add3A_378, %mul3A_379 : i32
        %get3A_381 = arith.index_cast %mul3A_380 : i32 to index
        %get3A_382 = tpu.vector_load %arg6[%get3A_381] {strides = array<i32>} : memref<6000xi32, #tpu.memory_space<vmem>>, vector<16xi32>,
        %mul3A_383 = arith.constant 15 : i32
        %mul3A_384 = arith.muli %scan3A_270, %mul3A_383 : i32
        %add3A_385 = arith.constant 14 : i32
        %add3A_386 = arith.addi %mul3A_384, %add3A_385 : i32
        %mul3A_387 = arith.constant 16 : i32
        %mul3A_388 = arith.muli %add3A_386, %mul3A_387 : i32
        %get3A_389 = arith.index_cast %mul3A_388 : i32 to index
        %get3A_390 = tpu.vector_load %arg6[%get3A_389] {strides = array<i32>} : memref<6000xi32, #tpu.memory_space<vmem>>, vector<16xi32>,
        %sub3A_391 = vector.broadcast %add3A_24 : i32 to vector<16xi32>
        %sub3A_392 = arith.subi %get3A_278, %sub3A_391 : vector<16xi32>
        %sub3A_393 = vector.broadcast %add3A_26 : i32 to vector<16xi32>
        %sub3A_394 = arith.subi %get3A_278, %sub3A_393 : vector<16xi32>
        %lt3A_395 = arith.constant 4400 : i32
        %lt3A_396 = vector.broadcast %lt3A_395 : i32 to vector<16xi32>
        %lt3A_397 = arith.cmpi ult, %sub3A_392, %lt3A_396 : vector<16xi32>
        %lt3A_398 = arith.constant 4400 : i32
        %lt3A_399 = vector.broadcast %lt3A_398 : i32 to vector<16xi32>
        %lt3A_400 = arith.cmpi ult, %sub3A_394, %lt3A_399 : vector<16xi32>
        %or3A = arith.ori %lt3A_397, %lt3A_400 : vector<16xi1>
        %add3A_401 = arith.constant 4400 : i32
        %add3A_402 = vector.broadcast %add3A_401 : i32 to vector<16xi32>
        %add3A_403 = arith.addi %sub3A_394, %add3A_402 : vector<16xi32>
        %select_n3A_404 = arith.select %lt3A_397, %sub3A_392, %add3A_403 : vector<16xi1>, vector<16xi32>
        %jit3A_405 = arith.constant 0 : i32
        %broadcast_in_dim3A_406 = vector.broadcast %jit3A_405 : i32 to vector<16xi32>
        %select_n3A_407 = arith.select %or3A, %select_n3A_404, %broadcast_in_dim3A_406 : vector<16xi1>, vector<16xi32>
        %mul3A_408 = arith.constant 6000 : i32
        %mul3A_409 = arith.muli %mul3A_241, %mul3A_408 : i32
        %mul3A_410 = arith.constant 15 : i32
        %mul3A_411 = arith.muli %scan3A_270, %mul3A_410 : i32
        %add3A_412 = arith.constant 0 : i32
        %add3A_413 = arith.addi %mul3A_411, %add3A_412 : i32
        %mul3A_414 = arith.constant 16 : i32
        %mul3A_415 = arith.muli %add3A_413, %mul3A_414 : i32
        %add3A_416 = arith.addi %mul3A_409, %mul3A_415 : i32
        %add3A_417 = vector.broadcast %add3A_416 : i32 to vector<16xi32>
        %add3A_418 = arith.addi %add3A_417, %iota3A : vector<16xi32>
        tpu.vector_store_idx %arg5[%select_n3A_407], %add3A_418 masked %or3A : memref<8800xi32, #tpu.memory_space<vmem>>[vector<16xi32>], vector<16xi32>, vector<16xi1>
        %sub3A_419 = vector.broadcast %add3A_24 : i32 to vector<16xi32>
        %sub3A_420 = arith.subi %get3A_286, %sub3A_419 : vector<16xi32>
        %sub3A_421 = vector.broadcast %add3A_26 : i32 to vector<16xi32>
        %sub3A_422 = arith.subi %get3A_286, %sub3A_421 : vector<16xi32>
        %lt3A_423 = arith.constant 4400 : i32
        %lt3A_424 = vector.broadcast %lt3A_423 : i32 to vector<16xi32>
        %lt3A_425 = arith.cmpi ult, %sub3A_420, %lt3A_424 : vector<16xi32>
        %lt3A_426 = arith.constant 4400 : i32
        %lt3A_427 = vector.broadcast %lt3A_426 : i32 to vector<16xi32>
        %lt3A_428 = arith.cmpi ult, %sub3A_422, %lt3A_427 : vector<16xi32>
        %or3A_429 = arith.ori %lt3A_425, %lt3A_428 : vector<16xi1>
        %add3A_430 = arith.constant 4400 : i32
        %add3A_431 = vector.broadcast %add3A_430 : i32 to vector<16xi32>
        %add3A_432 = arith.addi %sub3A_422, %add3A_431 : vector<16xi32>
        %select_n3A_433 = arith.select %lt3A_425, %sub3A_420, %add3A_432 : vector<16xi1>, vector<16xi32>
        %jit3A_434 = arith.constant 0 : i32
        %broadcast_in_dim3A_435 = vector.broadcast %jit3A_434 : i32 to vector<16xi32>
        %select_n3A_436 = arith.select %or3A_429, %select_n3A_433, %broadcast_in_dim3A_435 : vector<16xi1>, vector<16xi32>
        %mul3A_437 = arith.constant 6000 : i32
        %mul3A_438 = arith.muli %mul3A_241, %mul3A_437 : i32
        %mul3A_439 = arith.constant 15 : i32
        %mul3A_440 = arith.muli %scan3A_270, %mul3A_439 : i32
        %add3A_441 = arith.constant 1 : i32
        %add3A_442 = arith.addi %mul3A_440, %add3A_441 : i32
        %mul3A_443 = arith.constant 16 : i32
        %mul3A_444 = arith.muli %add3A_442, %mul3A_443 : i32
        %add3A_445 = arith.addi %mul3A_438, %mul3A_444 : i32
        %add3A_446 = vector.broadcast %add3A_445 : i32 to vector<16xi32>
        %add3A_447 = arith.addi %add3A_446, %iota3A : vector<16xi32>
        tpu.vector_store_idx %arg5[%select_n3A_436], %add3A_447 masked %or3A_429 : memref<8800xi32, #tpu.memory_space<vmem>>[vector<16xi32>], vector<16xi32>, vector<16xi1>
        %sub3A_448 = vector.broadcast %add3A_24 : i32 to vector<16xi32>
        %sub3A_449 = arith.subi %get3A_294, %sub3A_448 : vector<16xi32>
        %sub3A_450 = vector.broadcast %add3A_26 : i32 to vector<16xi32>
        %sub3A_451 = arith.subi %get3A_294, %sub3A_450 : vector<16xi32>
        %lt3A_452 = arith.constant 4400 : i32
        %lt3A_453 = vector.broadcast %lt3A_452 : i32 to vector<16xi32>
        %lt3A_454 = arith.cmpi ult, %sub3A_449, %lt3A_453 : vector<16xi32>
        %lt3A_455 = arith.constant 4400 : i32
        %lt3A_456 = vector.broadcast %lt3A_455 : i32 to vector<16xi32>
        %lt3A_457 = arith.cmpi ult, %sub3A_451, %lt3A_456 : vector<16xi32>
        %or3A_458 = arith.ori %lt3A_454, %lt3A_457 : vector<16xi1>
        %add3A_459 = arith.constant 4400 : i32
        %add3A_460 = vector.broadcast %add3A_459 : i32 to vector<16xi32>
        %add3A_461 = arith.addi %sub3A_451, %add3A_460 : vector<16xi32>
        %select_n3A_462 = arith.select %lt3A_454, %sub3A_449, %add3A_461 : vector<16xi1>, vector<16xi32>
        %jit3A_463 = arith.constant 0 : i32
        %broadcast_in_dim3A_464 = vector.broadcast %jit3A_463 : i32 to vector<16xi32>
        %select_n3A_465 = arith.select %or3A_458, %select_n3A_462, %broadcast_in_dim3A_464 : vector<16xi1>, vector<16xi32>
        %mul3A_466 = arith.constant 6000 : i32
        %mul3A_467 = arith.muli %mul3A_241, %mul3A_466 : i32
        %mul3A_468 = arith.constant 15 : i32
        %mul3A_469 = arith.muli %scan3A_270, %mul3A_468 : i32
        %add3A_470 = arith.constant 2 : i32
        %add3A_471 = arith.addi %mul3A_469, %add3A_470 : i32
        %mul3A_472 = arith.constant 16 : i32
        %mul3A_473 = arith.muli %add3A_471, %mul3A_472 : i32
        %add3A_474 = arith.addi %mul3A_467, %mul3A_473 : i32
        %add3A_475 = vector.broadcast %add3A_474 : i32 to vector<16xi32>
        %add3A_476 = arith.addi %add3A_475, %iota3A : vector<16xi32>
        tpu.vector_store_idx %arg5[%select_n3A_465], %add3A_476 masked %or3A_458 : memref<8800xi32, #tpu.memory_space<vmem>>[vector<16xi32>], vector<16xi32>, vector<16xi1>
        %sub3A_477 = vector.broadcast %add3A_24 : i32 to vector<16xi32>
        %sub3A_478 = arith.subi %get3A_302, %sub3A_477 : vector<16xi32>
        %sub3A_479 = vector.broadcast %add3A_26 : i32 to vector<16xi32>
        %sub3A_480 = arith.subi %get3A_302, %sub3A_479 : vector<16xi32>
        %lt3A_481 = arith.constant 4400 : i32
        %lt3A_482 = vector.broadcast %lt3A_481 : i32 to vector<16xi32>
        %lt3A_483 = arith.cmpi ult, %sub3A_478, %lt3A_482 : vector<16xi32>
        %lt3A_484 = arith.constant 4400 : i32
        %lt3A_485 = vector.broadcast %lt3A_484 : i32 to vector<16xi32>
        %lt3A_486 = arith.cmpi ult, %sub3A_480, %lt3A_485 : vector<16xi32>
        %or3A_487 = arith.ori %lt3A_483, %lt3A_486 : vector<16xi1>
        %add3A_488 = arith.constant 4400 : i32
        %add3A_489 = vector.broadcast %add3A_488 : i32 to vector<16xi32>
        %add3A_490 = arith.addi %sub3A_480, %add3A_489 : vector<16xi32>
        %select_n3A_491 = arith.select %lt3A_483, %sub3A_478, %add3A_490 : vector<16xi1>, vector<16xi32>
        %jit3A_492 = arith.constant 0 : i32
        %broadcast_in_dim3A_493 = vector.broadcast %jit3A_492 : i32 to vector<16xi32>
        %select_n3A_494 = arith.select %or3A_487, %select_n3A_491, %broadcast_in_dim3A_493 : vector<16xi1>, vector<16xi32>
        %mul3A_495 = arith.constant 6000 : i32
        %mul3A_496 = arith.muli %mul3A_241, %mul3A_495 : i32
        %mul3A_497 = arith.constant 15 : i32
        %mul3A_498 = arith.muli %scan3A_270, %mul3A_497 : i32
        %add3A_499 = arith.constant 3 : i32
        %add3A_500 = arith.addi %mul3A_498, %add3A_499 : i32
        %mul3A_501 = arith.constant 16 : i32
        %mul3A_502 = arith.muli %add3A_500, %mul3A_501 : i32
        %add3A_503 = arith.addi %mul3A_496, %mul3A_502 : i32
        %add3A_504 = vector.broadcast %add3A_503 : i32 to vector<16xi32>
        %add3A_505 = arith.addi %add3A_504, %iota3A : vector<16xi32>
        tpu.vector_store_idx %arg5[%select_n3A_494], %add3A_505 masked %or3A_487 : memref<8800xi32, #tpu.memory_space<vmem>>[vector<16xi32>], vector<16xi32>, vector<16xi1>
        %sub3A_506 = vector.broadcast %add3A_24 : i32 to vector<16xi32>
        %sub3A_507 = arith.subi %get3A_310, %sub3A_506 : vector<16xi32>
        %sub3A_508 = vector.broadcast %add3A_26 : i32 to vector<16xi32>
        %sub3A_509 = arith.subi %get3A_310, %sub3A_508 : vector<16xi32>
        %lt3A_510 = arith.constant 4400 : i32
        %lt3A_511 = vector.broadcast %lt3A_510 : i32 to vector<16xi32>
        %lt3A_512 = arith.cmpi ult, %sub3A_507, %lt3A_511 : vector<16xi32>
        %lt3A_513 = arith.constant 4400 : i32
        %lt3A_514 = vector.broadcast %lt3A_513 : i32 to vector<16xi32>
        %lt3A_515 = arith.cmpi ult, %sub3A_509, %lt3A_514 : vector<16xi32>
        %or3A_516 = arith.ori %lt3A_512, %lt3A_515 : vector<16xi1>
        %add3A_517 = arith.constant 4400 : i32
        %add3A_518 = vector.broadcast %add3A_517 : i32 to vector<16xi32>
        %add3A_519 = arith.addi %sub3A_509, %add3A_518 : vector<16xi32>
        %select_n3A_520 = arith.select %lt3A_512, %sub3A_507, %add3A_519 : vector<16xi1>, vector<16xi32>
        %jit3A_521 = arith.constant 0 : i32
        %broadcast_in_dim3A_522 = vector.broadcast %jit3A_521 : i32 to vector<16xi32>
        %select_n3A_523 = arith.select %or3A_516, %select_n3A_520, %broadcast_in_dim3A_522 : vector<16xi1>, vector<16xi32>
        %mul3A_524 = arith.constant 6000 : i32
        %mul3A_525 = arith.muli %mul3A_241, %mul3A_524 : i32
        %mul3A_526 = arith.constant 15 : i32
        %mul3A_527 = arith.muli %scan3A_270, %mul3A_526 : i32
        %add3A_528 = arith.constant 4 : i32
        %add3A_529 = arith.addi %mul3A_527, %add3A_528 : i32
        %mul3A_530 = arith.constant 16 : i32
        %mul3A_531 = arith.muli %add3A_529, %mul3A_530 : i32
        %add3A_532 = arith.addi %mul3A_525, %mul3A_531 : i32
        %add3A_533 = vector.broadcast %add3A_532 : i32 to vector<16xi32>
        %add3A_534 = arith.addi %add3A_533, %iota3A : vector<16xi32>
        tpu.vector_store_idx %arg5[%select_n3A_523], %add3A_534 masked %or3A_516 : memref<8800xi32, #tpu.memory_space<vmem>>[vector<16xi32>], vector<16xi32>, vector<16xi1>
        %sub3A_535 = vector.broadcast %add3A_24 : i32 to vector<16xi32>
        %sub3A_536 = arith.subi %get3A_318, %sub3A_535 : vector<16xi32>
        %sub3A_537 = vector.broadcast %add3A_26 : i32 to vector<16xi32>
        %sub3A_538 = arith.subi %get3A_318, %sub3A_537 : vector<16xi32>
        %lt3A_539 = arith.constant 4400 : i32
        %lt3A_540 = vector.broadcast %lt3A_539 : i32 to vector<16xi32>
        %lt3A_541 = arith.cmpi ult, %sub3A_536, %lt3A_540 : vector<16xi32>
        %lt3A_542 = arith.constant 4400 : i32
        %lt3A_543 = vector.broadcast %lt3A_542 : i32 to vector<16xi32>
        %lt3A_544 = arith.cmpi ult, %sub3A_538, %lt3A_543 : vector<16xi32>
        %or3A_545 = arith.ori %lt3A_541, %lt3A_544 : vector<16xi1>
        %add3A_546 = arith.constant 4400 : i32
        %add3A_547 = vector.broadcast %add3A_546 : i32 to vector<16xi32>
        %add3A_548 = arith.addi %sub3A_538, %add3A_547 : vector<16xi32>
        %select_n3A_549 = arith.select %lt3A_541, %sub3A_536, %add3A_548 : vector<16xi1>, vector<16xi32>
        %jit3A_550 = arith.constant 0 : i32
        %broadcast_in_dim3A_551 = vector.broadcast %jit3A_550 : i32 to vector<16xi32>
        %select_n3A_552 = arith.select %or3A_545, %select_n3A_549, %broadcast_in_dim3A_551 : vector<16xi1>, vector<16xi32>
        %mul3A_553 = arith.constant 6000 : i32
        %mul3A_554 = arith.muli %mul3A_241, %mul3A_553 : i32
        %mul3A_555 = arith.constant 15 : i32
        %mul3A_556 = arith.muli %scan3A_270, %mul3A_555 : i32
        %add3A_557 = arith.constant 5 : i32
        %add3A_558 = arith.addi %mul3A_556, %add3A_557 : i32
        %mul3A_559 = arith.constant 16 : i32
        %mul3A_560 = arith.muli %add3A_558, %mul3A_559 : i32
        %add3A_561 = arith.addi %mul3A_554, %mul3A_560 : i32
        %add3A_562 = vector.broadcast %add3A_561 : i32 to vector<16xi32>
        %add3A_563 = arith.addi %add3A_562, %iota3A : vector<16xi32>
        tpu.vector_store_idx %arg5[%select_n3A_552], %add3A_563 masked %or3A_545 : memref<8800xi32, #tpu.memory_space<vmem>>[vector<16xi32>], vector<16xi32>, vector<16xi1>
        %sub3A_564 = vector.broadcast %add3A_24 : i32 to vector<16xi32>
        %sub3A_565 = arith.subi %get3A_326, %sub3A_564 : vector<16xi32>
        %sub3A_566 = vector.broadcast %add3A_26 : i32 to vector<16xi32>
        %sub3A_567 = arith.subi %get3A_326, %sub3A_566 : vector<16xi32>
        %lt3A_568 = arith.constant 4400 : i32
        %lt3A_569 = vector.broadcast %lt3A_568 : i32 to vector<16xi32>
        %lt3A_570 = arith.cmpi ult, %sub3A_565, %lt3A_569 : vector<16xi32>
        %lt3A_571 = arith.constant 4400 : i32
        %lt3A_572 = vector.broadcast %lt3A_571 : i32 to vector<16xi32>
        %lt3A_573 = arith.cmpi ult, %sub3A_567, %lt3A_572 : vector<16xi32>
        %or3A_574 = arith.ori %lt3A_570, %lt3A_573 : vector<16xi1>
        %add3A_575 = arith.constant 4400 : i32
        %add3A_576 = vector.broadcast %add3A_575 : i32 to vector<16xi32>
        %add3A_577 = arith.addi %sub3A_567, %add3A_576 : vector<16xi32>
        %select_n3A_578 = arith.select %lt3A_570, %sub3A_565, %add3A_577 : vector<16xi1>, vector<16xi32>
        %jit3A_579 = arith.constant 0 : i32
        %broadcast_in_dim3A_580 = vector.broadcast %jit3A_579 : i32 to vector<16xi32>
        %select_n3A_581 = arith.select %or3A_574, %select_n3A_578, %broadcast_in_dim3A_580 : vector<16xi1>, vector<16xi32>
        %mul3A_582 = arith.constant 6000 : i32
        %mul3A_583 = arith.muli %mul3A_241, %mul3A_582 : i32
        %mul3A_584 = arith.constant 15 : i32
        %mul3A_585 = arith.muli %scan3A_270, %mul3A_584 : i32
        %add3A_586 = arith.constant 6 : i32
        %add3A_587 = arith.addi %mul3A_585, %add3A_586 : i32
        %mul3A_588 = arith.constant 16 : i32
        %mul3A_589 = arith.muli %add3A_587, %mul3A_588 : i32
        %add3A_590 = arith.addi %mul3A_583, %mul3A_589 : i32
        %add3A_591 = vector.broadcast %add3A_590 : i32 to vector<16xi32>
        %add3A_592 = arith.addi %add3A_591, %iota3A : vector<16xi32>
        tpu.vector_store_idx %arg5[%select_n3A_581], %add3A_592 masked %or3A_574 : memref<8800xi32, #tpu.memory_space<vmem>>[vector<16xi32>], vector<16xi32>, vector<16xi1>
        %sub3A_593 = vector.broadcast %add3A_24 : i32 to vector<16xi32>
        %sub3A_594 = arith.subi %get3A_334, %sub3A_593 : vector<16xi32>
        %sub3A_595 = vector.broadcast %add3A_26 : i32 to vector<16xi32>
        %sub3A_596 = arith.subi %get3A_334, %sub3A_595 : vector<16xi32>
        %lt3A_597 = arith.constant 4400 : i32
        %lt3A_598 = vector.broadcast %lt3A_597 : i32 to vector<16xi32>
        %lt3A_599 = arith.cmpi ult, %sub3A_594, %lt3A_598 : vector<16xi32>
        %lt3A_600 = arith.constant 4400 : i32
        %lt3A_601 = vector.broadcast %lt3A_600 : i32 to vector<16xi32>
        %lt3A_602 = arith.cmpi ult, %sub3A_596, %lt3A_601 : vector<16xi32>
        %or3A_603 = arith.ori %lt3A_599, %lt3A_602 : vector<16xi1>
        %add3A_604 = arith.constant 4400 : i32
        %add3A_605 = vector.broadcast %add3A_604 : i32 to vector<16xi32>
        %add3A_606 = arith.addi %sub3A_596, %add3A_605 : vector<16xi32>
        %select_n3A_607 = arith.select %lt3A_599, %sub3A_594, %add3A_606 : vector<16xi1>, vector<16xi32>
        %jit3A_608 = arith.constant 0 : i32
        %broadcast_in_dim3A_609 = vector.broadcast %jit3A_608 : i32 to vector<16xi32>
        %select_n3A_610 = arith.select %or3A_603, %select_n3A_607, %broadcast_in_dim3A_609 : vector<16xi1>, vector<16xi32>
        %mul3A_611 = arith.constant 6000 : i32
        %mul3A_612 = arith.muli %mul3A_241, %mul3A_611 : i32
        %mul3A_613 = arith.constant 15 : i32
        %mul3A_614 = arith.muli %scan3A_270, %mul3A_613 : i32
        %add3A_615 = arith.constant 7 : i32
        %add3A_616 = arith.addi %mul3A_614, %add3A_615 : i32
        %mul3A_617 = arith.constant 16 : i32
        %mul3A_618 = arith.muli %add3A_616, %mul3A_617 : i32
        %add3A_619 = arith.addi %mul3A_612, %mul3A_618 : i32
        %add3A_620 = vector.broadcast %add3A_619 : i32 to vector<16xi32>
        %add3A_621 = arith.addi %add3A_620, %iota3A : vector<16xi32>
        tpu.vector_store_idx %arg5[%select_n3A_610], %add3A_621 masked %or3A_603 : memref<8800xi32, #tpu.memory_space<vmem>>[vector<16xi32>], vector<16xi32>, vector<16xi1>
        %sub3A_622 = vector.broadcast %add3A_24 : i32 to vector<16xi32>
        %sub3A_623 = arith.subi %get3A_342, %sub3A_622 : vector<16xi32>
        %sub3A_624 = vector.broadcast %add3A_26 : i32 to vector<16xi32>
        %sub3A_625 = arith.subi %get3A_342, %sub3A_624 : vector<16xi32>
        %lt3A_626 = arith.constant 4400 : i32
        %lt3A_627 = vector.broadcast %lt3A_626 : i32 to vector<16xi32>
        %lt3A_628 = arith.cmpi ult, %sub3A_623, %lt3A_627 : vector<16xi32>
        %lt3A_629 = arith.constant 4400 : i32
        %lt3A_630 = vector.broadcast %lt3A_629 : i32 to vector<16xi32>
        %lt3A_631 = arith.cmpi ult, %sub3A_625, %lt3A_630 : vector<16xi32>
        %or3A_632 = arith.ori %lt3A_628, %lt3A_631 : vector<16xi1>
        %add3A_633 = arith.constant 4400 : i32
        %add3A_634 = vector.broadcast %add3A_633 : i32 to vector<16xi32>
        %add3A_635 = arith.addi %sub3A_625, %add3A_634 : vector<16xi32>
        %select_n3A_636 = arith.select %lt3A_628, %sub3A_623, %add3A_635 : vector<16xi1>, vector<16xi32>
        %jit3A_637 = arith.constant 0 : i32
        %broadcast_in_dim3A_638 = vector.broadcast %jit3A_637 : i32 to vector<16xi32>
        %select_n3A_639 = arith.select %or3A_632, %select_n3A_636, %broadcast_in_dim3A_638 : vector<16xi1>, vector<16xi32>
        %mul3A_640 = arith.constant 6000 : i32
        %mul3A_641 = arith.muli %mul3A_241, %mul3A_640 : i32
        %mul3A_642 = arith.constant 15 : i32
        %mul3A_643 = arith.muli %scan3A_270, %mul3A_642 : i32
        %add3A_644 = arith.constant 8 : i32
        %add3A_645 = arith.addi %mul3A_643, %add3A_644 : i32
        %mul3A_646 = arith.constant 16 : i32
        %mul3A_647 = arith.muli %add3A_645, %mul3A_646 : i32
        %add3A_648 = arith.addi %mul3A_641, %mul3A_647 : i32
        %add3A_649 = vector.broadcast %add3A_648 : i32 to vector<16xi32>
        %add3A_650 = arith.addi %add3A_649, %iota3A : vector<16xi32>
        tpu.vector_store_idx %arg5[%select_n3A_639], %add3A_650 masked %or3A_632 : memref<8800xi32, #tpu.memory_space<vmem>>[vector<16xi32>], vector<16xi32>, vector<16xi1>
        %sub3A_651 = vector.broadcast %add3A_24 : i32 to vector<16xi32>
        %sub3A_652 = arith.subi %get3A_350, %sub3A_651 : vector<16xi32>
        %sub3A_653 = vector.broadcast %add3A_26 : i32 to vector<16xi32>
        %sub3A_654 = arith.subi %get3A_350, %sub3A_653 : vector<16xi32>
        %lt3A_655 = arith.constant 4400 : i32
        %lt3A_656 = vector.broadcast %lt3A_655 : i32 to vector<16xi32>
        %lt3A_657 = arith.cmpi ult, %sub3A_652, %lt3A_656 : vector<16xi32>
        %lt3A_658 = arith.constant 4400 : i32
        %lt3A_659 = vector.broadcast %lt3A_658 : i32 to vector<16xi32>
        %lt3A_660 = arith.cmpi ult, %sub3A_654, %lt3A_659 : vector<16xi32>
        %or3A_661 = arith.ori %lt3A_657, %lt3A_660 : vector<16xi1>
        %add3A_662 = arith.constant 4400 : i32
        %add3A_663 = vector.broadcast %add3A_662 : i32 to vector<16xi32>
        %add3A_664 = arith.addi %sub3A_654, %add3A_663 : vector<16xi32>
        %select_n3A_665 = arith.select %lt3A_657, %sub3A_652, %add3A_664 : vector<16xi1>, vector<16xi32>
        %jit3A_666 = arith.constant 0 : i32
        %broadcast_in_dim3A_667 = vector.broadcast %jit3A_666 : i32 to vector<16xi32>
        %select_n3A_668 = arith.select %or3A_661, %select_n3A_665, %broadcast_in_dim3A_667 : vector<16xi1>, vector<16xi32>
        %mul3A_669 = arith.constant 6000 : i32
        %mul3A_670 = arith.muli %mul3A_241, %mul3A_669 : i32
        %mul3A_671 = arith.constant 15 : i32
        %mul3A_672 = arith.muli %scan3A_270, %mul3A_671 : i32
        %add3A_673 = arith.constant 9 : i32
        %add3A_674 = arith.addi %mul3A_672, %add3A_673 : i32
        %mul3A_675 = arith.constant 16 : i32
        %mul3A_676 = arith.muli %add3A_674, %mul3A_675 : i32
        %add3A_677 = arith.addi %mul3A_670, %mul3A_676 : i32
        %add3A_678 = vector.broadcast %add3A_677 : i32 to vector<16xi32>
        %add3A_679 = arith.addi %add3A_678, %iota3A : vector<16xi32>
        tpu.vector_store_idx %arg5[%select_n3A_668], %add3A_679 masked %or3A_661 : memref<8800xi32, #tpu.memory_space<vmem>>[vector<16xi32>], vector<16xi32>, vector<16xi1>
        %sub3A_680 = vector.broadcast %add3A_24 : i32 to vector<16xi32>
        %sub3A_681 = arith.subi %get3A_358, %sub3A_680 : vector<16xi32>
        %sub3A_682 = vector.broadcast %add3A_26 : i32 to vector<16xi32>
        %sub3A_683 = arith.subi %get3A_358, %sub3A_682 : vector<16xi32>
        %lt3A_684 = arith.constant 4400 : i32
        %lt3A_685 = vector.broadcast %lt3A_684 : i32 to vector<16xi32>
        %lt3A_686 = arith.cmpi ult, %sub3A_681, %lt3A_685 : vector<16xi32>
        %lt3A_687 = arith.constant 4400 : i32
        %lt3A_688 = vector.broadcast %lt3A_687 : i32 to vector<16xi32>
        %lt3A_689 = arith.cmpi ult, %sub3A_683, %lt3A_688 : vector<16xi32>
        %or3A_690 = arith.ori %lt3A_686, %lt3A_689 : vector<16xi1>
        %add3A_691 = arith.constant 4400 : i32
        %add3A_692 = vector.broadcast %add3A_691 : i32 to vector<16xi32>
        %add3A_693 = arith.addi %sub3A_683, %add3A_692 : vector<16xi32>
        %select_n3A_694 = arith.select %lt3A_686, %sub3A_681, %add3A_693 : vector<16xi1>, vector<16xi32>
        %jit3A_695 = arith.constant 0 : i32
        %broadcast_in_dim3A_696 = vector.broadcast %jit3A_695 : i32 to vector<16xi32>
        %select_n3A_697 = arith.select %or3A_690, %select_n3A_694, %broadcast_in_dim3A_696 : vector<16xi1>, vector<16xi32>
        %mul3A_698 = arith.constant 6000 : i32
        %mul3A_699 = arith.muli %mul3A_241, %mul3A_698 : i32
        %mul3A_700 = arith.constant 15 : i32
        %mul3A_701 = arith.muli %scan3A_270, %mul3A_700 : i32
        %add3A_702 = arith.constant 10 : i32
        %add3A_703 = arith.addi %mul3A_701, %add3A_702 : i32
        %mul3A_704 = arith.constant 16 : i32
        %mul3A_705 = arith.muli %add3A_703, %mul3A_704 : i32
        %add3A_706 = arith.addi %mul3A_699, %mul3A_705 : i32
        %add3A_707 = vector.broadcast %add3A_706 : i32 to vector<16xi32>
        %add3A_708 = arith.addi %add3A_707, %iota3A : vector<16xi32>
        tpu.vector_store_idx %arg5[%select_n3A_697], %add3A_708 masked %or3A_690 : memref<8800xi32, #tpu.memory_space<vmem>>[vector<16xi32>], vector<16xi32>, vector<16xi1>
        %sub3A_709 = vector.broadcast %add3A_24 : i32 to vector<16xi32>
        %sub3A_710 = arith.subi %get3A_366, %sub3A_709 : vector<16xi32>
        %sub3A_711 = vector.broadcast %add3A_26 : i32 to vector<16xi32>
        %sub3A_712 = arith.subi %get3A_366, %sub3A_711 : vector<16xi32>
        %lt3A_713 = arith.constant 4400 : i32
        %lt3A_714 = vector.broadcast %lt3A_713 : i32 to vector<16xi32>
        %lt3A_715 = arith.cmpi ult, %sub3A_710, %lt3A_714 : vector<16xi32>
        %lt3A_716 = arith.constant 4400 : i32
        %lt3A_717 = vector.broadcast %lt3A_716 : i32 to vector<16xi32>
        %lt3A_718 = arith.cmpi ult, %sub3A_712, %lt3A_717 : vector<16xi32>
        %or3A_719 = arith.ori %lt3A_715, %lt3A_718 : vector<16xi1>
        %add3A_720 = arith.constant 4400 : i32
        %add3A_721 = vector.broadcast %add3A_720 : i32 to vector<16xi32>
        %add3A_722 = arith.addi %sub3A_712, %add3A_721 : vector<16xi32>
        %select_n3A_723 = arith.select %lt3A_715, %sub3A_710, %add3A_722 : vector<16xi1>, vector<16xi32>
        %jit3A_724 = arith.constant 0 : i32
        %broadcast_in_dim3A_725 = vector.broadcast %jit3A_724 : i32 to vector<16xi32>
        %select_n3A_726 = arith.select %or3A_719, %select_n3A_723, %broadcast_in_dim3A_725 : vector<16xi1>, vector<16xi32>
        %mul3A_727 = arith.constant 6000 : i32
        %mul3A_728 = arith.muli %mul3A_241, %mul3A_727 : i32
        %mul3A_729 = arith.constant 15 : i32
        %mul3A_730 = arith.muli %scan3A_270, %mul3A_729 : i32
        %add3A_731 = arith.constant 11 : i32
        %add3A_732 = arith.addi %mul3A_730, %add3A_731 : i32
        %mul3A_733 = arith.constant 16 : i32
        %mul3A_734 = arith.muli %add3A_732, %mul3A_733 : i32
        %add3A_735 = arith.addi %mul3A_728, %mul3A_734 : i32
        %add3A_736 = vector.broadcast %add3A_735 : i32 to vector<16xi32>
        %add3A_737 = arith.addi %add3A_736, %iota3A : vector<16xi32>
        tpu.vector_store_idx %arg5[%select_n3A_726], %add3A_737 masked %or3A_719 : memref<8800xi32, #tpu.memory_space<vmem>>[vector<16xi32>], vector<16xi32>, vector<16xi1>
        %sub3A_738 = vector.broadcast %add3A_24 : i32 to vector<16xi32>
        %sub3A_739 = arith.subi %get3A_374, %sub3A_738 : vector<16xi32>
        %sub3A_740 = vector.broadcast %add3A_26 : i32 to vector<16xi32>
        %sub3A_741 = arith.subi %get3A_374, %sub3A_740 : vector<16xi32>
        %lt3A_742 = arith.constant 4400 : i32
        %lt3A_743 = vector.broadcast %lt3A_742 : i32 to vector<16xi32>
        %lt3A_744 = arith.cmpi ult, %sub3A_739, %lt3A_743 : vector<16xi32>
        %lt3A_745 = arith.constant 4400 : i32
        %lt3A_746 = vector.broadcast %lt3A_745 : i32 to vector<16xi32>
        %lt3A_747 = arith.cmpi ult, %sub3A_741, %lt3A_746 : vector<16xi32>
        %or3A_748 = arith.ori %lt3A_744, %lt3A_747 : vector<16xi1>
        %add3A_749 = arith.constant 4400 : i32
        %add3A_750 = vector.broadcast %add3A_749 : i32 to vector<16xi32>
        %add3A_751 = arith.addi %sub3A_741, %add3A_750 : vector<16xi32>
        %select_n3A_752 = arith.select %lt3A_744, %sub3A_739, %add3A_751 : vector<16xi1>, vector<16xi32>
        %jit3A_753 = arith.constant 0 : i32
        %broadcast_in_dim3A_754 = vector.broadcast %jit3A_753 : i32 to vector<16xi32>
        %select_n3A_755 = arith.select %or3A_748, %select_n3A_752, %broadcast_in_dim3A_754 : vector<16xi1>, vector<16xi32>
        %mul3A_756 = arith.constant 6000 : i32
        %mul3A_757 = arith.muli %mul3A_241, %mul3A_756 : i32
        %mul3A_758 = arith.constant 15 : i32
        %mul3A_759 = arith.muli %scan3A_270, %mul3A_758 : i32
        %add3A_760 = arith.constant 12 : i32
        %add3A_761 = arith.addi %mul3A_759, %add3A_760 : i32
        %mul3A_762 = arith.constant 16 : i32
        %mul3A_763 = arith.muli %add3A_761, %mul3A_762 : i32
        %add3A_764 = arith.addi %mul3A_757, %mul3A_763 : i32
        %add3A_765 = vector.broadcast %add3A_764 : i32 to vector<16xi32>
        %add3A_766 = arith.addi %add3A_765, %iota3A : vector<16xi32>
        tpu.vector_store_idx %arg5[%select_n3A_755], %add3A_766 masked %or3A_748 : memref<8800xi32, #tpu.memory_space<vmem>>[vector<16xi32>], vector<16xi32>, vector<16xi1>
        %sub3A_767 = vector.broadcast %add3A_24 : i32 to vector<16xi32>
        %sub3A_768 = arith.subi %get3A_382, %sub3A_767 : vector<16xi32>
        %sub3A_769 = vector.broadcast %add3A_26 : i32 to vector<16xi32>
        %sub3A_770 = arith.subi %get3A_382, %sub3A_769 : vector<16xi32>
        %lt3A_771 = arith.constant 4400 : i32
        %lt3A_772 = vector.broadcast %lt3A_771 : i32 to vector<16xi32>
        %lt3A_773 = arith.cmpi ult, %sub3A_768, %lt3A_772 : vector<16xi32>
        %lt3A_774 = arith.constant 4400 : i32
        %lt3A_775 = vector.broadcast %lt3A_774 : i32 to vector<16xi32>
        %lt3A_776 = arith.cmpi ult, %sub3A_770, %lt3A_775 : vector<16xi32>
        %or3A_777 = arith.ori %lt3A_773, %lt3A_776 : vector<16xi1>
        %add3A_778 = arith.constant 4400 : i32
        %add3A_779 = vector.broadcast %add3A_778 : i32 to vector<16xi32>
        %add3A_780 = arith.addi %sub3A_770, %add3A_779 : vector<16xi32>
        %select_n3A_781 = arith.select %lt3A_773, %sub3A_768, %add3A_780 : vector<16xi1>, vector<16xi32>
        %jit3A_782 = arith.constant 0 : i32
        %broadcast_in_dim3A_783 = vector.broadcast %jit3A_782 : i32 to vector<16xi32>
        %select_n3A_784 = arith.select %or3A_777, %select_n3A_781, %broadcast_in_dim3A_783 : vector<16xi1>, vector<16xi32>
        %mul3A_785 = arith.constant 6000 : i32
        %mul3A_786 = arith.muli %mul3A_241, %mul3A_785 : i32
        %mul3A_787 = arith.constant 15 : i32
        %mul3A_788 = arith.muli %scan3A_270, %mul3A_787 : i32
        %add3A_789 = arith.constant 13 : i32
        %add3A_790 = arith.addi %mul3A_788, %add3A_789 : i32
        %mul3A_791 = arith.constant 16 : i32
        %mul3A_792 = arith.muli %add3A_790, %mul3A_791 : i32
        %add3A_793 = arith.addi %mul3A_786, %mul3A_792 : i32
        %add3A_794 = vector.broadcast %add3A_793 : i32 to vector<16xi32>
        %add3A_795 = arith.addi %add3A_794, %iota3A : vector<16xi32>
        tpu.vector_store_idx %arg5[%select_n3A_784], %add3A_795 masked %or3A_777 : memref<8800xi32, #tpu.memory_space<vmem>>[vector<16xi32>], vector<16xi32>, vector<16xi1>
        %sub3A_796 = vector.broadcast %add3A_24 : i32 to vector<16xi32>
        %sub3A_797 = arith.subi %get3A_390, %sub3A_796 : vector<16xi32>
        %sub3A_798 = vector.broadcast %add3A_26 : i32 to vector<16xi32>
        %sub3A_799 = arith.subi %get3A_390, %sub3A_798 : vector<16xi32>
        %lt3A_800 = arith.constant 4400 : i32
        %lt3A_801 = vector.broadcast %lt3A_800 : i32 to vector<16xi32>
        %lt3A_802 = arith.cmpi ult, %sub3A_797, %lt3A_801 : vector<16xi32>
        %lt3A_803 = arith.constant 4400 : i32
        %lt3A_804 = vector.broadcast %lt3A_803 : i32 to vector<16xi32>
        %lt3A_805 = arith.cmpi ult, %sub3A_799, %lt3A_804 : vector<16xi32>
        %or3A_806 = arith.ori %lt3A_802, %lt3A_805 : vector<16xi1>
        %add3A_807 = arith.constant 4400 : i32
        %add3A_808 = vector.broadcast %add3A_807 : i32 to vector<16xi32>
        %add3A_809 = arith.addi %sub3A_799, %add3A_808 : vector<16xi32>
        %select_n3A_810 = arith.select %lt3A_802, %sub3A_797, %add3A_809 : vector<16xi1>, vector<16xi32>
        %jit3A_811 = arith.constant 0 : i32
        %broadcast_in_dim3A_812 = vector.broadcast %jit3A_811 : i32 to vector<16xi32>
        %select_n3A_813 = arith.select %or3A_806, %select_n3A_810, %broadcast_in_dim3A_812 : vector<16xi1>, vector<16xi32>
        %mul3A_814 = arith.constant 6000 : i32
        %mul3A_815 = arith.muli %mul3A_241, %mul3A_814 : i32
        %mul3A_816 = arith.constant 15 : i32
        %mul3A_817 = arith.muli %scan3A_270, %mul3A_816 : i32
        %add3A_818 = arith.constant 14 : i32
        %add3A_819 = arith.addi %mul3A_817, %add3A_818 : i32
        %mul3A_820 = arith.constant 16 : i32
        %mul3A_821 = arith.muli %add3A_819, %mul3A_820 : i32
        %add3A_822 = arith.addi %mul3A_815, %mul3A_821 : i32
        %add3A_823 = vector.broadcast %add3A_822 : i32 to vector<16xi32>
        %add3A_824 = arith.addi %add3A_823, %iota3A : vector<16xi32>
        tpu.vector_store_idx %arg5[%select_n3A_813], %add3A_824 masked %or3A_806 : memref<8800xi32, #tpu.memory_space<vmem>>[vector<16xi32>], vector<16xi32>, vector<16xi1>
        %scan3A_825 = arith.constant 0 : i32
        scf.yield %scan3A_825 : i32
      }
      %scan3A_256 = arith.constant 25 : i32
      %add3A_257 = arith.constant 2 : i32
      %add3A_258 = arith.addi %mul3A_241, %add3A_257 : i32
      %lt3A_259 = arith.constant 25 : i32
      %lt3A_260 = arith.cmpi slt, %add3A_258, %lt3A_259 : i32
      %convert_element_type3A_261 = arith.extui %lt3A_260 : i1 to i32
      %cond3A_262 = arith.constant 0 : i32
      %cond3A_263 = arith.cmpi ne, %convert_element_type3A_261, %cond3A_262 : i32
      scf.if %cond3A_263 {
        %add3A_270 = arith.constant 2 : i32
        %add3A_271 = arith.addi %mul3A_241, %add3A_270 : i32
        %mul3A_272 = arith.constant 6000 : i32
        %mul3A_273 = arith.muli %add3A_271, %mul3A_272 : i32
        %dma_start3A_274 = tpu.memref_slice %arg3[%mul3A_273] : memref<150000xi32, #tpu.memory_space<hbm>> -> memref<6000xi32, #tpu.memory_space<hbm>>
        %dma_start3A_275 = tpu.memref_slice %arg3[%mul3A_273] : memref<150000xi32, #tpu.memory_space<hbm>> -> memref<6000xi32, #tpu.memory_space<hbm>>
        tpu.enqueue_dma source(%dma_start3A_275 : memref<6000xi32, #tpu.memory_space<hbm>>) target(%arg6 : memref<6000xi32, #tpu.memory_space<vmem>>) target_semaphore(%arg12 : memref<!tpu.dma_semaphore, #tpu.memory_space<semaphore_mem>>)
      } else {
      }
      %lt3A_264 = arith.constant 25 : i32
      %lt3A_265 = arith.cmpi slt, %add3A_243, %lt3A_264 : i32
      %convert_element_type3A_266 = arith.extui %lt3A_265 : i1 to i32
      %cond3A_267 = arith.constant 0 : i32
      %cond3A_268 = arith.cmpi ne, %convert_element_type3A_266, %cond3A_267 : i32
      scf.if %cond3A_268 {
        %mul3A_270 = arith.constant 6000 : i32
        %mul3A_271 = arith.muli %add3A_243, %mul3A_270 : i32
        %dma_wait3A_272 = tpu.memref_slice %arg3[%mul3A_271] : memref<150000xi32, #tpu.memory_space<hbm>> -> memref<6000xi32, #tpu.memory_space<hbm>>
        %dma_wait3A_273 = tpu.memref_slice %arg3[%mul3A_271] : memref<150000xi32, #tpu.memory_space<hbm>> -> memref<6000xi32, #tpu.memory_space<hbm>>
        tpu.wait_dma2 semaphore(%arg13 : memref<!tpu.dma_semaphore, #tpu.memory_space<semaphore_mem>>) src(%dma_wait3A_273 : memref<6000xi32, #tpu.memory_space<hbm>>) dst(%arg7 : memref<6000xi32, #tpu.memory_space<vmem>>)
        %scan3A_274 = arith.constant 0 : i32
        %scan3A_275 = arith.constant 0 : i32
        %scan3A_276 = arith.constant 25 : i32
        %scan3A_277 = arith.addi %scan3A_275, %scan3A_276 : i32
        %scan3A_278 = arith.constant 1 : i32
        %scan3A_279 = scf.for %scan3A_281 = %scan3A_275 to %scan3A_277 step %scan3A_278 iter_args(%scan3A_282 = %scan3A_274) -> (i32)  : i32 {
          %mul3A_283 = arith.constant 15 : i32
          %mul3A_284 = arith.muli %scan3A_281, %mul3A_283 : i32
          %add3A_285 = arith.constant 0 : i32
          %add3A_286 = arith.addi %mul3A_284, %add3A_285 : i32
          %mul3A_287 = arith.constant 16 : i32
          %mul3A_288 = arith.muli %add3A_286, %mul3A_287 : i32
          %get3A = arith.index_cast %mul3A_288 : i32 to index
          %get3A_289 = tpu.vector_load %arg7[%get3A] {strides = array<i32>} : memref<6000xi32, #tpu.memory_space<vmem>>, vector<16xi32>,
          %mul3A_290 = arith.constant 15 : i32
          %mul3A_291 = arith.muli %scan3A_281, %mul3A_290 : i32
          %add3A_292 = arith.constant 1 : i32
          %add3A_293 = arith.addi %mul3A_291, %add3A_292 : i32
          %mul3A_294 = arith.constant 16 : i32
          %mul3A_295 = arith.muli %add3A_293, %mul3A_294 : i32
          %get3A_296 = arith.index_cast %mul3A_295 : i32 to index
          %get3A_297 = tpu.vector_load %arg7[%get3A_296] {strides = array<i32>} : memref<6000xi32, #tpu.memory_space<vmem>>, vector<16xi32>,
          %mul3A_298 = arith.constant 15 : i32
          %mul3A_299 = arith.muli %scan3A_281, %mul3A_298 : i32
          %add3A_300 = arith.constant 2 : i32
          %add3A_301 = arith.addi %mul3A_299, %add3A_300 : i32
          %mul3A_302 = arith.constant 16 : i32
          %mul3A_303 = arith.muli %add3A_301, %mul3A_302 : i32
          %get3A_304 = arith.index_cast %mul3A_303 : i32 to index
          %get3A_305 = tpu.vector_load %arg7[%get3A_304] {strides = array<i32>} : memref<6000xi32, #tpu.memory_space<vmem>>, vector<16xi32>,
          %mul3A_306 = arith.constant 15 : i32
          %mul3A_307 = arith.muli %scan3A_281, %mul3A_306 : i32
          %add3A_308 = arith.constant 3 : i32
          %add3A_309 = arith.addi %mul3A_307, %add3A_308 : i32
          %mul3A_310 = arith.constant 16 : i32
          %mul3A_311 = arith.muli %add3A_309, %mul3A_310 : i32
          %get3A_312 = arith.index_cast %mul3A_311 : i32 to index
          %get3A_313 = tpu.vector_load %arg7[%get3A_312] {strides = array<i32>} : memref<6000xi32, #tpu.memory_space<vmem>>, vector<16xi32>,
          %mul3A_314 = arith.constant 15 : i32
          %mul3A_315 = arith.muli %scan3A_281, %mul3A_314 : i32
          %add3A_316 = arith.constant 4 : i32
          %add3A_317 = arith.addi %mul3A_315, %add3A_316 : i32
          %mul3A_318 = arith.constant 16 : i32
          %mul3A_319 = arith.muli %add3A_317, %mul3A_318 : i32
          %get3A_320 = arith.index_cast %mul3A_319 : i32 to index
          %get3A_321 = tpu.vector_load %arg7[%get3A_320] {strides = array<i32>} : memref<6000xi32, #tpu.memory_space<vmem>>, vector<16xi32>,
          %mul3A_322 = arith.constant 15 : i32
          %mul3A_323 = arith.muli %scan3A_281, %mul3A_322 : i32
          %add3A_324 = arith.constant 5 : i32
          %add3A_325 = arith.addi %mul3A_323, %add3A_324 : i32
          %mul3A_326 = arith.constant 16 : i32
          %mul3A_327 = arith.muli %add3A_325, %mul3A_326 : i32
          %get3A_328 = arith.index_cast %mul3A_327 : i32 to index
          %get3A_329 = tpu.vector_load %arg7[%get3A_328] {strides = array<i32>} : memref<6000xi32, #tpu.memory_space<vmem>>, vector<16xi32>,
          %mul3A_330 = arith.constant 15 : i32
          %mul3A_331 = arith.muli %scan3A_281, %mul3A_330 : i32
          %add3A_332 = arith.constant 6 : i32
          %add3A_333 = arith.addi %mul3A_331, %add3A_332 : i32
          %mul3A_334 = arith.constant 16 : i32
          %mul3A_335 = arith.muli %add3A_333, %mul3A_334 : i32
          %get3A_336 = arith.index_cast %mul3A_335 : i32 to index
          %get3A_337 = tpu.vector_load %arg7[%get3A_336] {strides = array<i32>} : memref<6000xi32, #tpu.memory_space<vmem>>, vector<16xi32>,
          %mul3A_338 = arith.constant 15 : i32
          %mul3A_339 = arith.muli %scan3A_281, %mul3A_338 : i32
          %add3A_340 = arith.constant 7 : i32
          %add3A_341 = arith.addi %mul3A_339, %add3A_340 : i32
          %mul3A_342 = arith.constant 16 : i32
          %mul3A_343 = arith.muli %add3A_341, %mul3A_342 : i32
          %get3A_344 = arith.index_cast %mul3A_343 : i32 to index
          %get3A_345 = tpu.vector_load %arg7[%get3A_344] {strides = array<i32>} : memref<6000xi32, #tpu.memory_space<vmem>>, vector<16xi32>,
          %mul3A_346 = arith.constant 15 : i32
          %mul3A_347 = arith.muli %scan3A_281, %mul3A_346 : i32
          %add3A_348 = arith.constant 8 : i32
          %add3A_349 = arith.addi %mul3A_347, %add3A_348 : i32
          %mul3A_350 = arith.constant 16 : i32
          %mul3A_351 = arith.muli %add3A_349, %mul3A_350 : i32
          %get3A_352 = arith.index_cast %mul3A_351 : i32 to index
          %get3A_353 = tpu.vector_load %arg7[%get3A_352] {strides = array<i32>} : memref<6000xi32, #tpu.memory_space<vmem>>, vector<16xi32>,
          %mul3A_354 = arith.constant 15 : i32
          %mul3A_355 = arith.muli %scan3A_281, %mul3A_354 : i32
          %add3A_356 = arith.constant 9 : i32
          %add3A_357 = arith.addi %mul3A_355, %add3A_356 : i32
          %mul3A_358 = arith.constant 16 : i32
          %mul3A_359 = arith.muli %add3A_357, %mul3A_358 : i32
          %get3A_360 = arith.index_cast %mul3A_359 : i32 to index
          %get3A_361 = tpu.vector_load %arg7[%get3A_360] {strides = array<i32>} : memref<6000xi32, #tpu.memory_space<vmem>>, vector<16xi32>,
          %mul3A_362 = arith.constant 15 : i32
          %mul3A_363 = arith.muli %scan3A_281, %mul3A_362 : i32
          %add3A_364 = arith.constant 10 : i32
          %add3A_365 = arith.addi %mul3A_363, %add3A_364 : i32
          %mul3A_366 = arith.constant 16 : i32
          %mul3A_367 = arith.muli %add3A_365, %mul3A_366 : i32
          %get3A_368 = arith.index_cast %mul3A_367 : i32 to index
          %get3A_369 = tpu.vector_load %arg7[%get3A_368] {strides = array<i32>} : memref<6000xi32, #tpu.memory_space<vmem>>, vector<16xi32>,
          %mul3A_370 = arith.constant 15 : i32
          %mul3A_371 = arith.muli %scan3A_281, %mul3A_370 : i32
          %add3A_372 = arith.constant 11 : i32
          %add3A_373 = arith.addi %mul3A_371, %add3A_372 : i32
          %mul3A_374 = arith.constant 16 : i32
          %mul3A_375 = arith.muli %add3A_373, %mul3A_374 : i32
          %get3A_376 = arith.index_cast %mul3A_375 : i32 to index
          %get3A_377 = tpu.vector_load %arg7[%get3A_376] {strides = array<i32>} : memref<6000xi32, #tpu.memory_space<vmem>>, vector<16xi32>,
          %mul3A_378 = arith.constant 15 : i32
          %mul3A_379 = arith.muli %scan3A_281, %mul3A_378 : i32
          %add3A_380 = arith.constant 12 : i32
          %add3A_381 = arith.addi %mul3A_379, %add3A_380 : i32
          %mul3A_382 = arith.constant 16 : i32
          %mul3A_383 = arith.muli %add3A_381, %mul3A_382 : i32
          %get3A_384 = arith.index_cast %mul3A_383 : i32 to index
          %get3A_385 = tpu.vector_load %arg7[%get3A_384] {strides = array<i32>} : memref<6000xi32, #tpu.memory_space<vmem>>, vector<16xi32>,
          %mul3A_386 = arith.constant 15 : i32
          %mul3A_387 = arith.muli %scan3A_281, %mul3A_386 : i32
          %add3A_388 = arith.constant 13 : i32
          %add3A_389 = arith.addi %mul3A_387, %add3A_388 : i32
          %mul3A_390 = arith.constant 16 : i32
          %mul3A_391 = arith.muli %add3A_389, %mul3A_390 : i32
          %get3A_392 = arith.index_cast %mul3A_391 : i32 to index
          %get3A_393 = tpu.vector_load %arg7[%get3A_392] {strides = array<i32>} : memref<6000xi32, #tpu.memory_space<vmem>>, vector<16xi32>,
          %mul3A_394 = arith.constant 15 : i32
          %mul3A_395 = arith.muli %scan3A_281, %mul3A_394 : i32
          %add3A_396 = arith.constant 14 : i32
          %add3A_397 = arith.addi %mul3A_395, %add3A_396 : i32
          %mul3A_398 = arith.constant 16 : i32
          %mul3A_399 = arith.muli %add3A_397, %mul3A_398 : i32
          %get3A_400 = arith.index_cast %mul3A_399 : i32 to index
          %get3A_401 = tpu.vector_load %arg7[%get3A_400] {strides = array<i32>} : memref<6000xi32, #tpu.memory_space<vmem>>, vector<16xi32>,
          %sub3A_402 = vector.broadcast %add3A_24 : i32 to vector<16xi32>
          %sub3A_403 = arith.subi %get3A_289, %sub3A_402 : vector<16xi32>
          %sub3A_404 = vector.broadcast %add3A_26 : i32 to vector<16xi32>
          %sub3A_405 = arith.subi %get3A_289, %sub3A_404 : vector<16xi32>
          %lt3A_406 = arith.constant 4400 : i32
          %lt3A_407 = vector.broadcast %lt3A_406 : i32 to vector<16xi32>
          %lt3A_408 = arith.cmpi ult, %sub3A_403, %lt3A_407 : vector<16xi32>
          %lt3A_409 = arith.constant 4400 : i32
          %lt3A_410 = vector.broadcast %lt3A_409 : i32 to vector<16xi32>
          %lt3A_411 = arith.cmpi ult, %sub3A_405, %lt3A_410 : vector<16xi32>
          %or3A = arith.ori %lt3A_408, %lt3A_411 : vector<16xi1>
          %add3A_412 = arith.constant 4400 : i32
          %add3A_413 = vector.broadcast %add3A_412 : i32 to vector<16xi32>
          %add3A_414 = arith.addi %sub3A_405, %add3A_413 : vector<16xi32>
          %select_n3A_415 = arith.select %lt3A_408, %sub3A_403, %add3A_414 : vector<16xi1>, vector<16xi32>
          %jit3A_416 = arith.constant 0 : i32
          %broadcast_in_dim3A_417 = vector.broadcast %jit3A_416 : i32 to vector<16xi32>
          %select_n3A_418 = arith.select %or3A, %select_n3A_415, %broadcast_in_dim3A_417 : vector<16xi1>, vector<16xi32>
          %mul3A_419 = arith.constant 6000 : i32
          %mul3A_420 = arith.muli %add3A_243, %mul3A_419 : i32
          %mul3A_421 = arith.constant 15 : i32
          %mul3A_422 = arith.muli %scan3A_281, %mul3A_421 : i32
          %add3A_423 = arith.constant 0 : i32
          %add3A_424 = arith.addi %mul3A_422, %add3A_423 : i32
          %mul3A_425 = arith.constant 16 : i32
          %mul3A_426 = arith.muli %add3A_424, %mul3A_425 : i32
          %add3A_427 = arith.addi %mul3A_420, %mul3A_426 : i32
          %add3A_428 = vector.broadcast %add3A_427 : i32 to vector<16xi32>
          %add3A_429 = arith.addi %add3A_428, %iota3A : vector<16xi32>
          tpu.vector_store_idx %arg5[%select_n3A_418], %add3A_429 masked %or3A : memref<8800xi32, #tpu.memory_space<vmem>>[vector<16xi32>], vector<16xi32>, vector<16xi1>
          %sub3A_430 = vector.broadcast %add3A_24 : i32 to vector<16xi32>
          %sub3A_431 = arith.subi %get3A_297, %sub3A_430 : vector<16xi32>
          %sub3A_432 = vector.broadcast %add3A_26 : i32 to vector<16xi32>
          %sub3A_433 = arith.subi %get3A_297, %sub3A_432 : vector<16xi32>
          %lt3A_434 = arith.constant 4400 : i32
          %lt3A_435 = vector.broadcast %lt3A_434 : i32 to vector<16xi32>
          %lt3A_436 = arith.cmpi ult, %sub3A_431, %lt3A_435 : vector<16xi32>
          %lt3A_437 = arith.constant 4400 : i32
          %lt3A_438 = vector.broadcast %lt3A_437 : i32 to vector<16xi32>
          %lt3A_439 = arith.cmpi ult, %sub3A_433, %lt3A_438 : vector<16xi32>
          %or3A_440 = arith.ori %lt3A_436, %lt3A_439 : vector<16xi1>
          %add3A_441 = arith.constant 4400 : i32
          %add3A_442 = vector.broadcast %add3A_441 : i32 to vector<16xi32>
          %add3A_443 = arith.addi %sub3A_433, %add3A_442 : vector<16xi32>
          %select_n3A_444 = arith.select %lt3A_436, %sub3A_431, %add3A_443 : vector<16xi1>, vector<16xi32>
          %jit3A_445 = arith.constant 0 : i32
          %broadcast_in_dim3A_446 = vector.broadcast %jit3A_445 : i32 to vector<16xi32>
          %select_n3A_447 = arith.select %or3A_440, %select_n3A_444, %broadcast_in_dim3A_446 : vector<16xi1>, vector<16xi32>
          %mul3A_448 = arith.constant 6000 : i32
          %mul3A_449 = arith.muli %add3A_243, %mul3A_448 : i32
          %mul3A_450 = arith.constant 15 : i32
          %mul3A_451 = arith.muli %scan3A_281, %mul3A_450 : i32
          %add3A_452 = arith.constant 1 : i32
          %add3A_453 = arith.addi %mul3A_451, %add3A_452 : i32
          %mul3A_454 = arith.constant 16 : i32
          %mul3A_455 = arith.muli %add3A_453, %mul3A_454 : i32
          %add3A_456 = arith.addi %mul3A_449, %mul3A_455 : i32
          %add3A_457 = vector.broadcast %add3A_456 : i32 to vector<16xi32>
          %add3A_458 = arith.addi %add3A_457, %iota3A : vector<16xi32>
          tpu.vector_store_idx %arg5[%select_n3A_447], %add3A_458 masked %or3A_440 : memref<8800xi32, #tpu.memory_space<vmem>>[vector<16xi32>], vector<16xi32>, vector<16xi1>
          %sub3A_459 = vector.broadcast %add3A_24 : i32 to vector<16xi32>
          %sub3A_460 = arith.subi %get3A_305, %sub3A_459 : vector<16xi32>
          %sub3A_461 = vector.broadcast %add3A_26 : i32 to vector<16xi32>
          %sub3A_462 = arith.subi %get3A_305, %sub3A_461 : vector<16xi32>
          %lt3A_463 = arith.constant 4400 : i32
          %lt3A_464 = vector.broadcast %lt3A_463 : i32 to vector<16xi32>
          %lt3A_465 = arith.cmpi ult, %sub3A_460, %lt3A_464 : vector<16xi32>
          %lt3A_466 = arith.constant 4400 : i32
          %lt3A_467 = vector.broadcast %lt3A_466 : i32 to vector<16xi32>
          %lt3A_468 = arith.cmpi ult, %sub3A_462, %lt3A_467 : vector<16xi32>
          %or3A_469 = arith.ori %lt3A_465, %lt3A_468 : vector<16xi1>
          %add3A_470 = arith.constant 4400 : i32
          %add3A_471 = vector.broadcast %add3A_470 : i32 to vector<16xi32>
          %add3A_472 = arith.addi %sub3A_462, %add3A_471 : vector<16xi32>
          %select_n3A_473 = arith.select %lt3A_465, %sub3A_460, %add3A_472 : vector<16xi1>, vector<16xi32>
          %jit3A_474 = arith.constant 0 : i32
          %broadcast_in_dim3A_475 = vector.broadcast %jit3A_474 : i32 to vector<16xi32>
          %select_n3A_476 = arith.select %or3A_469, %select_n3A_473, %broadcast_in_dim3A_475 : vector<16xi1>, vector<16xi32>
          %mul3A_477 = arith.constant 6000 : i32
          %mul3A_478 = arith.muli %add3A_243, %mul3A_477 : i32
          %mul3A_479 = arith.constant 15 : i32
          %mul3A_480 = arith.muli %scan3A_281, %mul3A_479 : i32
          %add3A_481 = arith.constant 2 : i32
          %add3A_482 = arith.addi %mul3A_480, %add3A_481 : i32
          %mul3A_483 = arith.constant 16 : i32
          %mul3A_484 = arith.muli %add3A_482, %mul3A_483 : i32
          %add3A_485 = arith.addi %mul3A_478, %mul3A_484 : i32
          %add3A_486 = vector.broadcast %add3A_485 : i32 to vector<16xi32>
          %add3A_487 = arith.addi %add3A_486, %iota3A : vector<16xi32>
          tpu.vector_store_idx %arg5[%select_n3A_476], %add3A_487 masked %or3A_469 : memref<8800xi32, #tpu.memory_space<vmem>>[vector<16xi32>], vector<16xi32>, vector<16xi1>
          %sub3A_488 = vector.broadcast %add3A_24 : i32 to vector<16xi32>
          %sub3A_489 = arith.subi %get3A_313, %sub3A_488 : vector<16xi32>
          %sub3A_490 = vector.broadcast %add3A_26 : i32 to vector<16xi32>
          %sub3A_491 = arith.subi %get3A_313, %sub3A_490 : vector<16xi32>
          %lt3A_492 = arith.constant 4400 : i32
          %lt3A_493 = vector.broadcast %lt3A_492 : i32 to vector<16xi32>
          %lt3A_494 = arith.cmpi ult, %sub3A_489, %lt3A_493 : vector<16xi32>
          %lt3A_495 = arith.constant 4400 : i32
          %lt3A_496 = vector.broadcast %lt3A_495 : i32 to vector<16xi32>
          %lt3A_497 = arith.cmpi ult, %sub3A_491, %lt3A_496 : vector<16xi32>
          %or3A_498 = arith.ori %lt3A_494, %lt3A_497 : vector<16xi1>
          %add3A_499 = arith.constant 4400 : i32
          %add3A_500 = vector.broadcast %add3A_499 : i32 to vector<16xi32>
          %add3A_501 = arith.addi %sub3A_491, %add3A_500 : vector<16xi32>
          %select_n3A_502 = arith.select %lt3A_494, %sub3A_489, %add3A_501 : vector<16xi1>, vector<16xi32>
          %jit3A_503 = arith.constant 0 : i32
          %broadcast_in_dim3A_504 = vector.broadcast %jit3A_503 : i32 to vector<16xi32>
          %select_n3A_505 = arith.select %or3A_498, %select_n3A_502, %broadcast_in_dim3A_504 : vector<16xi1>, vector<16xi32>
          %mul3A_506 = arith.constant 6000 : i32
          %mul3A_507 = arith.muli %add3A_243, %mul3A_506 : i32
          %mul3A_508 = arith.constant 15 : i32
          %mul3A_509 = arith.muli %scan3A_281, %mul3A_508 : i32
          %add3A_510 = arith.constant 3 : i32
          %add3A_511 = arith.addi %mul3A_509, %add3A_510 : i32
          %mul3A_512 = arith.constant 16 : i32
          %mul3A_513 = arith.muli %add3A_511, %mul3A_512 : i32
          %add3A_514 = arith.addi %mul3A_507, %mul3A_513 : i32
          %add3A_515 = vector.broadcast %add3A_514 : i32 to vector<16xi32>
          %add3A_516 = arith.addi %add3A_515, %iota3A : vector<16xi32>
          tpu.vector_store_idx %arg5[%select_n3A_505], %add3A_516 masked %or3A_498 : memref<8800xi32, #tpu.memory_space<vmem>>[vector<16xi32>], vector<16xi32>, vector<16xi1>
          %sub3A_517 = vector.broadcast %add3A_24 : i32 to vector<16xi32>
          %sub3A_518 = arith.subi %get3A_321, %sub3A_517 : vector<16xi32>
          %sub3A_519 = vector.broadcast %add3A_26 : i32 to vector<16xi32>
          %sub3A_520 = arith.subi %get3A_321, %sub3A_519 : vector<16xi32>
          %lt3A_521 = arith.constant 4400 : i32
          %lt3A_522 = vector.broadcast %lt3A_521 : i32 to vector<16xi32>
          %lt3A_523 = arith.cmpi ult, %sub3A_518, %lt3A_522 : vector<16xi32>
          %lt3A_524 = arith.constant 4400 : i32
          %lt3A_525 = vector.broadcast %lt3A_524 : i32 to vector<16xi32>
          %lt3A_526 = arith.cmpi ult, %sub3A_520, %lt3A_525 : vector<16xi32>
          %or3A_527 = arith.ori %lt3A_523, %lt3A_526 : vector<16xi1>
          %add3A_528 = arith.constant 4400 : i32
          %add3A_529 = vector.broadcast %add3A_528 : i32 to vector<16xi32>
          %add3A_530 = arith.addi %sub3A_520, %add3A_529 : vector<16xi32>
          %select_n3A_531 = arith.select %lt3A_523, %sub3A_518, %add3A_530 : vector<16xi1>, vector<16xi32>
          %jit3A_532 = arith.constant 0 : i32
          %broadcast_in_dim3A_533 = vector.broadcast %jit3A_532 : i32 to vector<16xi32>
          %select_n3A_534 = arith.select %or3A_527, %select_n3A_531, %broadcast_in_dim3A_533 : vector<16xi1>, vector<16xi32>
          %mul3A_535 = arith.constant 6000 : i32
          %mul3A_536 = arith.muli %add3A_243, %mul3A_535 : i32
          %mul3A_537 = arith.constant 15 : i32
          %mul3A_538 = arith.muli %scan3A_281, %mul3A_537 : i32
          %add3A_539 = arith.constant 4 : i32
          %add3A_540 = arith.addi %mul3A_538, %add3A_539 : i32
          %mul3A_541 = arith.constant 16 : i32
          %mul3A_542 = arith.muli %add3A_540, %mul3A_541 : i32
          %add3A_543 = arith.addi %mul3A_536, %mul3A_542 : i32
          %add3A_544 = vector.broadcast %add3A_543 : i32 to vector<16xi32>
          %add3A_545 = arith.addi %add3A_544, %iota3A : vector<16xi32>
          tpu.vector_store_idx %arg5[%select_n3A_534], %add3A_545 masked %or3A_527 : memref<8800xi32, #tpu.memory_space<vmem>>[vector<16xi32>], vector<16xi32>, vector<16xi1>
          %sub3A_546 = vector.broadcast %add3A_24 : i32 to vector<16xi32>
          %sub3A_547 = arith.subi %get3A_329, %sub3A_546 : vector<16xi32>
          %sub3A_548 = vector.broadcast %add3A_26 : i32 to vector<16xi32>
          %sub3A_549 = arith.subi %get3A_329, %sub3A_548 : vector<16xi32>
          %lt3A_550 = arith.constant 4400 : i32
          %lt3A_551 = vector.broadcast %lt3A_550 : i32 to vector<16xi32>
          %lt3A_552 = arith.cmpi ult, %sub3A_547, %lt3A_551 : vector<16xi32>
          %lt3A_553 = arith.constant 4400 : i32
          %lt3A_554 = vector.broadcast %lt3A_553 : i32 to vector<16xi32>
          %lt3A_555 = arith.cmpi ult, %sub3A_549, %lt3A_554 : vector<16xi32>
          %or3A_556 = arith.ori %lt3A_552, %lt3A_555 : vector<16xi1>
          %add3A_557 = arith.constant 4400 : i32
          %add3A_558 = vector.broadcast %add3A_557 : i32 to vector<16xi32>
          %add3A_559 = arith.addi %sub3A_549, %add3A_558 : vector<16xi32>
          %select_n3A_560 = arith.select %lt3A_552, %sub3A_547, %add3A_559 : vector<16xi1>, vector<16xi32>
          %jit3A_561 = arith.constant 0 : i32
          %broadcast_in_dim3A_562 = vector.broadcast %jit3A_561 : i32 to vector<16xi32>
          %select_n3A_563 = arith.select %or3A_556, %select_n3A_560, %broadcast_in_dim3A_562 : vector<16xi1>, vector<16xi32>
          %mul3A_564 = arith.constant 6000 : i32
          %mul3A_565 = arith.muli %add3A_243, %mul3A_564 : i32
          %mul3A_566 = arith.constant 15 : i32
          %mul3A_567 = arith.muli %scan3A_281, %mul3A_566 : i32
          %add3A_568 = arith.constant 5 : i32
          %add3A_569 = arith.addi %mul3A_567, %add3A_568 : i32
          %mul3A_570 = arith.constant 16 : i32
          %mul3A_571 = arith.muli %add3A_569, %mul3A_570 : i32
          %add3A_572 = arith.addi %mul3A_565, %mul3A_571 : i32
          %add3A_573 = vector.broadcast %add3A_572 : i32 to vector<16xi32>
          %add3A_574 = arith.addi %add3A_573, %iota3A : vector<16xi32>
          tpu.vector_store_idx %arg5[%select_n3A_563], %add3A_574 masked %or3A_556 : memref<8800xi32, #tpu.memory_space<vmem>>[vector<16xi32>], vector<16xi32>, vector<16xi1>
          %sub3A_575 = vector.broadcast %add3A_24 : i32 to vector<16xi32>
          %sub3A_576 = arith.subi %get3A_337, %sub3A_575 : vector<16xi32>
          %sub3A_577 = vector.broadcast %add3A_26 : i32 to vector<16xi32>
          %sub3A_578 = arith.subi %get3A_337, %sub3A_577 : vector<16xi32>
          %lt3A_579 = arith.constant 4400 : i32
          %lt3A_580 = vector.broadcast %lt3A_579 : i32 to vector<16xi32>
          %lt3A_581 = arith.cmpi ult, %sub3A_576, %lt3A_580 : vector<16xi32>
          %lt3A_582 = arith.constant 4400 : i32
          %lt3A_583 = vector.broadcast %lt3A_582 : i32 to vector<16xi32>
          %lt3A_584 = arith.cmpi ult, %sub3A_578, %lt3A_583 : vector<16xi32>
          %or3A_585 = arith.ori %lt3A_581, %lt3A_584 : vector<16xi1>
          %add3A_586 = arith.constant 4400 : i32
          %add3A_587 = vector.broadcast %add3A_586 : i32 to vector<16xi32>
          %add3A_588 = arith.addi %sub3A_578, %add3A_587 : vector<16xi32>
          %select_n3A_589 = arith.select %lt3A_581, %sub3A_576, %add3A_588 : vector<16xi1>, vector<16xi32>
          %jit3A_590 = arith.constant 0 : i32
          %broadcast_in_dim3A_591 = vector.broadcast %jit3A_590 : i32 to vector<16xi32>
          %select_n3A_592 = arith.select %or3A_585, %select_n3A_589, %broadcast_in_dim3A_591 : vector<16xi1>, vector<16xi32>
          %mul3A_593 = arith.constant 6000 : i32
          %mul3A_594 = arith.muli %add3A_243, %mul3A_593 : i32
          %mul3A_595 = arith.constant 15 : i32
          %mul3A_596 = arith.muli %scan3A_281, %mul3A_595 : i32
          %add3A_597 = arith.constant 6 : i32
          %add3A_598 = arith.addi %mul3A_596, %add3A_597 : i32
          %mul3A_599 = arith.constant 16 : i32
          %mul3A_600 = arith.muli %add3A_598, %mul3A_599 : i32
          %add3A_601 = arith.addi %mul3A_594, %mul3A_600 : i32
          %add3A_602 = vector.broadcast %add3A_601 : i32 to vector<16xi32>
          %add3A_603 = arith.addi %add3A_602, %iota3A : vector<16xi32>
          tpu.vector_store_idx %arg5[%select_n3A_592], %add3A_603 masked %or3A_585 : memref<8800xi32, #tpu.memory_space<vmem>>[vector<16xi32>], vector<16xi32>, vector<16xi1>
          %sub3A_604 = vector.broadcast %add3A_24 : i32 to vector<16xi32>
          %sub3A_605 = arith.subi %get3A_345, %sub3A_604 : vector<16xi32>
          %sub3A_606 = vector.broadcast %add3A_26 : i32 to vector<16xi32>
          %sub3A_607 = arith.subi %get3A_345, %sub3A_606 : vector<16xi32>
          %lt3A_608 = arith.constant 4400 : i32
          %lt3A_609 = vector.broadcast %lt3A_608 : i32 to vector<16xi32>
          %lt3A_610 = arith.cmpi ult, %sub3A_605, %lt3A_609 : vector<16xi32>
          %lt3A_611 = arith.constant 4400 : i32
          %lt3A_612 = vector.broadcast %lt3A_611 : i32 to vector<16xi32>
          %lt3A_613 = arith.cmpi ult, %sub3A_607, %lt3A_612 : vector<16xi32>
          %or3A_614 = arith.ori %lt3A_610, %lt3A_613 : vector<16xi1>
          %add3A_615 = arith.constant 4400 : i32
          %add3A_616 = vector.broadcast %add3A_615 : i32 to vector<16xi32>
          %add3A_617 = arith.addi %sub3A_607, %add3A_616 : vector<16xi32>
          %select_n3A_618 = arith.select %lt3A_610, %sub3A_605, %add3A_617 : vector<16xi1>, vector<16xi32>
          %jit3A_619 = arith.constant 0 : i32
          %broadcast_in_dim3A_620 = vector.broadcast %jit3A_619 : i32 to vector<16xi32>
          %select_n3A_621 = arith.select %or3A_614, %select_n3A_618, %broadcast_in_dim3A_620 : vector<16xi1>, vector<16xi32>
          %mul3A_622 = arith.constant 6000 : i32
          %mul3A_623 = arith.muli %add3A_243, %mul3A_622 : i32
          %mul3A_624 = arith.constant 15 : i32
          %mul3A_625 = arith.muli %scan3A_281, %mul3A_624 : i32
          %add3A_626 = arith.constant 7 : i32
          %add3A_627 = arith.addi %mul3A_625, %add3A_626 : i32
          %mul3A_628 = arith.constant 16 : i32
          %mul3A_629 = arith.muli %add3A_627, %mul3A_628 : i32
          %add3A_630 = arith.addi %mul3A_623, %mul3A_629 : i32
          %add3A_631 = vector.broadcast %add3A_630 : i32 to vector<16xi32>
          %add3A_632 = arith.addi %add3A_631, %iota3A : vector<16xi32>
          tpu.vector_store_idx %arg5[%select_n3A_621], %add3A_632 masked %or3A_614 : memref<8800xi32, #tpu.memory_space<vmem>>[vector<16xi32>], vector<16xi32>, vector<16xi1>
          %sub3A_633 = vector.broadcast %add3A_24 : i32 to vector<16xi32>
          %sub3A_634 = arith.subi %get3A_353, %sub3A_633 : vector<16xi32>
          %sub3A_635 = vector.broadcast %add3A_26 : i32 to vector<16xi32>
          %sub3A_636 = arith.subi %get3A_353, %sub3A_635 : vector<16xi32>
          %lt3A_637 = arith.constant 4400 : i32
          %lt3A_638 = vector.broadcast %lt3A_637 : i32 to vector<16xi32>
          %lt3A_639 = arith.cmpi ult, %sub3A_634, %lt3A_638 : vector<16xi32>
          %lt3A_640 = arith.constant 4400 : i32
          %lt3A_641 = vector.broadcast %lt3A_640 : i32 to vector<16xi32>
          %lt3A_642 = arith.cmpi ult, %sub3A_636, %lt3A_641 : vector<16xi32>
          %or3A_643 = arith.ori %lt3A_639, %lt3A_642 : vector<16xi1>
          %add3A_644 = arith.constant 4400 : i32
          %add3A_645 = vector.broadcast %add3A_644 : i32 to vector<16xi32>
          %add3A_646 = arith.addi %sub3A_636, %add3A_645 : vector<16xi32>
          %select_n3A_647 = arith.select %lt3A_639, %sub3A_634, %add3A_646 : vector<16xi1>, vector<16xi32>
          %jit3A_648 = arith.constant 0 : i32
          %broadcast_in_dim3A_649 = vector.broadcast %jit3A_648 : i32 to vector<16xi32>
          %select_n3A_650 = arith.select %or3A_643, %select_n3A_647, %broadcast_in_dim3A_649 : vector<16xi1>, vector<16xi32>
          %mul3A_651 = arith.constant 6000 : i32
          %mul3A_652 = arith.muli %add3A_243, %mul3A_651 : i32
          %mul3A_653 = arith.constant 15 : i32
          %mul3A_654 = arith.muli %scan3A_281, %mul3A_653 : i32
          %add3A_655 = arith.constant 8 : i32
          %add3A_656 = arith.addi %mul3A_654, %add3A_655 : i32
          %mul3A_657 = arith.constant 16 : i32
          %mul3A_658 = arith.muli %add3A_656, %mul3A_657 : i32
          %add3A_659 = arith.addi %mul3A_652, %mul3A_658 : i32
          %add3A_660 = vector.broadcast %add3A_659 : i32 to vector<16xi32>
          %add3A_661 = arith.addi %add3A_660, %iota3A : vector<16xi32>
          tpu.vector_store_idx %arg5[%select_n3A_650], %add3A_661 masked %or3A_643 : memref<8800xi32, #tpu.memory_space<vmem>>[vector<16xi32>], vector<16xi32>, vector<16xi1>
          %sub3A_662 = vector.broadcast %add3A_24 : i32 to vector<16xi32>
          %sub3A_663 = arith.subi %get3A_361, %sub3A_662 : vector<16xi32>
          %sub3A_664 = vector.broadcast %add3A_26 : i32 to vector<16xi32>
          %sub3A_665 = arith.subi %get3A_361, %sub3A_664 : vector<16xi32>
          %lt3A_666 = arith.constant 4400 : i32
          %lt3A_667 = vector.broadcast %lt3A_666 : i32 to vector<16xi32>
          %lt3A_668 = arith.cmpi ult, %sub3A_663, %lt3A_667 : vector<16xi32>
          %lt3A_669 = arith.constant 4400 : i32
          %lt3A_670 = vector.broadcast %lt3A_669 : i32 to vector<16xi32>
          %lt3A_671 = arith.cmpi ult, %sub3A_665, %lt3A_670 : vector<16xi32>
          %or3A_672 = arith.ori %lt3A_668, %lt3A_671 : vector<16xi1>
          %add3A_673 = arith.constant 4400 : i32
          %add3A_674 = vector.broadcast %add3A_673 : i32 to vector<16xi32>
          %add3A_675 = arith.addi %sub3A_665, %add3A_674 : vector<16xi32>
          %select_n3A_676 = arith.select %lt3A_668, %sub3A_663, %add3A_675 : vector<16xi1>, vector<16xi32>
          %jit3A_677 = arith.constant 0 : i32
          %broadcast_in_dim3A_678 = vector.broadcast %jit3A_677 : i32 to vector<16xi32>
          %select_n3A_679 = arith.select %or3A_672, %select_n3A_676, %broadcast_in_dim3A_678 : vector<16xi1>, vector<16xi32>
          %mul3A_680 = arith.constant 6000 : i32
          %mul3A_681 = arith.muli %add3A_243, %mul3A_680 : i32
          %mul3A_682 = arith.constant 15 : i32
          %mul3A_683 = arith.muli %scan3A_281, %mul3A_682 : i32
          %add3A_684 = arith.constant 9 : i32
          %add3A_685 = arith.addi %mul3A_683, %add3A_684 : i32
          %mul3A_686 = arith.constant 16 : i32
          %mul3A_687 = arith.muli %add3A_685, %mul3A_686 : i32
          %add3A_688 = arith.addi %mul3A_681, %mul3A_687 : i32
          %add3A_689 = vector.broadcast %add3A_688 : i32 to vector<16xi32>
          %add3A_690 = arith.addi %add3A_689, %iota3A : vector<16xi32>
          tpu.vector_store_idx %arg5[%select_n3A_679], %add3A_690 masked %or3A_672 : memref<8800xi32, #tpu.memory_space<vmem>>[vector<16xi32>], vector<16xi32>, vector<16xi1>
          %sub3A_691 = vector.broadcast %add3A_24 : i32 to vector<16xi32>
          %sub3A_692 = arith.subi %get3A_369, %sub3A_691 : vector<16xi32>
          %sub3A_693 = vector.broadcast %add3A_26 : i32 to vector<16xi32>
          %sub3A_694 = arith.subi %get3A_369, %sub3A_693 : vector<16xi32>
          %lt3A_695 = arith.constant 4400 : i32
          %lt3A_696 = vector.broadcast %lt3A_695 : i32 to vector<16xi32>
          %lt3A_697 = arith.cmpi ult, %sub3A_692, %lt3A_696 : vector<16xi32>
          %lt3A_698 = arith.constant 4400 : i32
          %lt3A_699 = vector.broadcast %lt3A_698 : i32 to vector<16xi32>
          %lt3A_700 = arith.cmpi ult, %sub3A_694, %lt3A_699 : vector<16xi32>
          %or3A_701 = arith.ori %lt3A_697, %lt3A_700 : vector<16xi1>
          %add3A_702 = arith.constant 4400 : i32
          %add3A_703 = vector.broadcast %add3A_702 : i32 to vector<16xi32>
          %add3A_704 = arith.addi %sub3A_694, %add3A_703 : vector<16xi32>
          %select_n3A_705 = arith.select %lt3A_697, %sub3A_692, %add3A_704 : vector<16xi1>, vector<16xi32>
          %jit3A_706 = arith.constant 0 : i32
          %broadcast_in_dim3A_707 = vector.broadcast %jit3A_706 : i32 to vector<16xi32>
          %select_n3A_708 = arith.select %or3A_701, %select_n3A_705, %broadcast_in_dim3A_707 : vector<16xi1>, vector<16xi32>
          %mul3A_709 = arith.constant 6000 : i32
          %mul3A_710 = arith.muli %add3A_243, %mul3A_709 : i32
          %mul3A_711 = arith.constant 15 : i32
          %mul3A_712 = arith.muli %scan3A_281, %mul3A_711 : i32
          %add3A_713 = arith.constant 10 : i32
          %add3A_714 = arith.addi %mul3A_712, %add3A_713 : i32
          %mul3A_715 = arith.constant 16 : i32
          %mul3A_716 = arith.muli %add3A_714, %mul3A_715 : i32
          %add3A_717 = arith.addi %mul3A_710, %mul3A_716 : i32
          %add3A_718 = vector.broadcast %add3A_717 : i32 to vector<16xi32>
          %add3A_719 = arith.addi %add3A_718, %iota3A : vector<16xi32>
          tpu.vector_store_idx %arg5[%select_n3A_708], %add3A_719 masked %or3A_701 : memref<8800xi32, #tpu.memory_space<vmem>>[vector<16xi32>], vector<16xi32>, vector<16xi1>
          %sub3A_720 = vector.broadcast %add3A_24 : i32 to vector<16xi32>
          %sub3A_721 = arith.subi %get3A_377, %sub3A_720 : vector<16xi32>
          %sub3A_722 = vector.broadcast %add3A_26 : i32 to vector<16xi32>
          %sub3A_723 = arith.subi %get3A_377, %sub3A_722 : vector<16xi32>
          %lt3A_724 = arith.constant 4400 : i32
          %lt3A_725 = vector.broadcast %lt3A_724 : i32 to vector<16xi32>
          %lt3A_726 = arith.cmpi ult, %sub3A_721, %lt3A_725 : vector<16xi32>
          %lt3A_727 = arith.constant 4400 : i32
          %lt3A_728 = vector.broadcast %lt3A_727 : i32 to vector<16xi32>
          %lt3A_729 = arith.cmpi ult, %sub3A_723, %lt3A_728 : vector<16xi32>
          %or3A_730 = arith.ori %lt3A_726, %lt3A_729 : vector<16xi1>
          %add3A_731 = arith.constant 4400 : i32
          %add3A_732 = vector.broadcast %add3A_731 : i32 to vector<16xi32>
          %add3A_733 = arith.addi %sub3A_723, %add3A_732 : vector<16xi32>
          %select_n3A_734 = arith.select %lt3A_726, %sub3A_721, %add3A_733 : vector<16xi1>, vector<16xi32>
          %jit3A_735 = arith.constant 0 : i32
          %broadcast_in_dim3A_736 = vector.broadcast %jit3A_735 : i32 to vector<16xi32>
          %select_n3A_737 = arith.select %or3A_730, %select_n3A_734, %broadcast_in_dim3A_736 : vector<16xi1>, vector<16xi32>
          %mul3A_738 = arith.constant 6000 : i32
          %mul3A_739 = arith.muli %add3A_243, %mul3A_738 : i32
          %mul3A_740 = arith.constant 15 : i32
          %mul3A_741 = arith.muli %scan3A_281, %mul3A_740 : i32
          %add3A_742 = arith.constant 11 : i32
          %add3A_743 = arith.addi %mul3A_741, %add3A_742 : i32
          %mul3A_744 = arith.constant 16 : i32
          %mul3A_745 = arith.muli %add3A_743, %mul3A_744 : i32
          %add3A_746 = arith.addi %mul3A_739, %mul3A_745 : i32
          %add3A_747 = vector.broadcast %add3A_746 : i32 to vector<16xi32>
          %add3A_748 = arith.addi %add3A_747, %iota3A : vector<16xi32>
          tpu.vector_store_idx %arg5[%select_n3A_737], %add3A_748 masked %or3A_730 : memref<8800xi32, #tpu.memory_space<vmem>>[vector<16xi32>], vector<16xi32>, vector<16xi1>
          %sub3A_749 = vector.broadcast %add3A_24 : i32 to vector<16xi32>
          %sub3A_750 = arith.subi %get3A_385, %sub3A_749 : vector<16xi32>
          %sub3A_751 = vector.broadcast %add3A_26 : i32 to vector<16xi32>
          %sub3A_752 = arith.subi %get3A_385, %sub3A_751 : vector<16xi32>
          %lt3A_753 = arith.constant 4400 : i32
          %lt3A_754 = vector.broadcast %lt3A_753 : i32 to vector<16xi32>
          %lt3A_755 = arith.cmpi ult, %sub3A_750, %lt3A_754 : vector<16xi32>
          %lt3A_756 = arith.constant 4400 : i32
          %lt3A_757 = vector.broadcast %lt3A_756 : i32 to vector<16xi32>
          %lt3A_758 = arith.cmpi ult, %sub3A_752, %lt3A_757 : vector<16xi32>
          %or3A_759 = arith.ori %lt3A_755, %lt3A_758 : vector<16xi1>
          %add3A_760 = arith.constant 4400 : i32
          %add3A_761 = vector.broadcast %add3A_760 : i32 to vector<16xi32>
          %add3A_762 = arith.addi %sub3A_752, %add3A_761 : vector<16xi32>
          %select_n3A_763 = arith.select %lt3A_755, %sub3A_750, %add3A_762 : vector<16xi1>, vector<16xi32>
          %jit3A_764 = arith.constant 0 : i32
          %broadcast_in_dim3A_765 = vector.broadcast %jit3A_764 : i32 to vector<16xi32>
          %select_n3A_766 = arith.select %or3A_759, %select_n3A_763, %broadcast_in_dim3A_765 : vector<16xi1>, vector<16xi32>
          %mul3A_767 = arith.constant 6000 : i32
          %mul3A_768 = arith.muli %add3A_243, %mul3A_767 : i32
          %mul3A_769 = arith.constant 15 : i32
          %mul3A_770 = arith.muli %scan3A_281, %mul3A_769 : i32
          %add3A_771 = arith.constant 12 : i32
          %add3A_772 = arith.addi %mul3A_770, %add3A_771 : i32
          %mul3A_773 = arith.constant 16 : i32
          %mul3A_774 = arith.muli %add3A_772, %mul3A_773 : i32
          %add3A_775 = arith.addi %mul3A_768, %mul3A_774 : i32
          %add3A_776 = vector.broadcast %add3A_775 : i32 to vector<16xi32>
          %add3A_777 = arith.addi %add3A_776, %iota3A : vector<16xi32>
          tpu.vector_store_idx %arg5[%select_n3A_766], %add3A_777 masked %or3A_759 : memref<8800xi32, #tpu.memory_space<vmem>>[vector<16xi32>], vector<16xi32>, vector<16xi1>
          %sub3A_778 = vector.broadcast %add3A_24 : i32 to vector<16xi32>
          %sub3A_779 = arith.subi %get3A_393, %sub3A_778 : vector<16xi32>
          %sub3A_780 = vector.broadcast %add3A_26 : i32 to vector<16xi32>
          %sub3A_781 = arith.subi %get3A_393, %sub3A_780 : vector<16xi32>
          %lt3A_782 = arith.constant 4400 : i32
          %lt3A_783 = vector.broadcast %lt3A_782 : i32 to vector<16xi32>
          %lt3A_784 = arith.cmpi ult, %sub3A_779, %lt3A_783 : vector<16xi32>
          %lt3A_785 = arith.constant 4400 : i32
          %lt3A_786 = vector.broadcast %lt3A_785 : i32 to vector<16xi32>
          %lt3A_787 = arith.cmpi ult, %sub3A_781, %lt3A_786 : vector<16xi32>
          %or3A_788 = arith.ori %lt3A_784, %lt3A_787 : vector<16xi1>
          %add3A_789 = arith.constant 4400 : i32
          %add3A_790 = vector.broadcast %add3A_789 : i32 to vector<16xi32>
          %add3A_791 = arith.addi %sub3A_781, %add3A_790 : vector<16xi32>
          %select_n3A_792 = arith.select %lt3A_784, %sub3A_779, %add3A_791 : vector<16xi1>, vector<16xi32>
          %jit3A_793 = arith.constant 0 : i32
          %broadcast_in_dim3A_794 = vector.broadcast %jit3A_793 : i32 to vector<16xi32>
          %select_n3A_795 = arith.select %or3A_788, %select_n3A_792, %broadcast_in_dim3A_794 : vector<16xi1>, vector<16xi32>
          %mul3A_796 = arith.constant 6000 : i32
          %mul3A_797 = arith.muli %add3A_243, %mul3A_796 : i32
          %mul3A_798 = arith.constant 15 : i32
          %mul3A_799 = arith.muli %scan3A_281, %mul3A_798 : i32
          %add3A_800 = arith.constant 13 : i32
          %add3A_801 = arith.addi %mul3A_799, %add3A_800 : i32
          %mul3A_802 = arith.constant 16 : i32
          %mul3A_803 = arith.muli %add3A_801, %mul3A_802 : i32
          %add3A_804 = arith.addi %mul3A_797, %mul3A_803 : i32
          %add3A_805 = vector.broadcast %add3A_804 : i32 to vector<16xi32>
          %add3A_806 = arith.addi %add3A_805, %iota3A : vector<16xi32>
          tpu.vector_store_idx %arg5[%select_n3A_795], %add3A_806 masked %or3A_788 : memref<8800xi32, #tpu.memory_space<vmem>>[vector<16xi32>], vector<16xi32>, vector<16xi1>
          %sub3A_807 = vector.broadcast %add3A_24 : i32 to vector<16xi32>
          %sub3A_808 = arith.subi %get3A_401, %sub3A_807 : vector<16xi32>
          %sub3A_809 = vector.broadcast %add3A_26 : i32 to vector<16xi32>
          %sub3A_810 = arith.subi %get3A_401, %sub3A_809 : vector<16xi32>
          %lt3A_811 = arith.constant 4400 : i32
          %lt3A_812 = vector.broadcast %lt3A_811 : i32 to vector<16xi32>
          %lt3A_813 = arith.cmpi ult, %sub3A_808, %lt3A_812 : vector<16xi32>
          %lt3A_814 = arith.constant 4400 : i32
          %lt3A_815 = vector.broadcast %lt3A_814 : i32 to vector<16xi32>
          %lt3A_816 = arith.cmpi ult, %sub3A_810, %lt3A_815 : vector<16xi32>
          %or3A_817 = arith.ori %lt3A_813, %lt3A_816 : vector<16xi1>
          %add3A_818 = arith.constant 4400 : i32
          %add3A_819 = vector.broadcast %add3A_818 : i32 to vector<16xi32>
          %add3A_820 = arith.addi %sub3A_810, %add3A_819 : vector<16xi32>
          %select_n3A_821 = arith.select %lt3A_813, %sub3A_808, %add3A_820 : vector<16xi1>, vector<16xi32>
          %jit3A_822 = arith.constant 0 : i32
          %broadcast_in_dim3A_823 = vector.broadcast %jit3A_822 : i32 to vector<16xi32>
          %select_n3A_824 = arith.select %or3A_817, %select_n3A_821, %broadcast_in_dim3A_823 : vector<16xi1>, vector<16xi32>
          %mul3A_825 = arith.constant 6000 : i32
          %mul3A_826 = arith.muli %add3A_243, %mul3A_825 : i32
          %mul3A_827 = arith.constant 15 : i32
          %mul3A_828 = arith.muli %scan3A_281, %mul3A_827 : i32
          %add3A_829 = arith.constant 14 : i32
          %add3A_830 = arith.addi %mul3A_828, %add3A_829 : i32
          %mul3A_831 = arith.constant 16 : i32
          %mul3A_832 = arith.muli %add3A_830, %mul3A_831 : i32
          %add3A_833 = arith.addi %mul3A_826, %mul3A_832 : i32
          %add3A_834 = vector.broadcast %add3A_833 : i32 to vector<16xi32>
          %add3A_835 = arith.addi %add3A_834, %iota3A : vector<16xi32>
          tpu.vector_store_idx %arg5[%select_n3A_824], %add3A_835 masked %or3A_817 : memref<8800xi32, #tpu.memory_space<vmem>>[vector<16xi32>], vector<16xi32>, vector<16xi1>
          %scan3A_836 = arith.constant 0 : i32
          scf.yield %scan3A_836 : i32
        }
        %scan3A_280 = arith.constant 25 : i32
      } else {
      }
      %scan3A_269 = arith.constant 0 : i32
      scf.yield %scan3A_269 : i32
    }
    %scan3A_42 = arith.constant 13 : i32
    %add3A_43 = arith.constant 0 : i32
    %add3A_44 = vector.broadcast %add3A_43 : i32 to vector<16xi32>
    %add3A_45 = arith.addi %add3A_44, %iota3A : vector<16xi32>
    %mul3A_46 = arith.constant 2 : i32
    %mul3A_47 = vector.broadcast %mul3A_46 : i32 to vector<16xi32>
    %mul3A_48 = arith.muli %add3A_45, %mul3A_47 : vector<16xi32>
    %add3A_49 = arith.constant 0 : i32
    %add3A_50 = vector.broadcast %add3A_49 : i32 to vector<16xi32>
    %add3A_51 = arith.addi %mul3A_48, %add3A_50 : vector<16xi32>
    %add3A_52 = arith.constant 16 : i32
    %add3A_53 = vector.broadcast %add3A_52 : i32 to vector<16xi32>
    %add3A_54 = arith.addi %add3A_53, %iota3A : vector<16xi32>
    %mul3A_55 = arith.constant 2 : i32
    %mul3A_56 = vector.broadcast %mul3A_55 : i32 to vector<16xi32>
    %mul3A_57 = arith.muli %add3A_54, %mul3A_56 : vector<16xi32>
    %add3A_58 = arith.constant 0 : i32
    %add3A_59 = vector.broadcast %add3A_58 : i32 to vector<16xi32>
    %add3A_60 = arith.addi %mul3A_57, %add3A_59 : vector<16xi32>
    %add3A_61 = arith.constant 32 : i32
    %add3A_62 = vector.broadcast %add3A_61 : i32 to vector<16xi32>
    %add3A_63 = arith.addi %add3A_62, %iota3A : vector<16xi32>
    %mul3A_64 = arith.constant 2 : i32
    %mul3A_65 = vector.broadcast %mul3A_64 : i32 to vector<16xi32>
    %mul3A_66 = arith.muli %add3A_63, %mul3A_65 : vector<16xi32>
    %add3A_67 = arith.constant 0 : i32
    %add3A_68 = vector.broadcast %add3A_67 : i32 to vector<16xi32>
    %add3A_69 = arith.addi %mul3A_66, %add3A_68 : vector<16xi32>
    %add3A_70 = arith.constant 48 : i32
    %add3A_71 = vector.broadcast %add3A_70 : i32 to vector<16xi32>
    %add3A_72 = arith.addi %add3A_71, %iota3A : vector<16xi32>
    %mul3A_73 = arith.constant 2 : i32
    %mul3A_74 = vector.broadcast %mul3A_73 : i32 to vector<16xi32>
    %mul3A_75 = arith.muli %add3A_72, %mul3A_74 : vector<16xi32>
    %add3A_76 = arith.constant 0 : i32
    %add3A_77 = vector.broadcast %add3A_76 : i32 to vector<16xi32>
    %add3A_78 = arith.addi %mul3A_75, %add3A_77 : vector<16xi32>
    %add3A_79 = arith.constant 64 : i32
    %add3A_80 = vector.broadcast %add3A_79 : i32 to vector<16xi32>
    %add3A_81 = arith.addi %add3A_80, %iota3A : vector<16xi32>
    %mul3A_82 = arith.constant 2 : i32
    %mul3A_83 = vector.broadcast %mul3A_82 : i32 to vector<16xi32>
    %mul3A_84 = arith.muli %add3A_81, %mul3A_83 : vector<16xi32>
    %add3A_85 = arith.constant 0 : i32
    %add3A_86 = vector.broadcast %add3A_85 : i32 to vector<16xi32>
    %add3A_87 = arith.addi %mul3A_84, %add3A_86 : vector<16xi32>
    %add3A_88 = arith.constant 80 : i32
    %add3A_89 = vector.broadcast %add3A_88 : i32 to vector<16xi32>
    %add3A_90 = arith.addi %add3A_89, %iota3A : vector<16xi32>
    %mul3A_91 = arith.constant 2 : i32
    %mul3A_92 = vector.broadcast %mul3A_91 : i32 to vector<16xi32>
    %mul3A_93 = arith.muli %add3A_90, %mul3A_92 : vector<16xi32>
    %add3A_94 = arith.constant 0 : i32
    %add3A_95 = vector.broadcast %add3A_94 : i32 to vector<16xi32>
    %add3A_96 = arith.addi %mul3A_93, %add3A_95 : vector<16xi32>
    %add3A_97 = arith.constant 96 : i32
    %add3A_98 = vector.broadcast %add3A_97 : i32 to vector<16xi32>
    %add3A_99 = arith.addi %add3A_98, %iota3A : vector<16xi32>
    %mul3A_100 = arith.constant 2 : i32
    %mul3A_101 = vector.broadcast %mul3A_100 : i32 to vector<16xi32>
    %mul3A_102 = arith.muli %add3A_99, %mul3A_101 : vector<16xi32>
    %add3A_103 = arith.constant 0 : i32
    %add3A_104 = vector.broadcast %add3A_103 : i32 to vector<16xi32>
    %add3A_105 = arith.addi %mul3A_102, %add3A_104 : vector<16xi32>
    %add3A_106 = arith.constant 112 : i32
    %add3A_107 = vector.broadcast %add3A_106 : i32 to vector<16xi32>
    %add3A_108 = arith.addi %add3A_107, %iota3A : vector<16xi32>
    %mul3A_109 = arith.constant 2 : i32
    %mul3A_110 = vector.broadcast %mul3A_109 : i32 to vector<16xi32>
    %mul3A_111 = arith.muli %add3A_108, %mul3A_110 : vector<16xi32>
    %add3A_112 = arith.constant 0 : i32
    %add3A_113 = vector.broadcast %add3A_112 : i32 to vector<16xi32>
    %add3A_114 = arith.addi %mul3A_111, %add3A_113 : vector<16xi32>
    %add3A_115 = arith.constant 0 : i32
    %add3A_116 = vector.broadcast %add3A_115 : i32 to vector<16xi32>
    %add3A_117 = arith.addi %add3A_116, %iota3A : vector<16xi32>
    %mul3A_118 = arith.constant 2 : i32
    %mul3A_119 = vector.broadcast %mul3A_118 : i32 to vector<16xi32>
    %mul3A_120 = arith.muli %add3A_117, %mul3A_119 : vector<16xi32>
    %add3A_121 = arith.constant 1 : i32
    %add3A_122 = vector.broadcast %add3A_121 : i32 to vector<16xi32>
    %add3A_123 = arith.addi %mul3A_120, %add3A_122 : vector<16xi32>
    %add3A_124 = arith.constant 16 : i32
    %add3A_125 = vector.broadcast %add3A_124 : i32 to vector<16xi32>
    %add3A_126 = arith.addi %add3A_125, %iota3A : vector<16xi32>
    %mul3A_127 = arith.constant 2 : i32
    %mul3A_128 = vector.broadcast %mul3A_127 : i32 to vector<16xi32>
    %mul3A_129 = arith.muli %add3A_126, %mul3A_128 : vector<16xi32>
    %add3A_130 = arith.constant 1 : i32
    %add3A_131 = vector.broadcast %add3A_130 : i32 to vector<16xi32>
    %add3A_132 = arith.addi %mul3A_129, %add3A_131 : vector<16xi32>
    %add3A_133 = arith.constant 32 : i32
    %add3A_134 = vector.broadcast %add3A_133 : i32 to vector<16xi32>
    %add3A_135 = arith.addi %add3A_134, %iota3A : vector<16xi32>
    %mul3A_136 = arith.constant 2 : i32
    %mul3A_137 = vector.broadcast %mul3A_136 : i32 to vector<16xi32>
    %mul3A_138 = arith.muli %add3A_135, %mul3A_137 : vector<16xi32>
    %add3A_139 = arith.constant 1 : i32
    %add3A_140 = vector.broadcast %add3A_139 : i32 to vector<16xi32>
    %add3A_141 = arith.addi %mul3A_138, %add3A_140 : vector<16xi32>
    %add3A_142 = arith.constant 48 : i32
    %add3A_143 = vector.broadcast %add3A_142 : i32 to vector<16xi32>
    %add3A_144 = arith.addi %add3A_143, %iota3A : vector<16xi32>
    %mul3A_145 = arith.constant 2 : i32
    %mul3A_146 = vector.broadcast %mul3A_145 : i32 to vector<16xi32>
    %mul3A_147 = arith.muli %add3A_144, %mul3A_146 : vector<16xi32>
    %add3A_148 = arith.constant 1 : i32
    %add3A_149 = vector.broadcast %add3A_148 : i32 to vector<16xi32>
    %add3A_150 = arith.addi %mul3A_147, %add3A_149 : vector<16xi32>
    %add3A_151 = arith.constant 64 : i32
    %add3A_152 = vector.broadcast %add3A_151 : i32 to vector<16xi32>
    %add3A_153 = arith.addi %add3A_152, %iota3A : vector<16xi32>
    %mul3A_154 = arith.constant 2 : i32
    %mul3A_155 = vector.broadcast %mul3A_154 : i32 to vector<16xi32>
    %mul3A_156 = arith.muli %add3A_153, %mul3A_155 : vector<16xi32>
    %add3A_157 = arith.constant 1 : i32
    %add3A_158 = vector.broadcast %add3A_157 : i32 to vector<16xi32>
    %add3A_159 = arith.addi %mul3A_156, %add3A_158 : vector<16xi32>
    %add3A_160 = arith.constant 80 : i32
    %add3A_161 = vector.broadcast %add3A_160 : i32 to vector<16xi32>
    %add3A_162 = arith.addi %add3A_161, %iota3A : vector<16xi32>
    %mul3A_163 = arith.constant 2 : i32
    %mul3A_164 = vector.broadcast %mul3A_163 : i32 to vector<16xi32>
    %mul3A_165 = arith.muli %add3A_162, %mul3A_164 : vector<16xi32>
    %add3A_166 = arith.constant 1 : i32
    %add3A_167 = vector.broadcast %add3A_166 : i32 to vector<16xi32>
    %add3A_168 = arith.addi %mul3A_165, %add3A_167 : vector<16xi32>
    %add3A_169 = arith.constant 96 : i32
    %add3A_170 = vector.broadcast %add3A_169 : i32 to vector<16xi32>
    %add3A_171 = arith.addi %add3A_170, %iota3A : vector<16xi32>
    %mul3A_172 = arith.constant 2 : i32
    %mul3A_173 = vector.broadcast %mul3A_172 : i32 to vector<16xi32>
    %mul3A_174 = arith.muli %add3A_171, %mul3A_173 : vector<16xi32>
    %add3A_175 = arith.constant 1 : i32
    %add3A_176 = vector.broadcast %add3A_175 : i32 to vector<16xi32>
    %add3A_177 = arith.addi %mul3A_174, %add3A_176 : vector<16xi32>
    %add3A_178 = arith.constant 112 : i32
    %add3A_179 = vector.broadcast %add3A_178 : i32 to vector<16xi32>
    %add3A_180 = arith.addi %add3A_179, %iota3A : vector<16xi32>
    %mul3A_181 = arith.constant 2 : i32
    %mul3A_182 = vector.broadcast %mul3A_181 : i32 to vector<16xi32>
    %mul3A_183 = arith.muli %add3A_180, %mul3A_182 : vector<16xi32>
    %add3A_184 = arith.constant 1 : i32
    %add3A_185 = vector.broadcast %add3A_184 : i32 to vector<16xi32>
    %add3A_186 = arith.addi %mul3A_183, %add3A_185 : vector<16xi32>
    %broadcast_in_dim3A = arith.constant 0.000000e+00 : f32
    %broadcast_in_dim3A_187 = vector.broadcast %broadcast_in_dim3A : f32 to vector<16xf32>
    %parallel_loop3A = arith.constant 0 : i32
    %parallel_loop3A_188 = arith.constant 88 : i32
    %parallel_loop3A_189 = arith.constant 1 : i32
    scf.for %parallel_loop3A_238 = %parallel_loop3A to %parallel_loop3A_188 step %parallel_loop3A_189  : i32 {
      %parallel_loop3A_239 = arith.constant 0 : i32
      %parallel_loop3A_240 = arith.addi %parallel_loop3A_239, %parallel_loop3A_238 : i32
      %parallel_loop3A_241 = arith.index_cast %parallel_loop3A_240 : i32 to index
      %parallel_loop3A_242 = arith.constant 0 : index
      %parallel_loop3A_243 = tpu.vector_load %arg8[%parallel_loop3A_241, %parallel_loop3A_242] {strides = array<i32>} : memref<176x128xf32, #tpu.memory_space<vmem>>, vector<16xf32>,
      tpu.vector_store %arg8[%parallel_loop3A_241, %parallel_loop3A_242], %broadcast_in_dim3A_187 {strides = array<i32>} : memref<176x128xf32, #tpu.memory_space<vmem>>, vector<16xf32>,
      %parallel_loop3A_244 = arith.constant 0 : i32
      %parallel_loop3A_245 = arith.addi %parallel_loop3A_244, %parallel_loop3A_238 : i32
      %parallel_loop3A_246 = arith.index_cast %parallel_loop3A_245 : i32 to index
      %parallel_loop3A_247 = arith.constant 16 : index
      %parallel_loop3A_248 = tpu.vector_load %arg8[%parallel_loop3A_246, %parallel_loop3A_247] {strides = array<i32>} : memref<176x128xf32, #tpu.memory_space<vmem>>, vector<16xf32>,
      tpu.vector_store %arg8[%parallel_loop3A_246, %parallel_loop3A_247], %broadcast_in_dim3A_187 {strides = array<i32>} : memref<176x128xf32, #tpu.memory_space<vmem>>, vector<16xf32>,
      %parallel_loop3A_249 = arith.constant 0 : i32
      %parallel_loop3A_250 = arith.addi %parallel_loop3A_249, %parallel_loop3A_238 : i32
      %parallel_loop3A_251 = arith.index_cast %parallel_loop3A_250 : i32 to index
      %parallel_loop3A_252 = arith.constant 32 : index
      %parallel_loop3A_253 = tpu.vector_load %arg8[%parallel_loop3A_251, %parallel_loop3A_252] {strides = array<i32>} : memref<176x128xf32, #tpu.memory_space<vmem>>, vector<16xf32>,
      tpu.vector_store %arg8[%parallel_loop3A_251, %parallel_loop3A_252], %broadcast_in_dim3A_187 {strides = array<i32>} : memref<176x128xf32, #tpu.memory_space<vmem>>, vector<16xf32>,
      %parallel_loop3A_254 = arith.constant 0 : i32
      %parallel_loop3A_255 = arith.addi %parallel_loop3A_254, %parallel_loop3A_238 : i32
      %parallel_loop3A_256 = arith.index_cast %parallel_loop3A_255 : i32 to index
      %parallel_loop3A_257 = arith.constant 48 : index
      %parallel_loop3A_258 = tpu.vector_load %arg8[%parallel_loop3A_256, %parallel_loop3A_257] {strides = array<i32>} : memref<176x128xf32, #tpu.memory_space<vmem>>, vector<16xf32>,
      tpu.vector_store %arg8[%parallel_loop3A_256, %parallel_loop3A_257], %broadcast_in_dim3A_187 {strides = array<i32>} : memref<176x128xf32, #tpu.memory_space<vmem>>, vector<16xf32>,
      %parallel_loop3A_259 = arith.constant 0 : i32
      %parallel_loop3A_260 = arith.addi %parallel_loop3A_259, %parallel_loop3A_238 : i32
      %parallel_loop3A_261 = arith.index_cast %parallel_loop3A_260 : i32 to index
      %parallel_loop3A_262 = arith.constant 64 : index
      %parallel_loop3A_263 = tpu.vector_load %arg8[%parallel_loop3A_261, %parallel_loop3A_262] {strides = array<i32>} : memref<176x128xf32, #tpu.memory_space<vmem>>, vector<16xf32>,
      tpu.vector_store %arg8[%parallel_loop3A_261, %parallel_loop3A_262], %broadcast_in_dim3A_187 {strides = array<i32>} : memref<176x128xf32, #tpu.memory_space<vmem>>, vector<16xf32>,
      %parallel_loop3A_264 = arith.constant 0 : i32
      %parallel_loop3A_265 = arith.addi %parallel_loop3A_264, %parallel_loop3A_238 : i32
      %parallel_loop3A_266 = arith.index_cast %parallel_loop3A_265 : i32 to index
      %parallel_loop3A_267 = arith.constant 80 : index
      %parallel_loop3A_268 = tpu.vector_load %arg8[%parallel_loop3A_266, %parallel_loop3A_267] {strides = array<i32>} : memref<176x128xf32, #tpu.memory_space<vmem>>, vector<16xf32>,
      tpu.vector_store %arg8[%parallel_loop3A_266, %parallel_loop3A_267], %broadcast_in_dim3A_187 {strides = array<i32>} : memref<176x128xf32, #tpu.memory_space<vmem>>, vector<16xf32>,
      %parallel_loop3A_269 = arith.constant 0 : i32
      %parallel_loop3A_270 = arith.addi %parallel_loop3A_269, %parallel_loop3A_238 : i32
      %parallel_loop3A_271 = arith.index_cast %parallel_loop3A_270 : i32 to index
      %parallel_loop3A_272 = arith.constant 96 : index
      %parallel_loop3A_273 = tpu.vector_load %arg8[%parallel_loop3A_271, %parallel_loop3A_272] {strides = array<i32>} : memref<176x128xf32, #tpu.memory_space<vmem>>, vector<16xf32>,
      tpu.vector_store %arg8[%parallel_loop3A_271, %parallel_loop3A_272], %broadcast_in_dim3A_187 {strides = array<i32>} : memref<176x128xf32, #tpu.memory_space<vmem>>, vector<16xf32>,
      %parallel_loop3A_274 = arith.constant 0 : i32
      %parallel_loop3A_275 = arith.addi %parallel_loop3A_274, %parallel_loop3A_238 : i32
      %parallel_loop3A_276 = arith.index_cast %parallel_loop3A_275 : i32 to index
      %parallel_loop3A_277 = arith.constant 112 : index
      %parallel_loop3A_278 = tpu.vector_load %arg8[%parallel_loop3A_276, %parallel_loop3A_277] {strides = array<i32>} : memref<176x128xf32, #tpu.memory_space<vmem>>, vector<16xf32>,
      tpu.vector_store %arg8[%parallel_loop3A_276, %parallel_loop3A_277], %broadcast_in_dim3A_187 {strides = array<i32>} : memref<176x128xf32, #tpu.memory_space<vmem>>, vector<16xf32>,
      %parallel_loop3A_279 = arith.constant 88 : i32
      %parallel_loop3A_280 = arith.addi %parallel_loop3A_279, %parallel_loop3A_238 : i32
      %parallel_loop3A_281 = arith.index_cast %parallel_loop3A_280 : i32 to index
      %parallel_loop3A_282 = arith.constant 0 : index
      %parallel_loop3A_283 = tpu.vector_load %arg8[%parallel_loop3A_281, %parallel_loop3A_282] {strides = array<i32>} : memref<176x128xf32, #tpu.memory_space<vmem>>, vector<16xf32>,
      tpu.vector_store %arg8[%parallel_loop3A_281, %parallel_loop3A_282], %broadcast_in_dim3A_187 {strides = array<i32>} : memref<176x128xf32, #tpu.memory_space<vmem>>, vector<16xf32>,
      %parallel_loop3A_284 = arith.constant 88 : i32
      %parallel_loop3A_285 = arith.addi %parallel_loop3A_284, %parallel_loop3A_238 : i32
      %parallel_loop3A_286 = arith.index_cast %parallel_loop3A_285 : i32 to index
      %parallel_loop3A_287 = arith.constant 16 : index
      %parallel_loop3A_288 = tpu.vector_load %arg8[%parallel_loop3A_286, %parallel_loop3A_287] {strides = array<i32>} : memref<176x128xf32, #tpu.memory_space<vmem>>, vector<16xf32>,
      tpu.vector_store %arg8[%parallel_loop3A_286, %parallel_loop3A_287], %broadcast_in_dim3A_187 {strides = array<i32>} : memref<176x128xf32, #tpu.memory_space<vmem>>, vector<16xf32>,
      %parallel_loop3A_289 = arith.constant 88 : i32
      %parallel_loop3A_290 = arith.addi %parallel_loop3A_289, %parallel_loop3A_238 : i32
      %parallel_loop3A_291 = arith.index_cast %parallel_loop3A_290 : i32 to index
      %parallel_loop3A_292 = arith.constant 32 : index
      %parallel_loop3A_293 = tpu.vector_load %arg8[%parallel_loop3A_291, %parallel_loop3A_292] {strides = array<i32>} : memref<176x128xf32, #tpu.memory_space<vmem>>, vector<16xf32>,
      tpu.vector_store %arg8[%parallel_loop3A_291, %parallel_loop3A_292], %broadcast_in_dim3A_187 {strides = array<i32>} : memref<176x128xf32, #tpu.memory_space<vmem>>, vector<16xf32>,
      %parallel_loop3A_294 = arith.constant 88 : i32
      %parallel_loop3A_295 = arith.addi %parallel_loop3A_294, %parallel_loop3A_238 : i32
      %parallel_loop3A_296 = arith.index_cast %parallel_loop3A_295 : i32 to index
      %parallel_loop3A_297 = arith.constant 48 : index
      %parallel_loop3A_298 = tpu.vector_load %arg8[%parallel_loop3A_296, %parallel_loop3A_297] {strides = array<i32>} : memref<176x128xf32, #tpu.memory_space<vmem>>, vector<16xf32>,
      tpu.vector_store %arg8[%parallel_loop3A_296, %parallel_loop3A_297], %broadcast_in_dim3A_187 {strides = array<i32>} : memref<176x128xf32, #tpu.memory_space<vmem>>, vector<16xf32>,
      %parallel_loop3A_299 = arith.constant 88 : i32
      %parallel_loop3A_300 = arith.addi %parallel_loop3A_299, %parallel_loop3A_238 : i32
      %parallel_loop3A_301 = arith.index_cast %parallel_loop3A_300 : i32 to index
      %parallel_loop3A_302 = arith.constant 64 : index
      %parallel_loop3A_303 = tpu.vector_load %arg8[%parallel_loop3A_301, %parallel_loop3A_302] {strides = array<i32>} : memref<176x128xf32, #tpu.memory_space<vmem>>, vector<16xf32>,
      tpu.vector_store %arg8[%parallel_loop3A_301, %parallel_loop3A_302], %broadcast_in_dim3A_187 {strides = array<i32>} : memref<176x128xf32, #tpu.memory_space<vmem>>, vector<16xf32>,
      %parallel_loop3A_304 = arith.constant 88 : i32
      %parallel_loop3A_305 = arith.addi %parallel_loop3A_304, %parallel_loop3A_238 : i32
      %parallel_loop3A_306 = arith.index_cast %parallel_loop3A_305 : i32 to index
      %parallel_loop3A_307 = arith.constant 80 : index
      %parallel_loop3A_308 = tpu.vector_load %arg8[%parallel_loop3A_306, %parallel_loop3A_307] {strides = array<i32>} : memref<176x128xf32, #tpu.memory_space<vmem>>, vector<16xf32>,
      tpu.vector_store %arg8[%parallel_loop3A_306, %parallel_loop3A_307], %broadcast_in_dim3A_187 {strides = array<i32>} : memref<176x128xf32, #tpu.memory_space<vmem>>, vector<16xf32>,
      %parallel_loop3A_309 = arith.constant 88 : i32
      %parallel_loop3A_310 = arith.addi %parallel_loop3A_309, %parallel_loop3A_238 : i32
      %parallel_loop3A_311 = arith.index_cast %parallel_loop3A_310 : i32 to index
      %parallel_loop3A_312 = arith.constant 96 : index
      %parallel_loop3A_313 = tpu.vector_load %arg8[%parallel_loop3A_311, %parallel_loop3A_312] {strides = array<i32>} : memref<176x128xf32, #tpu.memory_space<vmem>>, vector<16xf32>,
      tpu.vector_store %arg8[%parallel_loop3A_311, %parallel_loop3A_312], %broadcast_in_dim3A_187 {strides = array<i32>} : memref<176x128xf32, #tpu.memory_space<vmem>>, vector<16xf32>,
      %parallel_loop3A_314 = arith.constant 88 : i32
      %parallel_loop3A_315 = arith.addi %parallel_loop3A_314, %parallel_loop3A_238 : i32
      %parallel_loop3A_316 = arith.index_cast %parallel_loop3A_315 : i32 to index
      %parallel_loop3A_317 = arith.constant 112 : index
      %parallel_loop3A_318 = tpu.vector_load %arg8[%parallel_loop3A_316, %parallel_loop3A_317] {strides = array<i32>} : memref<176x128xf32, #tpu.memory_space<vmem>>, vector<16xf32>,
      tpu.vector_store %arg8[%parallel_loop3A_316, %parallel_loop3A_317], %broadcast_in_dim3A_187 {strides = array<i32>} : memref<176x128xf32, #tpu.memory_space<vmem>>, vector<16xf32>,
    } {sc.loop_unroll_factor = 2 : i64, sc.parallel_access}
    %dma_start3A_190 = arith.constant 0 : i32
    %dma_start3A_191 = arith.constant 0 : i32
    %dma_start3A_192 = tpu.memref_slice %arg8[%dma_start3A_190, %dma_start3A_191] : memref<176x128xf32, #tpu.memory_space<vmem>> -> memref<88x128xf32, #tpu.memory_space<vmem>>
    %dma_start3A_193 = arith.constant 0 : i32
    %dma_start3A_194 = tpu.memref_slice %arg5[%dma_start3A_193] : memref<8800xi32, #tpu.memory_space<vmem>> -> memref<88xi32, #tpu.memory_space<vmem>>
    %dma_start3A_195 = arith.constant 0 : i32
    %dma_start3A_196 = arith.constant 0 : i32
    %dma_start3A_197 = tpu.memref_slice %arg2[%dma_start3A_195, %dma_start3A_196] : memref<150000x128xf32, #tpu.memory_space<hbm>> -> memref<150000x128xf32, #tpu.memory_space<hbm>>
    %dma_start3A_198 = arith.constant -1 : i32
    tpu.enqueue_indirect_dma source(%dma_start3A_197 : memref<150000x128xf32, #tpu.memory_space<hbm>>) target(%dma_start3A_192 : memref<88x128xf32, #tpu.memory_space<vmem>>) offsets(%dma_start3A_194 : memref<88xi32, #tpu.memory_space<vmem>>) offset_filter(%dma_start3A_198) semaphore(%arg14 : memref<!tpu.dma_semaphore, #tpu.memory_space<semaphore_mem>>)
    %dma_start3A_199 = arith.constant 88 : i32
    %dma_start3A_200 = arith.constant 0 : i32
    %dma_start3A_201 = tpu.memref_slice %arg8[%dma_start3A_199, %dma_start3A_200] : memref<176x128xf32, #tpu.memory_space<vmem>> -> memref<88x128xf32, #tpu.memory_space<vmem>>
    %dma_start3A_202 = arith.constant 4400 : i32
    %dma_start3A_203 = tpu.memref_slice %arg5[%dma_start3A_202] : memref<8800xi32, #tpu.memory_space<vmem>> -> memref<88xi32, #tpu.memory_space<vmem>>
    %dma_start3A_204 = arith.constant 0 : i32
    %dma_start3A_205 = arith.constant 0 : i32
    %dma_start3A_206 = tpu.memref_slice %arg2[%dma_start3A_204, %dma_start3A_205] : memref<150000x128xf32, #tpu.memory_space<hbm>> -> memref<150000x128xf32, #tpu.memory_space<hbm>>
    %dma_start3A_207 = arith.constant -1 : i32
    tpu.enqueue_indirect_dma source(%dma_start3A_206 : memref<150000x128xf32, #tpu.memory_space<hbm>>) target(%dma_start3A_201 : memref<88x128xf32, #tpu.memory_space<vmem>>) offsets(%dma_start3A_203 : memref<88xi32, #tpu.memory_space<vmem>>) offset_filter(%dma_start3A_207) semaphore(%arg14 : memref<!tpu.dma_semaphore, #tpu.memory_space<semaphore_mem>>)
    %scan3A_208 = arith.constant 0 : i32
    %scan3A_209 = arith.constant 0 : i32
    %scan3A_210 = arith.constant 25 : i32
    %scan3A_211 = arith.addi %scan3A_209, %scan3A_210 : i32
    %scan3A_212 = arith.constant 1 : i32
    %scan3A_213 = scf.for %scan3A_238 = %scan3A_209 to %scan3A_211 step %scan3A_212 iter_args(%scan3A_239 = %scan3A_208) -> (i32)  : i32 {
      %parallel_loop3A_240 = arith.constant 0 : i32
      %parallel_loop3A_241 = arith.constant 88 : i32
      %parallel_loop3A_242 = arith.constant 1 : i32
      scf.for %parallel_loop3A_353 = %parallel_loop3A_240 to %parallel_loop3A_241 step %parallel_loop3A_242  : i32 {
        %parallel_loop3A_354 = arith.constant 0 : i32
        %parallel_loop3A_355 = arith.addi %parallel_loop3A_354, %parallel_loop3A_353 : i32
        %parallel_loop3A_356 = arith.index_cast %parallel_loop3A_355 : i32 to index
        %parallel_loop3A_357 = arith.constant 0 : index
        %parallel_loop3A_358 = tpu.vector_load %arg9[%parallel_loop3A_356, %parallel_loop3A_357] {strides = array<i32>} : memref<176x128xf32, #tpu.memory_space<vmem>>, vector<16xf32>,
        tpu.vector_store %arg9[%parallel_loop3A_356, %parallel_loop3A_357], %broadcast_in_dim3A_187 {strides = array<i32>} : memref<176x128xf32, #tpu.memory_space<vmem>>, vector<16xf32>,
        %parallel_loop3A_359 = arith.constant 0 : i32
        %parallel_loop3A_360 = arith.addi %parallel_loop3A_359, %parallel_loop3A_353 : i32
        %parallel_loop3A_361 = arith.index_cast %parallel_loop3A_360 : i32 to index
        %parallel_loop3A_362 = arith.constant 16 : index
        %parallel_loop3A_363 = tpu.vector_load %arg9[%parallel_loop3A_361, %parallel_loop3A_362] {strides = array<i32>} : memref<176x128xf32, #tpu.memory_space<vmem>>, vector<16xf32>,
        tpu.vector_store %arg9[%parallel_loop3A_361, %parallel_loop3A_362], %broadcast_in_dim3A_187 {strides = array<i32>} : memref<176x128xf32, #tpu.memory_space<vmem>>, vector<16xf32>,
        %parallel_loop3A_364 = arith.constant 0 : i32
        %parallel_loop3A_365 = arith.addi %parallel_loop3A_364, %parallel_loop3A_353 : i32
        %parallel_loop3A_366 = arith.index_cast %parallel_loop3A_365 : i32 to index
        %parallel_loop3A_367 = arith.constant 32 : index
        %parallel_loop3A_368 = tpu.vector_load %arg9[%parallel_loop3A_366, %parallel_loop3A_367] {strides = array<i32>} : memref<176x128xf32, #tpu.memory_space<vmem>>, vector<16xf32>,
        tpu.vector_store %arg9[%parallel_loop3A_366, %parallel_loop3A_367], %broadcast_in_dim3A_187 {strides = array<i32>} : memref<176x128xf32, #tpu.memory_space<vmem>>, vector<16xf32>,
        %parallel_loop3A_369 = arith.constant 0 : i32
        %parallel_loop3A_370 = arith.addi %parallel_loop3A_369, %parallel_loop3A_353 : i32
        %parallel_loop3A_371 = arith.index_cast %parallel_loop3A_370 : i32 to index
        %parallel_loop3A_372 = arith.constant 48 : index
        %parallel_loop3A_373 = tpu.vector_load %arg9[%parallel_loop3A_371, %parallel_loop3A_372] {strides = array<i32>} : memref<176x128xf32, #tpu.memory_space<vmem>>, vector<16xf32>,
        tpu.vector_store %arg9[%parallel_loop3A_371, %parallel_loop3A_372], %broadcast_in_dim3A_187 {strides = array<i32>} : memref<176x128xf32, #tpu.memory_space<vmem>>, vector<16xf32>,
        %parallel_loop3A_374 = arith.constant 0 : i32
        %parallel_loop3A_375 = arith.addi %parallel_loop3A_374, %parallel_loop3A_353 : i32
        %parallel_loop3A_376 = arith.index_cast %parallel_loop3A_375 : i32 to index
        %parallel_loop3A_377 = arith.constant 64 : index
        %parallel_loop3A_378 = tpu.vector_load %arg9[%parallel_loop3A_376, %parallel_loop3A_377] {strides = array<i32>} : memref<176x128xf32, #tpu.memory_space<vmem>>, vector<16xf32>,
        tpu.vector_store %arg9[%parallel_loop3A_376, %parallel_loop3A_377], %broadcast_in_dim3A_187 {strides = array<i32>} : memref<176x128xf32, #tpu.memory_space<vmem>>, vector<16xf32>,
        %parallel_loop3A_379 = arith.constant 0 : i32
        %parallel_loop3A_380 = arith.addi %parallel_loop3A_379, %parallel_loop3A_353 : i32
        %parallel_loop3A_381 = arith.index_cast %parallel_loop3A_380 : i32 to index
        %parallel_loop3A_382 = arith.constant 80 : index
        %parallel_loop3A_383 = tpu.vector_load %arg9[%parallel_loop3A_381, %parallel_loop3A_382] {strides = array<i32>} : memref<176x128xf32, #tpu.memory_space<vmem>>, vector<16xf32>,
        tpu.vector_store %arg9[%parallel_loop3A_381, %parallel_loop3A_382], %broadcast_in_dim3A_187 {strides = array<i32>} : memref<176x128xf32, #tpu.memory_space<vmem>>, vector<16xf32>,
        %parallel_loop3A_384 = arith.constant 0 : i32
        %parallel_loop3A_385 = arith.addi %parallel_loop3A_384, %parallel_loop3A_353 : i32
        %parallel_loop3A_386 = arith.index_cast %parallel_loop3A_385 : i32 to index
        %parallel_loop3A_387 = arith.constant 96 : index
        %parallel_loop3A_388 = tpu.vector_load %arg9[%parallel_loop3A_386, %parallel_loop3A_387] {strides = array<i32>} : memref<176x128xf32, #tpu.memory_space<vmem>>, vector<16xf32>,
        tpu.vector_store %arg9[%parallel_loop3A_386, %parallel_loop3A_387], %broadcast_in_dim3A_187 {strides = array<i32>} : memref<176x128xf32, #tpu.memory_space<vmem>>, vector<16xf32>,
        %parallel_loop3A_389 = arith.constant 0 : i32
        %parallel_loop3A_390 = arith.addi %parallel_loop3A_389, %parallel_loop3A_353 : i32
        %parallel_loop3A_391 = arith.index_cast %parallel_loop3A_390 : i32 to index
        %parallel_loop3A_392 = arith.constant 112 : index
        %parallel_loop3A_393 = tpu.vector_load %arg9[%parallel_loop3A_391, %parallel_loop3A_392] {strides = array<i32>} : memref<176x128xf32, #tpu.memory_space<vmem>>, vector<16xf32>,
        tpu.vector_store %arg9[%parallel_loop3A_391, %parallel_loop3A_392], %broadcast_in_dim3A_187 {strides = array<i32>} : memref<176x128xf32, #tpu.memory_space<vmem>>, vector<16xf32>,
        %parallel_loop3A_394 = arith.constant 88 : i32
        %parallel_loop3A_395 = arith.addi %parallel_loop3A_394, %parallel_loop3A_353 : i32
        %parallel_loop3A_396 = arith.index_cast %parallel_loop3A_395 : i32 to index
        %parallel_loop3A_397 = arith.constant 0 : index
        %parallel_loop3A_398 = tpu.vector_load %arg9[%parallel_loop3A_396, %parallel_loop3A_397] {strides = array<i32>} : memref<176x128xf32, #tpu.memory_space<vmem>>, vector<16xf32>,
        tpu.vector_store %arg9[%parallel_loop3A_396, %parallel_loop3A_397], %broadcast_in_dim3A_187 {strides = array<i32>} : memref<176x128xf32, #tpu.memory_space<vmem>>, vector<16xf32>,
        %parallel_loop3A_399 = arith.constant 88 : i32
        %parallel_loop3A_400 = arith.addi %parallel_loop3A_399, %parallel_loop3A_353 : i32
        %parallel_loop3A_401 = arith.index_cast %parallel_loop3A_400 : i32 to index
        %parallel_loop3A_402 = arith.constant 16 : index
        %parallel_loop3A_403 = tpu.vector_load %arg9[%parallel_loop3A_401, %parallel_loop3A_402] {strides = array<i32>} : memref<176x128xf32, #tpu.memory_space<vmem>>, vector<16xf32>,
        tpu.vector_store %arg9[%parallel_loop3A_401, %parallel_loop3A_402], %broadcast_in_dim3A_187 {strides = array<i32>} : memref<176x128xf32, #tpu.memory_space<vmem>>, vector<16xf32>,
        %parallel_loop3A_404 = arith.constant 88 : i32
        %parallel_loop3A_405 = arith.addi %parallel_loop3A_404, %parallel_loop3A_353 : i32
        %parallel_loop3A_406 = arith.index_cast %parallel_loop3A_405 : i32 to index
        %parallel_loop3A_407 = arith.constant 32 : index
        %parallel_loop3A_408 = tpu.vector_load %arg9[%parallel_loop3A_406, %parallel_loop3A_407] {strides = array<i32>} : memref<176x128xf32, #tpu.memory_space<vmem>>, vector<16xf32>,
        tpu.vector_store %arg9[%parallel_loop3A_406, %parallel_loop3A_407], %broadcast_in_dim3A_187 {strides = array<i32>} : memref<176x128xf32, #tpu.memory_space<vmem>>, vector<16xf32>,
        %parallel_loop3A_409 = arith.constant 88 : i32
        %parallel_loop3A_410 = arith.addi %parallel_loop3A_409, %parallel_loop3A_353 : i32
        %parallel_loop3A_411 = arith.index_cast %parallel_loop3A_410 : i32 to index
        %parallel_loop3A_412 = arith.constant 48 : index
        %parallel_loop3A_413 = tpu.vector_load %arg9[%parallel_loop3A_411, %parallel_loop3A_412] {strides = array<i32>} : memref<176x128xf32, #tpu.memory_space<vmem>>, vector<16xf32>,
        tpu.vector_store %arg9[%parallel_loop3A_411, %parallel_loop3A_412], %broadcast_in_dim3A_187 {strides = array<i32>} : memref<176x128xf32, #tpu.memory_space<vmem>>, vector<16xf32>,
        %parallel_loop3A_414 = arith.constant 88 : i32
        %parallel_loop3A_415 = arith.addi %parallel_loop3A_414, %parallel_loop3A_353 : i32
        %parallel_loop3A_416 = arith.index_cast %parallel_loop3A_415 : i32 to index
        %parallel_loop3A_417 = arith.constant 64 : index
        %parallel_loop3A_418 = tpu.vector_load %arg9[%parallel_loop3A_416, %parallel_loop3A_417] {strides = array<i32>} : memref<176x128xf32, #tpu.memory_space<vmem>>, vector<16xf32>,
        tpu.vector_store %arg9[%parallel_loop3A_416, %parallel_loop3A_417], %broadcast_in_dim3A_187 {strides = array<i32>} : memref<176x128xf32, #tpu.memory_space<vmem>>, vector<16xf32>,
        %parallel_loop3A_419 = arith.constant 88 : i32
        %parallel_loop3A_420 = arith.addi %parallel_loop3A_419, %parallel_loop3A_353 : i32
        %parallel_loop3A_421 = arith.index_cast %parallel_loop3A_420 : i32 to index
        %parallel_loop3A_422 = arith.constant 80 : index
        %parallel_loop3A_423 = tpu.vector_load %arg9[%parallel_loop3A_421, %parallel_loop3A_422] {strides = array<i32>} : memref<176x128xf32, #tpu.memory_space<vmem>>, vector<16xf32>,
        tpu.vector_store %arg9[%parallel_loop3A_421, %parallel_loop3A_422], %broadcast_in_dim3A_187 {strides = array<i32>} : memref<176x128xf32, #tpu.memory_space<vmem>>, vector<16xf32>,
        %parallel_loop3A_424 = arith.constant 88 : i32
        %parallel_loop3A_425 = arith.addi %parallel_loop3A_424, %parallel_loop3A_353 : i32
        %parallel_loop3A_426 = arith.index_cast %parallel_loop3A_425 : i32 to index
        %parallel_loop3A_427 = arith.constant 96 : index
        %parallel_loop3A_428 = tpu.vector_load %arg9[%parallel_loop3A_426, %parallel_loop3A_427] {strides = array<i32>} : memref<176x128xf32, #tpu.memory_space<vmem>>, vector<16xf32>,
        tpu.vector_store %arg9[%parallel_loop3A_426, %parallel_loop3A_427], %broadcast_in_dim3A_187 {strides = array<i32>} : memref<176x128xf32, #tpu.memory_space<vmem>>, vector<16xf32>,
        %parallel_loop3A_429 = arith.constant 88 : i32
        %parallel_loop3A_430 = arith.addi %parallel_loop3A_429, %parallel_loop3A_353 : i32
        %parallel_loop3A_431 = arith.index_cast %parallel_loop3A_430 : i32 to index
        %parallel_loop3A_432 = arith.constant 112 : index
        %parallel_loop3A_433 = tpu.vector_load %arg9[%parallel_loop3A_431, %parallel_loop3A_432] {strides = array<i32>} : memref<176x128xf32, #tpu.memory_space<vmem>>, vector<16xf32>,
        tpu.vector_store %arg9[%parallel_loop3A_431, %parallel_loop3A_432], %broadcast_in_dim3A_187 {strides = array<i32>} : memref<176x128xf32, #tpu.memory_space<vmem>>, vector<16xf32>,
      } {sc.loop_unroll_factor = 2 : i64, sc.parallel_access}
      %mul3A_243 = arith.constant 176 : i32
      %mul3A_244 = arith.muli %scan3A_238, %mul3A_243 : i32
      %add3A_245 = arith.constant 88 : i32
      %add3A_246 = arith.addi %mul3A_244, %add3A_245 : i32
      %add3A_247 = arith.constant 0 : i32
      %add3A_248 = arith.addi %add3A_247, %add3A_246 : i32
      %add3A_249 = arith.constant 4400 : i32
      %add3A_250 = arith.addi %add3A_249, %add3A_246 : i32
      %dma_start3A_251 = arith.constant 0 : i32
      %dma_start3A_252 = arith.constant 0 : i32
      %dma_start3A_253 = tpu.memref_slice %arg9[%dma_start3A_251, %dma_start3A_252] : memref<176x128xf32, #tpu.memory_space<vmem>> -> memref<88x128xf32, #tpu.memory_space<vmem>>
      %dma_start3A_254 = tpu.memref_slice %arg5[%add3A_248] : memref<8800xi32, #tpu.memory_space<vmem>> -> memref<88xi32, #tpu.memory_space<vmem>>
      %dma_start3A_255 = arith.constant 0 : i32
      %dma_start3A_256 = arith.constant 0 : i32
      %dma_start3A_257 = tpu.memref_slice %arg2[%dma_start3A_255, %dma_start3A_256] : memref<150000x128xf32, #tpu.memory_space<hbm>> -> memref<150000x128xf32, #tpu.memory_space<hbm>>
      %dma_start3A_258 = arith.constant -1 : i32
      tpu.enqueue_indirect_dma source(%dma_start3A_257 : memref<150000x128xf32, #tpu.memory_space<hbm>>) target(%dma_start3A_253 : memref<88x128xf32, #tpu.memory_space<vmem>>) offsets(%dma_start3A_254 : memref<88xi32, #tpu.memory_space<vmem>>) offset_filter(%dma_start3A_258) semaphore(%arg15 : memref<!tpu.dma_semaphore, #tpu.memory_space<semaphore_mem>>)
      %dma_start3A_259 = arith.constant 88 : i32
      %dma_start3A_260 = arith.constant 0 : i32
      %dma_start3A_261 = tpu.memref_slice %arg9[%dma_start3A_259, %dma_start3A_260] : memref<176x128xf32, #tpu.memory_space<vmem>> -> memref<88x128xf32, #tpu.memory_space<vmem>>
      %dma_start3A_262 = tpu.memref_slice %arg5[%add3A_250] : memref<8800xi32, #tpu.memory_space<vmem>> -> memref<88xi32, #tpu.memory_space<vmem>>
      %dma_start3A_263 = arith.constant 0 : i32
      %dma_start3A_264 = arith.constant 0 : i32
      %dma_start3A_265 = tpu.memref_slice %arg2[%dma_start3A_263, %dma_start3A_264] : memref<150000x128xf32, #tpu.memory_space<hbm>> -> memref<150000x128xf32, #tpu.memory_space<hbm>>
      %dma_start3A_266 = arith.constant -1 : i32
      tpu.enqueue_indirect_dma source(%dma_start3A_265 : memref<150000x128xf32, #tpu.memory_space<hbm>>) target(%dma_start3A_261 : memref<88x128xf32, #tpu.memory_space<vmem>>) offsets(%dma_start3A_262 : memref<88xi32, #tpu.memory_space<vmem>>) offset_filter(%dma_start3A_266) semaphore(%arg15 : memref<!tpu.dma_semaphore, #tpu.memory_space<semaphore_mem>>)
      %mul3A_267 = arith.constant 176 : i32
      %mul3A_268 = arith.muli %scan3A_238, %mul3A_267 : i32
      %add3A_269 = arith.constant 0 : i32
      %add3A_270 = arith.addi %mul3A_268, %add3A_269 : i32
      %add3A_271 = arith.constant 0 : i32
      %add3A_272 = arith.addi %add3A_271, %add3A_270 : i32
      %add3A_273 = arith.constant 4400 : i32
      %add3A_274 = arith.addi %add3A_273, %add3A_270 : i32
      %dma_wait3A_275 = arith.constant 0 : i32
      %dma_wait3A_276 = arith.constant 0 : i32
      %dma_wait3A_277 = tpu.memref_slice %arg8[%dma_wait3A_275, %dma_wait3A_276] : memref<176x128xf32, #tpu.memory_space<vmem>> -> memref<88x128xf32, #tpu.memory_space<vmem>>
      %dma_wait3A_278 = tpu.memref_slice %arg5[%add3A_272] : memref<8800xi32, #tpu.memory_space<vmem>> -> memref<88xi32, #tpu.memory_space<vmem>>
      %dma_wait3A_279 = arith.constant 0 : i32
      %dma_wait3A_280 = arith.constant 0 : i32
      %dma_wait3A_281 = tpu.memref_slice %arg2[%dma_wait3A_279, %dma_wait3A_280] : memref<150000x128xf32, #tpu.memory_space<hbm>> -> memref<150000x128xf32, #tpu.memory_space<hbm>>
      tpu.wait_indirect_dma semaphore(%arg14 : memref<!tpu.dma_semaphore, #tpu.memory_space<semaphore_mem>>) src(%dma_wait3A_281 : memref<150000x128xf32, #tpu.memory_space<hbm>>) dst(%dma_wait3A_277 : memref<88x128xf32, #tpu.memory_space<vmem>>)
      %dma_wait3A_282 = arith.constant 88 : i32
      %dma_wait3A_283 = arith.constant 0 : i32
      %dma_wait3A_284 = tpu.memref_slice %arg8[%dma_wait3A_282, %dma_wait3A_283] : memref<176x128xf32, #tpu.memory_space<vmem>> -> memref<88x128xf32, #tpu.memory_space<vmem>>
      %dma_wait3A_285 = tpu.memref_slice %arg5[%add3A_274] : memref<8800xi32, #tpu.memory_space<vmem>> -> memref<88xi32, #tpu.memory_space<vmem>>
      %dma_wait3A_286 = arith.constant 0 : i32
      %dma_wait3A_287 = arith.constant 0 : i32
      %dma_wait3A_288 = tpu.memref_slice %arg2[%dma_wait3A_286, %dma_wait3A_287] : memref<150000x128xf32, #tpu.memory_space<hbm>> -> memref<150000x128xf32, #tpu.memory_space<hbm>>
      tpu.wait_indirect_dma semaphore(%arg14 : memref<!tpu.dma_semaphore, #tpu.memory_space<semaphore_mem>>) src(%dma_wait3A_288 : memref<150000x128xf32, #tpu.memory_space<hbm>>) dst(%dma_wait3A_284 : memref<88x128xf32, #tpu.memory_space<vmem>>)
      %gt3A = arith.constant 0 : i32
      %gt3A_289 = arith.cmpi sgt, %scan3A_238, %gt3A : i32
      %convert_element_type3A = arith.extui %gt3A_289 : i1 to i32
      %cond3A = arith.constant 0 : i32
      %cond3A_290 = arith.cmpi ne, %convert_element_type3A, %cond3A : i32
      scf.if %cond3A_290 {
        %mul3A_353 = arith.constant 25 : i32
        %mul3A_354 = arith.muli %sub3A_19, %mul3A_353 : i32
        %add3A_355 = arith.addi %mul3A_354, %scan3A_238 : i32
        %dma_wait3A_356 = arith.constant 0 : i32
        %dma_wait3A_357 = arith.constant 0 : i32
        %dma_wait3A_358 = tpu.memref_slice %arg4[%select_n3A, %add3A_355, %dma_wait3A_356, %dma_wait3A_357] : memref<4x200x176x256xf32, #tpu.memory_space<hbm>> -> memref<1x1x88x256xf32, #tpu.memory_space<hbm>>
        %dma_wait3A_359 = tpu.memref_squeeze %dma_wait3A_358 : memref<1x1x88x256xf32, #tpu.memory_space<hbm>> -> memref<88x256xf32, #tpu.memory_space<hbm>>
        %dma_wait3A_360 = arith.constant 0 : i32
        %dma_wait3A_361 = arith.constant 0 : i32
        %dma_wait3A_362 = tpu.memref_slice %arg4[%select_n3A, %add3A_355, %dma_wait3A_360, %dma_wait3A_361] : memref<4x200x176x256xf32, #tpu.memory_space<hbm>> -> memref<1x1x88x256xf32, #tpu.memory_space<hbm>>
        %dma_wait3A_363 = tpu.memref_squeeze %dma_wait3A_362 : memref<1x1x88x256xf32, #tpu.memory_space<hbm>> -> memref<88x256xf32, #tpu.memory_space<hbm>>
        tpu.wait_dma2 semaphore(%arg16 : memref<!tpu.dma_semaphore, #tpu.memory_space<semaphore_mem>>) src(%arg10 : memref<88x256xf32, #tpu.memory_space<vmem>>) dst(%dma_wait3A_363 : memref<88x256xf32, #tpu.memory_space<hbm>>)
      } else {
      }
      %parallel_loop3A_291 = arith.constant 0 : i32
      %parallel_loop3A_292 = arith.constant 88 : i32
      %parallel_loop3A_293 = arith.constant 1 : i32
      scf.for %parallel_loop3A_353 = %parallel_loop3A_291 to %parallel_loop3A_292 step %parallel_loop3A_293  : i32 {
        %parallel_loop3A_354 = arith.constant 0 : i32
        %parallel_loop3A_355 = vector.broadcast %parallel_loop3A_354 : i32 to vector<16xi32>
        %parallel_loop3A_356 = vector.broadcast %parallel_loop3A_353 : i32 to vector<16xi32>
        %parallel_loop3A_357 = arith.addi %parallel_loop3A_355, %parallel_loop3A_356 : vector<16xi32>
        %parallel_loop3A_358 = arith.index_cast %parallel_loop3A_353 : i32 to index
        %parallel_loop3A_359 = arith.constant 0 : index
        %parallel_loop3A_360 = tpu.vector_load %arg8[%parallel_loop3A_358, %parallel_loop3A_359] {strides = array<i32>} : memref<176x128xf32, #tpu.memory_space<vmem>>, vector<16xf32>,
        tpu.vector_store_idx %arg10[%parallel_loop3A_357, %add3A_51], %parallel_loop3A_360 : memref<88x256xf32, #tpu.memory_space<vmem>>[vector<16xi32>, vector<16xi32>], vector<16xf32>,
        %parallel_loop3A_361 = arith.constant 88 : i32
        %parallel_loop3A_362 = arith.addi %parallel_loop3A_361, %parallel_loop3A_353 : i32
        %parallel_loop3A_363 = arith.index_cast %parallel_loop3A_362 : i32 to index
        %parallel_loop3A_364 = arith.constant 0 : index
        %parallel_loop3A_365 = tpu.vector_load %arg8[%parallel_loop3A_363, %parallel_loop3A_364] {strides = array<i32>} : memref<176x128xf32, #tpu.memory_space<vmem>>, vector<16xf32>,
        tpu.vector_store_idx %arg10[%parallel_loop3A_357, %add3A_123], %parallel_loop3A_365 : memref<88x256xf32, #tpu.memory_space<vmem>>[vector<16xi32>, vector<16xi32>], vector<16xf32>,
        %parallel_loop3A_366 = arith.index_cast %parallel_loop3A_353 : i32 to index
        %parallel_loop3A_367 = arith.constant 16 : index
        %parallel_loop3A_368 = tpu.vector_load %arg8[%parallel_loop3A_366, %parallel_loop3A_367] {strides = array<i32>} : memref<176x128xf32, #tpu.memory_space<vmem>>, vector<16xf32>,
        tpu.vector_store_idx %arg10[%parallel_loop3A_357, %add3A_60], %parallel_loop3A_368 : memref<88x256xf32, #tpu.memory_space<vmem>>[vector<16xi32>, vector<16xi32>], vector<16xf32>,
        %parallel_loop3A_369 = arith.constant 88 : i32
        %parallel_loop3A_370 = arith.addi %parallel_loop3A_369, %parallel_loop3A_353 : i32
        %parallel_loop3A_371 = arith.index_cast %parallel_loop3A_370 : i32 to index
        %parallel_loop3A_372 = arith.constant 16 : index
        %parallel_loop3A_373 = tpu.vector_load %arg8[%parallel_loop3A_371, %parallel_loop3A_372] {strides = array<i32>} : memref<176x128xf32, #tpu.memory_space<vmem>>, vector<16xf32>,
        tpu.vector_store_idx %arg10[%parallel_loop3A_357, %add3A_132], %parallel_loop3A_373 : memref<88x256xf32, #tpu.memory_space<vmem>>[vector<16xi32>, vector<16xi32>], vector<16xf32>,
        %parallel_loop3A_374 = arith.index_cast %parallel_loop3A_353 : i32 to index
        %parallel_loop3A_375 = arith.constant 32 : index
        %parallel_loop3A_376 = tpu.vector_load %arg8[%parallel_loop3A_374, %parallel_loop3A_375] {strides = array<i32>} : memref<176x128xf32, #tpu.memory_space<vmem>>, vector<16xf32>,
        tpu.vector_store_idx %arg10[%parallel_loop3A_357, %add3A_69], %parallel_loop3A_376 : memref<88x256xf32, #tpu.memory_space<vmem>>[vector<16xi32>, vector<16xi32>], vector<16xf32>,
        %parallel_loop3A_377 = arith.constant 88 : i32
        %parallel_loop3A_378 = arith.addi %parallel_loop3A_377, %parallel_loop3A_353 : i32
        %parallel_loop3A_379 = arith.index_cast %parallel_loop3A_378 : i32 to index
        %parallel_loop3A_380 = arith.constant 32 : index
        %parallel_loop3A_381 = tpu.vector_load %arg8[%parallel_loop3A_379, %parallel_loop3A_380] {strides = array<i32>} : memref<176x128xf32, #tpu.memory_space<vmem>>, vector<16xf32>,
        tpu.vector_store_idx %arg10[%parallel_loop3A_357, %add3A_141], %parallel_loop3A_381 : memref<88x256xf32, #tpu.memory_space<vmem>>[vector<16xi32>, vector<16xi32>], vector<16xf32>,
        %parallel_loop3A_382 = arith.index_cast %parallel_loop3A_353 : i32 to index
        %parallel_loop3A_383 = arith.constant 48 : index
        %parallel_loop3A_384 = tpu.vector_load %arg8[%parallel_loop3A_382, %parallel_loop3A_383] {strides = array<i32>} : memref<176x128xf32, #tpu.memory_space<vmem>>, vector<16xf32>,
        tpu.vector_store_idx %arg10[%parallel_loop3A_357, %add3A_78], %parallel_loop3A_384 : memref<88x256xf32, #tpu.memory_space<vmem>>[vector<16xi32>, vector<16xi32>], vector<16xf32>,
        %parallel_loop3A_385 = arith.constant 88 : i32
        %parallel_loop3A_386 = arith.addi %parallel_loop3A_385, %parallel_loop3A_353 : i32
        %parallel_loop3A_387 = arith.index_cast %parallel_loop3A_386 : i32 to index
        %parallel_loop3A_388 = arith.constant 48 : index
        %parallel_loop3A_389 = tpu.vector_load %arg8[%parallel_loop3A_387, %parallel_loop3A_388] {strides = array<i32>} : memref<176x128xf32, #tpu.memory_space<vmem>>, vector<16xf32>,
        tpu.vector_store_idx %arg10[%parallel_loop3A_357, %add3A_150], %parallel_loop3A_389 : memref<88x256xf32, #tpu.memory_space<vmem>>[vector<16xi32>, vector<16xi32>], vector<16xf32>,
        %parallel_loop3A_390 = arith.index_cast %parallel_loop3A_353 : i32 to index
        %parallel_loop3A_391 = arith.constant 64 : index
        %parallel_loop3A_392 = tpu.vector_load %arg8[%parallel_loop3A_390, %parallel_loop3A_391] {strides = array<i32>} : memref<176x128xf32, #tpu.memory_space<vmem>>, vector<16xf32>,
        tpu.vector_store_idx %arg10[%parallel_loop3A_357, %add3A_87], %parallel_loop3A_392 : memref<88x256xf32, #tpu.memory_space<vmem>>[vector<16xi32>, vector<16xi32>], vector<16xf32>,
        %parallel_loop3A_393 = arith.constant 88 : i32
        %parallel_loop3A_394 = arith.addi %parallel_loop3A_393, %parallel_loop3A_353 : i32
        %parallel_loop3A_395 = arith.index_cast %parallel_loop3A_394 : i32 to index
        %parallel_loop3A_396 = arith.constant 64 : index
        %parallel_loop3A_397 = tpu.vector_load %arg8[%parallel_loop3A_395, %parallel_loop3A_396] {strides = array<i32>} : memref<176x128xf32, #tpu.memory_space<vmem>>, vector<16xf32>,
        tpu.vector_store_idx %arg10[%parallel_loop3A_357, %add3A_159], %parallel_loop3A_397 : memref<88x256xf32, #tpu.memory_space<vmem>>[vector<16xi32>, vector<16xi32>], vector<16xf32>,
        %parallel_loop3A_398 = arith.index_cast %parallel_loop3A_353 : i32 to index
        %parallel_loop3A_399 = arith.constant 80 : index
        %parallel_loop3A_400 = tpu.vector_load %arg8[%parallel_loop3A_398, %parallel_loop3A_399] {strides = array<i32>} : memref<176x128xf32, #tpu.memory_space<vmem>>, vector<16xf32>,
        tpu.vector_store_idx %arg10[%parallel_loop3A_357, %add3A_96], %parallel_loop3A_400 : memref<88x256xf32, #tpu.memory_space<vmem>>[vector<16xi32>, vector<16xi32>], vector<16xf32>,
        %parallel_loop3A_401 = arith.constant 88 : i32
        %parallel_loop3A_402 = arith.addi %parallel_loop3A_401, %parallel_loop3A_353 : i32
        %parallel_loop3A_403 = arith.index_cast %parallel_loop3A_402 : i32 to index
        %parallel_loop3A_404 = arith.constant 80 : index
        %parallel_loop3A_405 = tpu.vector_load %arg8[%parallel_loop3A_403, %parallel_loop3A_404] {strides = array<i32>} : memref<176x128xf32, #tpu.memory_space<vmem>>, vector<16xf32>,
        tpu.vector_store_idx %arg10[%parallel_loop3A_357, %add3A_168], %parallel_loop3A_405 : memref<88x256xf32, #tpu.memory_space<vmem>>[vector<16xi32>, vector<16xi32>], vector<16xf32>,
        %parallel_loop3A_406 = arith.index_cast %parallel_loop3A_353 : i32 to index
        %parallel_loop3A_407 = arith.constant 96 : index
        %parallel_loop3A_408 = tpu.vector_load %arg8[%parallel_loop3A_406, %parallel_loop3A_407] {strides = array<i32>} : memref<176x128xf32, #tpu.memory_space<vmem>>, vector<16xf32>,
        tpu.vector_store_idx %arg10[%parallel_loop3A_357, %add3A_105], %parallel_loop3A_408 : memref<88x256xf32, #tpu.memory_space<vmem>>[vector<16xi32>, vector<16xi32>], vector<16xf32>,
        %parallel_loop3A_409 = arith.constant 88 : i32
        %parallel_loop3A_410 = arith.addi %parallel_loop3A_409, %parallel_loop3A_353 : i32
        %parallel_loop3A_411 = arith.index_cast %parallel_loop3A_410 : i32 to index
        %parallel_loop3A_412 = arith.constant 96 : index
        %parallel_loop3A_413 = tpu.vector_load %arg8[%parallel_loop3A_411, %parallel_loop3A_412] {strides = array<i32>} : memref<176x128xf32, #tpu.memory_space<vmem>>, vector<16xf32>,
        tpu.vector_store_idx %arg10[%parallel_loop3A_357, %add3A_177], %parallel_loop3A_413 : memref<88x256xf32, #tpu.memory_space<vmem>>[vector<16xi32>, vector<16xi32>], vector<16xf32>,
        %parallel_loop3A_414 = arith.index_cast %parallel_loop3A_353 : i32 to index
        %parallel_loop3A_415 = arith.constant 112 : index
        %parallel_loop3A_416 = tpu.vector_load %arg8[%parallel_loop3A_414, %parallel_loop3A_415] {strides = array<i32>} : memref<176x128xf32, #tpu.memory_space<vmem>>, vector<16xf32>,
        tpu.vector_store_idx %arg10[%parallel_loop3A_357, %add3A_114], %parallel_loop3A_416 : memref<88x256xf32, #tpu.memory_space<vmem>>[vector<16xi32>, vector<16xi32>], vector<16xf32>,
        %parallel_loop3A_417 = arith.constant 88 : i32
        %parallel_loop3A_418 = arith.addi %parallel_loop3A_417, %parallel_loop3A_353 : i32
        %parallel_loop3A_419 = arith.index_cast %parallel_loop3A_418 : i32 to index
        %parallel_loop3A_420 = arith.constant 112 : index
        %parallel_loop3A_421 = tpu.vector_load %arg8[%parallel_loop3A_419, %parallel_loop3A_420] {strides = array<i32>} : memref<176x128xf32, #tpu.memory_space<vmem>>, vector<16xf32>,
        tpu.vector_store_idx %arg10[%parallel_loop3A_357, %add3A_186], %parallel_loop3A_421 : memref<88x256xf32, #tpu.memory_space<vmem>>[vector<16xi32>, vector<16xi32>], vector<16xf32>,
      } {sc.loop_unroll_factor = 2 : i64, sc.parallel_access}
      %mul3A_294 = arith.constant 25 : i32
      %mul3A_295 = arith.muli %sub3A_19, %mul3A_294 : i32
      %add3A_296 = arith.addi %mul3A_295, %scan3A_238 : i32
      %dma_start3A_297 = arith.constant 0 : i32
      %dma_start3A_298 = arith.constant 0 : i32
      %dma_start3A_299 = tpu.memref_slice %arg4[%select_n3A, %add3A_296, %dma_start3A_297, %dma_start3A_298] : memref<4x200x176x256xf32, #tpu.memory_space<hbm>> -> memref<1x1x88x256xf32, #tpu.memory_space<hbm>>
      %dma_start3A_300 = tpu.memref_squeeze %dma_start3A_299 : memref<1x1x88x256xf32, #tpu.memory_space<hbm>> -> memref<88x256xf32, #tpu.memory_space<hbm>>
      %dma_start3A_301 = arith.constant 0 : i32
      %dma_start3A_302 = arith.constant 0 : i32
      %dma_start3A_303 = tpu.memref_slice %arg4[%select_n3A, %add3A_296, %dma_start3A_301, %dma_start3A_302] : memref<4x200x176x256xf32, #tpu.memory_space<hbm>> -> memref<1x1x88x256xf32, #tpu.memory_space<hbm>>
      %dma_start3A_304 = tpu.memref_squeeze %dma_start3A_303 : memref<1x1x88x256xf32, #tpu.memory_space<hbm>> -> memref<88x256xf32, #tpu.memory_space<hbm>>
      tpu.enqueue_dma source(%arg10 : memref<88x256xf32, #tpu.memory_space<vmem>>) target(%dma_start3A_304 : memref<88x256xf32, #tpu.memory_space<hbm>>) target_semaphore(%arg16 : memref<!tpu.dma_semaphore, #tpu.memory_space<semaphore_mem>>)
      %add3A_305 = arith.constant 1 : i32
      %add3A_306 = arith.addi %scan3A_238, %add3A_305 : i32
      %lt3A = arith.constant 25 : i32
      %lt3A_307 = arith.cmpi slt, %add3A_306, %lt3A : i32
      %convert_element_type3A_308 = arith.extui %lt3A_307 : i1 to i32
      %cond3A_309 = arith.constant 0 : i32
      %cond3A_310 = arith.cmpi ne, %convert_element_type3A_308, %cond3A_309 : i32
      scf.if %cond3A_310 {
        %parallel_loop3A_353 = arith.constant 0 : i32
        %parallel_loop3A_354 = arith.constant 88 : i32
        %parallel_loop3A_355 = arith.constant 1 : i32
        scf.for %parallel_loop3A_382 = %parallel_loop3A_353 to %parallel_loop3A_354 step %parallel_loop3A_355  : i32 {
          %parallel_loop3A_383 = arith.constant 0 : i32
          %parallel_loop3A_384 = arith.addi %parallel_loop3A_383, %parallel_loop3A_382 : i32
          %parallel_loop3A_385 = arith.index_cast %parallel_loop3A_384 : i32 to index
          %parallel_loop3A_386 = arith.constant 0 : index
          %parallel_loop3A_387 = tpu.vector_load %arg8[%parallel_loop3A_385, %parallel_loop3A_386] {strides = array<i32>} : memref<176x128xf32, #tpu.memory_space<vmem>>, vector<16xf32>,
          tpu.vector_store %arg8[%parallel_loop3A_385, %parallel_loop3A_386], %broadcast_in_dim3A_187 {strides = array<i32>} : memref<176x128xf32, #tpu.memory_space<vmem>>, vector<16xf32>,
          %parallel_loop3A_388 = arith.constant 0 : i32
          %parallel_loop3A_389 = arith.addi %parallel_loop3A_388, %parallel_loop3A_382 : i32
          %parallel_loop3A_390 = arith.index_cast %parallel_loop3A_389 : i32 to index
          %parallel_loop3A_391 = arith.constant 16 : index
          %parallel_loop3A_392 = tpu.vector_load %arg8[%parallel_loop3A_390, %parallel_loop3A_391] {strides = array<i32>} : memref<176x128xf32, #tpu.memory_space<vmem>>, vector<16xf32>,
          tpu.vector_store %arg8[%parallel_loop3A_390, %parallel_loop3A_391], %broadcast_in_dim3A_187 {strides = array<i32>} : memref<176x128xf32, #tpu.memory_space<vmem>>, vector<16xf32>,
          %parallel_loop3A_393 = arith.constant 0 : i32
          %parallel_loop3A_394 = arith.addi %parallel_loop3A_393, %parallel_loop3A_382 : i32
          %parallel_loop3A_395 = arith.index_cast %parallel_loop3A_394 : i32 to index
          %parallel_loop3A_396 = arith.constant 32 : index
          %parallel_loop3A_397 = tpu.vector_load %arg8[%parallel_loop3A_395, %parallel_loop3A_396] {strides = array<i32>} : memref<176x128xf32, #tpu.memory_space<vmem>>, vector<16xf32>,
          tpu.vector_store %arg8[%parallel_loop3A_395, %parallel_loop3A_396], %broadcast_in_dim3A_187 {strides = array<i32>} : memref<176x128xf32, #tpu.memory_space<vmem>>, vector<16xf32>,
          %parallel_loop3A_398 = arith.constant 0 : i32
          %parallel_loop3A_399 = arith.addi %parallel_loop3A_398, %parallel_loop3A_382 : i32
          %parallel_loop3A_400 = arith.index_cast %parallel_loop3A_399 : i32 to index
          %parallel_loop3A_401 = arith.constant 48 : index
          %parallel_loop3A_402 = tpu.vector_load %arg8[%parallel_loop3A_400, %parallel_loop3A_401] {strides = array<i32>} : memref<176x128xf32, #tpu.memory_space<vmem>>, vector<16xf32>,
          tpu.vector_store %arg8[%parallel_loop3A_400, %parallel_loop3A_401], %broadcast_in_dim3A_187 {strides = array<i32>} : memref<176x128xf32, #tpu.memory_space<vmem>>, vector<16xf32>,
          %parallel_loop3A_403 = arith.constant 0 : i32
          %parallel_loop3A_404 = arith.addi %parallel_loop3A_403, %parallel_loop3A_382 : i32
          %parallel_loop3A_405 = arith.index_cast %parallel_loop3A_404 : i32 to index
          %parallel_loop3A_406 = arith.constant 64 : index
          %parallel_loop3A_407 = tpu.vector_load %arg8[%parallel_loop3A_405, %parallel_loop3A_406] {strides = array<i32>} : memref<176x128xf32, #tpu.memory_space<vmem>>, vector<16xf32>,
          tpu.vector_store %arg8[%parallel_loop3A_405, %parallel_loop3A_406], %broadcast_in_dim3A_187 {strides = array<i32>} : memref<176x128xf32, #tpu.memory_space<vmem>>, vector<16xf32>,
          %parallel_loop3A_408 = arith.constant 0 : i32
          %parallel_loop3A_409 = arith.addi %parallel_loop3A_408, %parallel_loop3A_382 : i32
          %parallel_loop3A_410 = arith.index_cast %parallel_loop3A_409 : i32 to index
          %parallel_loop3A_411 = arith.constant 80 : index
          %parallel_loop3A_412 = tpu.vector_load %arg8[%parallel_loop3A_410, %parallel_loop3A_411] {strides = array<i32>} : memref<176x128xf32, #tpu.memory_space<vmem>>, vector<16xf32>,
          tpu.vector_store %arg8[%parallel_loop3A_410, %parallel_loop3A_411], %broadcast_in_dim3A_187 {strides = array<i32>} : memref<176x128xf32, #tpu.memory_space<vmem>>, vector<16xf32>,
          %parallel_loop3A_413 = arith.constant 0 : i32
          %parallel_loop3A_414 = arith.addi %parallel_loop3A_413, %parallel_loop3A_382 : i32
          %parallel_loop3A_415 = arith.index_cast %parallel_loop3A_414 : i32 to index
          %parallel_loop3A_416 = arith.constant 96 : index
          %parallel_loop3A_417 = tpu.vector_load %arg8[%parallel_loop3A_415, %parallel_loop3A_416] {strides = array<i32>} : memref<176x128xf32, #tpu.memory_space<vmem>>, vector<16xf32>,
          tpu.vector_store %arg8[%parallel_loop3A_415, %parallel_loop3A_416], %broadcast_in_dim3A_187 {strides = array<i32>} : memref<176x128xf32, #tpu.memory_space<vmem>>, vector<16xf32>,
          %parallel_loop3A_418 = arith.constant 0 : i32
          %parallel_loop3A_419 = arith.addi %parallel_loop3A_418, %parallel_loop3A_382 : i32
          %parallel_loop3A_420 = arith.index_cast %parallel_loop3A_419 : i32 to index
          %parallel_loop3A_421 = arith.constant 112 : index
          %parallel_loop3A_422 = tpu.vector_load %arg8[%parallel_loop3A_420, %parallel_loop3A_421] {strides = array<i32>} : memref<176x128xf32, #tpu.memory_space<vmem>>, vector<16xf32>,
          tpu.vector_store %arg8[%parallel_loop3A_420, %parallel_loop3A_421], %broadcast_in_dim3A_187 {strides = array<i32>} : memref<176x128xf32, #tpu.memory_space<vmem>>, vector<16xf32>,
          %parallel_loop3A_423 = arith.constant 88 : i32
          %parallel_loop3A_424 = arith.addi %parallel_loop3A_423, %parallel_loop3A_382 : i32
          %parallel_loop3A_425 = arith.index_cast %parallel_loop3A_424 : i32 to index
          %parallel_loop3A_426 = arith.constant 0 : index
          %parallel_loop3A_427 = tpu.vector_load %arg8[%parallel_loop3A_425, %parallel_loop3A_426] {strides = array<i32>} : memref<176x128xf32, #tpu.memory_space<vmem>>, vector<16xf32>,
          tpu.vector_store %arg8[%parallel_loop3A_425, %parallel_loop3A_426], %broadcast_in_dim3A_187 {strides = array<i32>} : memref<176x128xf32, #tpu.memory_space<vmem>>, vector<16xf32>,
          %parallel_loop3A_428 = arith.constant 88 : i32
          %parallel_loop3A_429 = arith.addi %parallel_loop3A_428, %parallel_loop3A_382 : i32
          %parallel_loop3A_430 = arith.index_cast %parallel_loop3A_429 : i32 to index
          %parallel_loop3A_431 = arith.constant 16 : index
          %parallel_loop3A_432 = tpu.vector_load %arg8[%parallel_loop3A_430, %parallel_loop3A_431] {strides = array<i32>} : memref<176x128xf32, #tpu.memory_space<vmem>>, vector<16xf32>,
          tpu.vector_store %arg8[%parallel_loop3A_430, %parallel_loop3A_431], %broadcast_in_dim3A_187 {strides = array<i32>} : memref<176x128xf32, #tpu.memory_space<vmem>>, vector<16xf32>,
          %parallel_loop3A_433 = arith.constant 88 : i32
          %parallel_loop3A_434 = arith.addi %parallel_loop3A_433, %parallel_loop3A_382 : i32
          %parallel_loop3A_435 = arith.index_cast %parallel_loop3A_434 : i32 to index
          %parallel_loop3A_436 = arith.constant 32 : index
          %parallel_loop3A_437 = tpu.vector_load %arg8[%parallel_loop3A_435, %parallel_loop3A_436] {strides = array<i32>} : memref<176x128xf32, #tpu.memory_space<vmem>>, vector<16xf32>,
          tpu.vector_store %arg8[%parallel_loop3A_435, %parallel_loop3A_436], %broadcast_in_dim3A_187 {strides = array<i32>} : memref<176x128xf32, #tpu.memory_space<vmem>>, vector<16xf32>,
          %parallel_loop3A_438 = arith.constant 88 : i32
          %parallel_loop3A_439 = arith.addi %parallel_loop3A_438, %parallel_loop3A_382 : i32
          %parallel_loop3A_440 = arith.index_cast %parallel_loop3A_439 : i32 to index
          %parallel_loop3A_441 = arith.constant 48 : index
          %parallel_loop3A_442 = tpu.vector_load %arg8[%parallel_loop3A_440, %parallel_loop3A_441] {strides = array<i32>} : memref<176x128xf32, #tpu.memory_space<vmem>>, vector<16xf32>,
          tpu.vector_store %arg8[%parallel_loop3A_440, %parallel_loop3A_441], %broadcast_in_dim3A_187 {strides = array<i32>} : memref<176x128xf32, #tpu.memory_space<vmem>>, vector<16xf32>,
          %parallel_loop3A_443 = arith.constant 88 : i32
          %parallel_loop3A_444 = arith.addi %parallel_loop3A_443, %parallel_loop3A_382 : i32
          %parallel_loop3A_445 = arith.index_cast %parallel_loop3A_444 : i32 to index
          %parallel_loop3A_446 = arith.constant 64 : index
          %parallel_loop3A_447 = tpu.vector_load %arg8[%parallel_loop3A_445, %parallel_loop3A_446] {strides = array<i32>} : memref<176x128xf32, #tpu.memory_space<vmem>>, vector<16xf32>,
          tpu.vector_store %arg8[%parallel_loop3A_445, %parallel_loop3A_446], %broadcast_in_dim3A_187 {strides = array<i32>} : memref<176x128xf32, #tpu.memory_space<vmem>>, vector<16xf32>,
          %parallel_loop3A_448 = arith.constant 88 : i32
          %parallel_loop3A_449 = arith.addi %parallel_loop3A_448, %parallel_loop3A_382 : i32
          %parallel_loop3A_450 = arith.index_cast %parallel_loop3A_449 : i32 to index
          %parallel_loop3A_451 = arith.constant 80 : index
          %parallel_loop3A_452 = tpu.vector_load %arg8[%parallel_loop3A_450, %parallel_loop3A_451] {strides = array<i32>} : memref<176x128xf32, #tpu.memory_space<vmem>>, vector<16xf32>,
          tpu.vector_store %arg8[%parallel_loop3A_450, %parallel_loop3A_451], %broadcast_in_dim3A_187 {strides = array<i32>} : memref<176x128xf32, #tpu.memory_space<vmem>>, vector<16xf32>,
          %parallel_loop3A_453 = arith.constant 88 : i32
          %parallel_loop3A_454 = arith.addi %parallel_loop3A_453, %parallel_loop3A_382 : i32
          %parallel_loop3A_455 = arith.index_cast %parallel_loop3A_454 : i32 to index
          %parallel_loop3A_456 = arith.constant 96 : index
          %parallel_loop3A_457 = tpu.vector_load %arg8[%parallel_loop3A_455, %parallel_loop3A_456] {strides = array<i32>} : memref<176x128xf32, #tpu.memory_space<vmem>>, vector<16xf32>,
          tpu.vector_store %arg8[%parallel_loop3A_455, %parallel_loop3A_456], %broadcast_in_dim3A_187 {strides = array<i32>} : memref<176x128xf32, #tpu.memory_space<vmem>>, vector<16xf32>,
          %parallel_loop3A_458 = arith.constant 88 : i32
          %parallel_loop3A_459 = arith.addi %parallel_loop3A_458, %parallel_loop3A_382 : i32
          %parallel_loop3A_460 = arith.index_cast %parallel_loop3A_459 : i32 to index
          %parallel_loop3A_461 = arith.constant 112 : index
          %parallel_loop3A_462 = tpu.vector_load %arg8[%parallel_loop3A_460, %parallel_loop3A_461] {strides = array<i32>} : memref<176x128xf32, #tpu.memory_space<vmem>>, vector<16xf32>,
          tpu.vector_store %arg8[%parallel_loop3A_460, %parallel_loop3A_461], %broadcast_in_dim3A_187 {strides = array<i32>} : memref<176x128xf32, #tpu.memory_space<vmem>>, vector<16xf32>,
        } {sc.loop_unroll_factor = 2 : i64, sc.parallel_access}
        %add3A_356 = arith.constant 1 : i32
        %add3A_357 = arith.addi %scan3A_238, %add3A_356 : i32
        %mul3A_358 = arith.constant 176 : i32
        %mul3A_359 = arith.muli %add3A_357, %mul3A_358 : i32
        %add3A_360 = arith.constant 0 : i32
        %add3A_361 = arith.addi %mul3A_359, %add3A_360 : i32
        %add3A_362 = arith.constant 0 : i32
        %add3A_363 = arith.addi %add3A_362, %add3A_361 : i32
        %add3A_364 = arith.constant 4400 : i32
        %add3A_365 = arith.addi %add3A_364, %add3A_361 : i32
        %dma_start3A_366 = arith.constant 0 : i32
        %dma_start3A_367 = arith.constant 0 : i32
        %dma_start3A_368 = tpu.memref_slice %arg8[%dma_start3A_366, %dma_start3A_367] : memref<176x128xf32, #tpu.memory_space<vmem>> -> memref<88x128xf32, #tpu.memory_space<vmem>>
        %dma_start3A_369 = tpu.memref_slice %arg5[%add3A_363] : memref<8800xi32, #tpu.memory_space<vmem>> -> memref<88xi32, #tpu.memory_space<vmem>>
        %dma_start3A_370 = arith.constant 0 : i32
        %dma_start3A_371 = arith.constant 0 : i32
        %dma_start3A_372 = tpu.memref_slice %arg2[%dma_start3A_370, %dma_start3A_371] : memref<150000x128xf32, #tpu.memory_space<hbm>> -> memref<150000x128xf32, #tpu.memory_space<hbm>>
        %dma_start3A_373 = arith.constant -1 : i32
        tpu.enqueue_indirect_dma source(%dma_start3A_372 : memref<150000x128xf32, #tpu.memory_space<hbm>>) target(%dma_start3A_368 : memref<88x128xf32, #tpu.memory_space<vmem>>) offsets(%dma_start3A_369 : memref<88xi32, #tpu.memory_space<vmem>>) offset_filter(%dma_start3A_373) semaphore(%arg14 : memref<!tpu.dma_semaphore, #tpu.memory_space<semaphore_mem>>)
        %dma_start3A_374 = arith.constant 88 : i32
        %dma_start3A_375 = arith.constant 0 : i32
        %dma_start3A_376 = tpu.memref_slice %arg8[%dma_start3A_374, %dma_start3A_375] : memref<176x128xf32, #tpu.memory_space<vmem>> -> memref<88x128xf32, #tpu.memory_space<vmem>>
        %dma_start3A_377 = tpu.memref_slice %arg5[%add3A_365] : memref<8800xi32, #tpu.memory_space<vmem>> -> memref<88xi32, #tpu.memory_space<vmem>>
        %dma_start3A_378 = arith.constant 0 : i32
        %dma_start3A_379 = arith.constant 0 : i32
        %dma_start3A_380 = tpu.memref_slice %arg2[%dma_start3A_378, %dma_start3A_379] : memref<150000x128xf32, #tpu.memory_space<hbm>> -> memref<150000x128xf32, #tpu.memory_space<hbm>>
        %dma_start3A_381 = arith.constant -1 : i32
        tpu.enqueue_indirect_dma source(%dma_start3A_380 : memref<150000x128xf32, #tpu.memory_space<hbm>>) target(%dma_start3A_376 : memref<88x128xf32, #tpu.memory_space<vmem>>) offsets(%dma_start3A_377 : memref<88xi32, #tpu.memory_space<vmem>>) offset_filter(%dma_start3A_381) semaphore(%arg14 : memref<!tpu.dma_semaphore, #tpu.memory_space<semaphore_mem>>)
      } else {
      }
      %mul3A_311 = arith.constant 176 : i32
      %mul3A_312 = arith.muli %scan3A_238, %mul3A_311 : i32
      %add3A_313 = arith.constant 88 : i32
      %add3A_314 = arith.addi %mul3A_312, %add3A_313 : i32
      %add3A_315 = arith.constant 0 : i32
      %add3A_316 = arith.addi %add3A_315, %add3A_314 : i32
      %add3A_317 = arith.constant 4400 : i32
      %add3A_318 = arith.addi %add3A_317, %add3A_314 : i32
      %dma_wait3A_319 = arith.constant 0 : i32
      %dma_wait3A_320 = arith.constant 0 : i32
      %dma_wait3A_321 = tpu.memref_slice %arg9[%dma_wait3A_319, %dma_wait3A_320] : memref<176x128xf32, #tpu.memory_space<vmem>> -> memref<88x128xf32, #tpu.memory_space<vmem>>
      %dma_wait3A_322 = tpu.memref_slice %arg5[%add3A_316] : memref<8800xi32, #tpu.memory_space<vmem>> -> memref<88xi32, #tpu.memory_space<vmem>>
      %dma_wait3A_323 = arith.constant 0 : i32
      %dma_wait3A_324 = arith.constant 0 : i32
      %dma_wait3A_325 = tpu.memref_slice %arg2[%dma_wait3A_323, %dma_wait3A_324] : memref<150000x128xf32, #tpu.memory_space<hbm>> -> memref<150000x128xf32, #tpu.memory_space<hbm>>
      tpu.wait_indirect_dma semaphore(%arg15 : memref<!tpu.dma_semaphore, #tpu.memory_space<semaphore_mem>>) src(%dma_wait3A_325 : memref<150000x128xf32, #tpu.memory_space<hbm>>) dst(%dma_wait3A_321 : memref<88x128xf32, #tpu.memory_space<vmem>>)
      %dma_wait3A_326 = arith.constant 88 : i32
      %dma_wait3A_327 = arith.constant 0 : i32
      %dma_wait3A_328 = tpu.memref_slice %arg9[%dma_wait3A_326, %dma_wait3A_327] : memref<176x128xf32, #tpu.memory_space<vmem>> -> memref<88x128xf32, #tpu.memory_space<vmem>>
      %dma_wait3A_329 = tpu.memref_slice %arg5[%add3A_318] : memref<8800xi32, #tpu.memory_space<vmem>> -> memref<88xi32, #tpu.memory_space<vmem>>
      %dma_wait3A_330 = arith.constant 0 : i32
      %dma_wait3A_331 = arith.constant 0 : i32
      %dma_wait3A_332 = tpu.memref_slice %arg2[%dma_wait3A_330, %dma_wait3A_331] : memref<150000x128xf32, #tpu.memory_space<hbm>> -> memref<150000x128xf32, #tpu.memory_space<hbm>>
      tpu.wait_indirect_dma semaphore(%arg15 : memref<!tpu.dma_semaphore, #tpu.memory_space<semaphore_mem>>) src(%dma_wait3A_332 : memref<150000x128xf32, #tpu.memory_space<hbm>>) dst(%dma_wait3A_328 : memref<88x128xf32, #tpu.memory_space<vmem>>)
      %gt3A_333 = arith.constant 0 : i32
      %gt3A_334 = arith.cmpi sgt, %scan3A_238, %gt3A_333 : i32
      %convert_element_type3A_335 = arith.extui %gt3A_334 : i1 to i32
      %cond3A_336 = arith.constant 0 : i32
      %cond3A_337 = arith.cmpi ne, %convert_element_type3A_335, %cond3A_336 : i32
      scf.if %cond3A_337 {
        %mul3A_353 = arith.constant 25 : i32
        %mul3A_354 = arith.muli %sub3A_19, %mul3A_353 : i32
        %add3A_355 = arith.addi %mul3A_354, %scan3A_238 : i32
        %dma_wait3A_356 = arith.constant 88 : i32
        %dma_wait3A_357 = arith.constant 0 : i32
        %dma_wait3A_358 = tpu.memref_slice %arg4[%select_n3A, %add3A_355, %dma_wait3A_356, %dma_wait3A_357] : memref<4x200x176x256xf32, #tpu.memory_space<hbm>> -> memref<1x1x88x256xf32, #tpu.memory_space<hbm>>
        %dma_wait3A_359 = tpu.memref_squeeze %dma_wait3A_358 : memref<1x1x88x256xf32, #tpu.memory_space<hbm>> -> memref<88x256xf32, #tpu.memory_space<hbm>>
        %dma_wait3A_360 = arith.constant 88 : i32
        %dma_wait3A_361 = arith.constant 0 : i32
        %dma_wait3A_362 = tpu.memref_slice %arg4[%select_n3A, %add3A_355, %dma_wait3A_360, %dma_wait3A_361] : memref<4x200x176x256xf32, #tpu.memory_space<hbm>> -> memref<1x1x88x256xf32, #tpu.memory_space<hbm>>
        %dma_wait3A_363 = tpu.memref_squeeze %dma_wait3A_362 : memref<1x1x88x256xf32, #tpu.memory_space<hbm>> -> memref<88x256xf32, #tpu.memory_space<hbm>>
        tpu.wait_dma2 semaphore(%arg17 : memref<!tpu.dma_semaphore, #tpu.memory_space<semaphore_mem>>) src(%arg11 : memref<88x256xf32, #tpu.memory_space<vmem>>) dst(%dma_wait3A_363 : memref<88x256xf32, #tpu.memory_space<hbm>>)
      } else {
      }
      %parallel_loop3A_338 = arith.constant 0 : i32
      %parallel_loop3A_339 = arith.constant 88 : i32
      %parallel_loop3A_340 = arith.constant 1 : i32
      scf.for %parallel_loop3A_353 = %parallel_loop3A_338 to %parallel_loop3A_339 step %parallel_loop3A_340  : i32 {
        %parallel_loop3A_354 = arith.constant 0 : i32
        %parallel_loop3A_355 = vector.broadcast %parallel_loop3A_354 : i32 to vector<16xi32>
        %parallel_loop3A_356 = vector.broadcast %parallel_loop3A_353 : i32 to vector<16xi32>
        %parallel_loop3A_357 = arith.addi %parallel_loop3A_355, %parallel_loop3A_356 : vector<16xi32>
        %parallel_loop3A_358 = arith.index_cast %parallel_loop3A_353 : i32 to index
        %parallel_loop3A_359 = arith.constant 0 : index
        %parallel_loop3A_360 = tpu.vector_load %arg9[%parallel_loop3A_358, %parallel_loop3A_359] {strides = array<i32>} : memref<176x128xf32, #tpu.memory_space<vmem>>, vector<16xf32>,
        tpu.vector_store_idx %arg11[%parallel_loop3A_357, %add3A_51], %parallel_loop3A_360 : memref<88x256xf32, #tpu.memory_space<vmem>>[vector<16xi32>, vector<16xi32>], vector<16xf32>,
        %parallel_loop3A_361 = arith.constant 88 : i32
        %parallel_loop3A_362 = arith.addi %parallel_loop3A_361, %parallel_loop3A_353 : i32
        %parallel_loop3A_363 = arith.index_cast %parallel_loop3A_362 : i32 to index
        %parallel_loop3A_364 = arith.constant 0 : index
        %parallel_loop3A_365 = tpu.vector_load %arg9[%parallel_loop3A_363, %parallel_loop3A_364] {strides = array<i32>} : memref<176x128xf32, #tpu.memory_space<vmem>>, vector<16xf32>,
        tpu.vector_store_idx %arg11[%parallel_loop3A_357, %add3A_123], %parallel_loop3A_365 : memref<88x256xf32, #tpu.memory_space<vmem>>[vector<16xi32>, vector<16xi32>], vector<16xf32>,
        %parallel_loop3A_366 = arith.index_cast %parallel_loop3A_353 : i32 to index
        %parallel_loop3A_367 = arith.constant 16 : index
        %parallel_loop3A_368 = tpu.vector_load %arg9[%parallel_loop3A_366, %parallel_loop3A_367] {strides = array<i32>} : memref<176x128xf32, #tpu.memory_space<vmem>>, vector<16xf32>,
        tpu.vector_store_idx %arg11[%parallel_loop3A_357, %add3A_60], %parallel_loop3A_368 : memref<88x256xf32, #tpu.memory_space<vmem>>[vector<16xi32>, vector<16xi32>], vector<16xf32>,
        %parallel_loop3A_369 = arith.constant 88 : i32
        %parallel_loop3A_370 = arith.addi %parallel_loop3A_369, %parallel_loop3A_353 : i32
        %parallel_loop3A_371 = arith.index_cast %parallel_loop3A_370 : i32 to index
        %parallel_loop3A_372 = arith.constant 16 : index
        %parallel_loop3A_373 = tpu.vector_load %arg9[%parallel_loop3A_371, %parallel_loop3A_372] {strides = array<i32>} : memref<176x128xf32, #tpu.memory_space<vmem>>, vector<16xf32>,
        tpu.vector_store_idx %arg11[%parallel_loop3A_357, %add3A_132], %parallel_loop3A_373 : memref<88x256xf32, #tpu.memory_space<vmem>>[vector<16xi32>, vector<16xi32>], vector<16xf32>,
        %parallel_loop3A_374 = arith.index_cast %parallel_loop3A_353 : i32 to index
        %parallel_loop3A_375 = arith.constant 32 : index
        %parallel_loop3A_376 = tpu.vector_load %arg9[%parallel_loop3A_374, %parallel_loop3A_375] {strides = array<i32>} : memref<176x128xf32, #tpu.memory_space<vmem>>, vector<16xf32>,
        tpu.vector_store_idx %arg11[%parallel_loop3A_357, %add3A_69], %parallel_loop3A_376 : memref<88x256xf32, #tpu.memory_space<vmem>>[vector<16xi32>, vector<16xi32>], vector<16xf32>,
        %parallel_loop3A_377 = arith.constant 88 : i32
        %parallel_loop3A_378 = arith.addi %parallel_loop3A_377, %parallel_loop3A_353 : i32
        %parallel_loop3A_379 = arith.index_cast %parallel_loop3A_378 : i32 to index
        %parallel_loop3A_380 = arith.constant 32 : index
        %parallel_loop3A_381 = tpu.vector_load %arg9[%parallel_loop3A_379, %parallel_loop3A_380] {strides = array<i32>} : memref<176x128xf32, #tpu.memory_space<vmem>>, vector<16xf32>,
        tpu.vector_store_idx %arg11[%parallel_loop3A_357, %add3A_141], %parallel_loop3A_381 : memref<88x256xf32, #tpu.memory_space<vmem>>[vector<16xi32>, vector<16xi32>], vector<16xf32>,
        %parallel_loop3A_382 = arith.index_cast %parallel_loop3A_353 : i32 to index
        %parallel_loop3A_383 = arith.constant 48 : index
        %parallel_loop3A_384 = tpu.vector_load %arg9[%parallel_loop3A_382, %parallel_loop3A_383] {strides = array<i32>} : memref<176x128xf32, #tpu.memory_space<vmem>>, vector<16xf32>,
        tpu.vector_store_idx %arg11[%parallel_loop3A_357, %add3A_78], %parallel_loop3A_384 : memref<88x256xf32, #tpu.memory_space<vmem>>[vector<16xi32>, vector<16xi32>], vector<16xf32>,
        %parallel_loop3A_385 = arith.constant 88 : i32
        %parallel_loop3A_386 = arith.addi %parallel_loop3A_385, %parallel_loop3A_353 : i32
        %parallel_loop3A_387 = arith.index_cast %parallel_loop3A_386 : i32 to index
        %parallel_loop3A_388 = arith.constant 48 : index
        %parallel_loop3A_389 = tpu.vector_load %arg9[%parallel_loop3A_387, %parallel_loop3A_388] {strides = array<i32>} : memref<176x128xf32, #tpu.memory_space<vmem>>, vector<16xf32>,
        tpu.vector_store_idx %arg11[%parallel_loop3A_357, %add3A_150], %parallel_loop3A_389 : memref<88x256xf32, #tpu.memory_space<vmem>>[vector<16xi32>, vector<16xi32>], vector<16xf32>,
        %parallel_loop3A_390 = arith.index_cast %parallel_loop3A_353 : i32 to index
        %parallel_loop3A_391 = arith.constant 64 : index
        %parallel_loop3A_392 = tpu.vector_load %arg9[%parallel_loop3A_390, %parallel_loop3A_391] {strides = array<i32>} : memref<176x128xf32, #tpu.memory_space<vmem>>, vector<16xf32>,
        tpu.vector_store_idx %arg11[%parallel_loop3A_357, %add3A_87], %parallel_loop3A_392 : memref<88x256xf32, #tpu.memory_space<vmem>>[vector<16xi32>, vector<16xi32>], vector<16xf32>,
        %parallel_loop3A_393 = arith.constant 88 : i32
        %parallel_loop3A_394 = arith.addi %parallel_loop3A_393, %parallel_loop3A_353 : i32
        %parallel_loop3A_395 = arith.index_cast %parallel_loop3A_394 : i32 to index
        %parallel_loop3A_396 = arith.constant 64 : index
        %parallel_loop3A_397 = tpu.vector_load %arg9[%parallel_loop3A_395, %parallel_loop3A_396] {strides = array<i32>} : memref<176x128xf32, #tpu.memory_space<vmem>>, vector<16xf32>,
        tpu.vector_store_idx %arg11[%parallel_loop3A_357, %add3A_159], %parallel_loop3A_397 : memref<88x256xf32, #tpu.memory_space<vmem>>[vector<16xi32>, vector<16xi32>], vector<16xf32>,
        %parallel_loop3A_398 = arith.index_cast %parallel_loop3A_353 : i32 to index
        %parallel_loop3A_399 = arith.constant 80 : index
        %parallel_loop3A_400 = tpu.vector_load %arg9[%parallel_loop3A_398, %parallel_loop3A_399] {strides = array<i32>} : memref<176x128xf32, #tpu.memory_space<vmem>>, vector<16xf32>,
        tpu.vector_store_idx %arg11[%parallel_loop3A_357, %add3A_96], %parallel_loop3A_400 : memref<88x256xf32, #tpu.memory_space<vmem>>[vector<16xi32>, vector<16xi32>], vector<16xf32>,
        %parallel_loop3A_401 = arith.constant 88 : i32
        %parallel_loop3A_402 = arith.addi %parallel_loop3A_401, %parallel_loop3A_353 : i32
        %parallel_loop3A_403 = arith.index_cast %parallel_loop3A_402 : i32 to index
        %parallel_loop3A_404 = arith.constant 80 : index
        %parallel_loop3A_405 = tpu.vector_load %arg9[%parallel_loop3A_403, %parallel_loop3A_404] {strides = array<i32>} : memref<176x128xf32, #tpu.memory_space<vmem>>, vector<16xf32>,
        tpu.vector_store_idx %arg11[%parallel_loop3A_357, %add3A_168], %parallel_loop3A_405 : memref<88x256xf32, #tpu.memory_space<vmem>>[vector<16xi32>, vector<16xi32>], vector<16xf32>,
        %parallel_loop3A_406 = arith.index_cast %parallel_loop3A_353 : i32 to index
        %parallel_loop3A_407 = arith.constant 96 : index
        %parallel_loop3A_408 = tpu.vector_load %arg9[%parallel_loop3A_406, %parallel_loop3A_407] {strides = array<i32>} : memref<176x128xf32, #tpu.memory_space<vmem>>, vector<16xf32>,
        tpu.vector_store_idx %arg11[%parallel_loop3A_357, %add3A_105], %parallel_loop3A_408 : memref<88x256xf32, #tpu.memory_space<vmem>>[vector<16xi32>, vector<16xi32>], vector<16xf32>,
        %parallel_loop3A_409 = arith.constant 88 : i32
        %parallel_loop3A_410 = arith.addi %parallel_loop3A_409, %parallel_loop3A_353 : i32
        %parallel_loop3A_411 = arith.index_cast %parallel_loop3A_410 : i32 to index
        %parallel_loop3A_412 = arith.constant 96 : index
        %parallel_loop3A_413 = tpu.vector_load %arg9[%parallel_loop3A_411, %parallel_loop3A_412] {strides = array<i32>} : memref<176x128xf32, #tpu.memory_space<vmem>>, vector<16xf32>,
        tpu.vector_store_idx %arg11[%parallel_loop3A_357, %add3A_177], %parallel_loop3A_413 : memref<88x256xf32, #tpu.memory_space<vmem>>[vector<16xi32>, vector<16xi32>], vector<16xf32>,
        %parallel_loop3A_414 = arith.index_cast %parallel_loop3A_353 : i32 to index
        %parallel_loop3A_415 = arith.constant 112 : index
        %parallel_loop3A_416 = tpu.vector_load %arg9[%parallel_loop3A_414, %parallel_loop3A_415] {strides = array<i32>} : memref<176x128xf32, #tpu.memory_space<vmem>>, vector<16xf32>,
        tpu.vector_store_idx %arg11[%parallel_loop3A_357, %add3A_114], %parallel_loop3A_416 : memref<88x256xf32, #tpu.memory_space<vmem>>[vector<16xi32>, vector<16xi32>], vector<16xf32>,
        %parallel_loop3A_417 = arith.constant 88 : i32
        %parallel_loop3A_418 = arith.addi %parallel_loop3A_417, %parallel_loop3A_353 : i32
        %parallel_loop3A_419 = arith.index_cast %parallel_loop3A_418 : i32 to index
        %parallel_loop3A_420 = arith.constant 112 : index
        %parallel_loop3A_421 = tpu.vector_load %arg9[%parallel_loop3A_419, %parallel_loop3A_420] {strides = array<i32>} : memref<176x128xf32, #tpu.memory_space<vmem>>, vector<16xf32>,
        tpu.vector_store_idx %arg11[%parallel_loop3A_357, %add3A_186], %parallel_loop3A_421 : memref<88x256xf32, #tpu.memory_space<vmem>>[vector<16xi32>, vector<16xi32>], vector<16xf32>,
      } {sc.loop_unroll_factor = 2 : i64, sc.parallel_access}
      %mul3A_341 = arith.constant 25 : i32
      %mul3A_342 = arith.muli %sub3A_19, %mul3A_341 : i32
      %add3A_343 = arith.addi %mul3A_342, %scan3A_238 : i32
      %dma_start3A_344 = arith.constant 88 : i32
      %dma_start3A_345 = arith.constant 0 : i32
      %dma_start3A_346 = tpu.memref_slice %arg4[%select_n3A, %add3A_343, %dma_start3A_344, %dma_start3A_345] : memref<4x200x176x256xf32, #tpu.memory_space<hbm>> -> memref<1x1x88x256xf32, #tpu.memory_space<hbm>>
      %dma_start3A_347 = tpu.memref_squeeze %dma_start3A_346 : memref<1x1x88x256xf32, #tpu.memory_space<hbm>> -> memref<88x256xf32, #tpu.memory_space<hbm>>
      %dma_start3A_348 = arith.constant 88 : i32
      %dma_start3A_349 = arith.constant 0 : i32
      %dma_start3A_350 = tpu.memref_slice %arg4[%select_n3A, %add3A_343, %dma_start3A_348, %dma_start3A_349] : memref<4x200x176x256xf32, #tpu.memory_space<hbm>> -> memref<1x1x88x256xf32, #tpu.memory_space<hbm>>
      %dma_start3A_351 = tpu.memref_squeeze %dma_start3A_350 : memref<1x1x88x256xf32, #tpu.memory_space<hbm>> -> memref<88x256xf32, #tpu.memory_space<hbm>>
      tpu.enqueue_dma source(%arg11 : memref<88x256xf32, #tpu.memory_space<vmem>>) target(%dma_start3A_351 : memref<88x256xf32, #tpu.memory_space<hbm>>) target_semaphore(%arg17 : memref<!tpu.dma_semaphore, #tpu.memory_space<semaphore_mem>>)
      %scan3A_352 = arith.constant 0 : i32
      scf.yield %scan3A_352 : i32
    }
    %scan3A_214 = arith.constant 25 : i32
    %mul3A_215 = arith.constant 25 : i32
    %mul3A_216 = arith.muli %sub3A_19, %mul3A_215 : i32
    %add3A_217 = arith.constant 24 : i32
    %add3A_218 = arith.addi %mul3A_216, %add3A_217 : i32
    %dma_wait3A = arith.constant 0 : i32
    %dma_wait3A_219 = arith.constant 0 : i32
    %dma_wait3A_220 = tpu.memref_slice %arg4[%select_n3A, %add3A_218, %dma_wait3A, %dma_wait3A_219] : memref<4x200x176x256xf32, #tpu.memory_space<hbm>> -> memref<1x1x88x256xf32, #tpu.memory_space<hbm>>
    %dma_wait3A_221 = tpu.memref_squeeze %dma_wait3A_220 : memref<1x1x88x256xf32, #tpu.memory_space<hbm>> -> memref<88x256xf32, #tpu.memory_space<hbm>>
    %dma_wait3A_222 = arith.constant 0 : i32
    %dma_wait3A_223 = arith.constant 0 : i32
    %dma_wait3A_224 = tpu.memref_slice %arg4[%select_n3A, %add3A_218, %dma_wait3A_222, %dma_wait3A_223] : memref<4x200x176x256xf32, #tpu.memory_space<hbm>> -> memref<1x1x88x256xf32, #tpu.memory_space<hbm>>
    %dma_wait3A_225 = tpu.memref_squeeze %dma_wait3A_224 : memref<1x1x88x256xf32, #tpu.memory_space<hbm>> -> memref<88x256xf32, #tpu.memory_space<hbm>>
    tpu.wait_dma2 semaphore(%arg16 : memref<!tpu.dma_semaphore, #tpu.memory_space<semaphore_mem>>) src(%arg10 : memref<88x256xf32, #tpu.memory_space<vmem>>) dst(%dma_wait3A_225 : memref<88x256xf32, #tpu.memory_space<hbm>>)
    %mul3A_226 = arith.constant 25 : i32
    %mul3A_227 = arith.muli %sub3A_19, %mul3A_226 : i32
    %add3A_228 = arith.constant 24 : i32
    %add3A_229 = arith.addi %mul3A_227, %add3A_228 : i32
    %dma_wait3A_230 = arith.constant 88 : i32
    %dma_wait3A_231 = arith.constant 0 : i32
    %dma_wait3A_232 = tpu.memref_slice %arg4[%select_n3A, %add3A_229, %dma_wait3A_230, %dma_wait3A_231] : memref<4x200x176x256xf32, #tpu.memory_space<hbm>> -> memref<1x1x88x256xf32, #tpu.memory_space<hbm>>
    %dma_wait3A_233 = tpu.memref_squeeze %dma_wait3A_232 : memref<1x1x88x256xf32, #tpu.memory_space<hbm>> -> memref<88x256xf32, #tpu.memory_space<hbm>>
    %dma_wait3A_234 = arith.constant 88 : i32
    %dma_wait3A_235 = arith.constant 0 : i32
    %dma_wait3A_236 = tpu.memref_slice %arg4[%select_n3A, %add3A_229, %dma_wait3A_234, %dma_wait3A_235] : memref<4x200x176x256xf32, #tpu.memory_space<hbm>> -> memref<1x1x88x256xf32, #tpu.memory_space<hbm>>
    %dma_wait3A_237 = tpu.memref_squeeze %dma_wait3A_236 : memref<1x1x88x256xf32, #tpu.memory_space<hbm>> -> memref<88x256xf32, #tpu.memory_space<hbm>>
    tpu.wait_dma2 semaphore(%arg17 : memref<!tpu.dma_semaphore, #tpu.memory_space<semaphore_mem>>) src(%arg11 : memref<88x256xf32, #tpu.memory_space<vmem>>) dst(%dma_wait3A_237 : memref<88x256xf32, #tpu.memory_space<hbm>>)
    return
  }
}

</mosaic_0001>

<sc_bundles>
// kernel: kernel.3.cloned.1.call-start
scs
__scs_entry_jumppad:
0x0: {  	(pc) =	sbr.rel $0x88, $3  }
0x1: {  	(tag) =	ssettag $0x0;
	lr =	simm.s32 $0x1  }
0x2: {  	[smem:$0x3F9F] =	sst lr;
	_ =	strace $0xD0000000  }
0x3: {  	_ = 	snop  }
0x4: {  	_ = 	snop  }
0x5: {  	_ = 	snop  }
0x6: {  	_ = 	snop  }
0x7: {  	_ = 	snop  }
__scs_overlays_trampoline_lowered:
0x8: {  	[smem:$0x3FAE] =	sst s0  }
0x9: {  	[smem:$0x3FAF] =	sst s1  }
0xa: {  	[smem:$0x3FB0] =	sst s2  }
0xb: {  	[smem:$0x3FB1] =	sst s3  }
0xc: {  	[smem:$0x3FB2] =	sst s4  }
0xd: {  	[smem:$0x3FB3] =	sst s5  }
0xe: {  	[smem:$0x3FB4] =	sst s6  }
0xf: {  	[smem:$0x3FB5] =	sst s7  }
0x10: {  	[smem:$0x3FB6] =	sst s8  }
0x11: {  	[smem:$0x3FB7] =	sst s9;
	s0 =	simm.s32 @!p0 $0x0  }
0x12: {  	s1 =	sld [smem:$0x3F9D];
	s0 =	simm.s32 @p0 $0x1  }
0x13: {  	[smem:$0x3FB8] =	sst s0;
	s0 =	simm.s32 @!p1 $0x0  }
0x14: {  	s2 =	sld [smem:$0x3F9C];
	s0 =	simm.s32 @p1 $0x1  }
0x15: {  	[smem:$0x3FB9] =	sst s0;
	s0 =	simm.s32 @!p2 $0x0  }
0x16: {  	s3 =	sld [smem:$0x3FDB];
	s0 =	simm.s32 @p2 $0x1  }
0x17: {  	s4 =	simm.s32 $0x1BF5;
	[smem:$0x3FBB] =	sst s0  }
0x18: {  	s0 =	sld [smem:$0x3F9E];
	_ =	swait.ge [sflag:s4], $0x0  }
0x19: {  	s7 =	sld [smem:$0x3F9F]  }
0x1a: {  	s8 =	sadd.s32 $0xFFFFE003, lr  }
0x1b: {  	s9 =	sadd.s32 $0xFFFFFEF7, lr;
	s5 =	simm.s32 $0xFFFFFFFF;
	p2 =	slt.u32 s8, $0xFFFFF086  }
0x1c: {  	p1 =	slt.u32 s9, $0xF7A;
	s5 =	simm.s32 @!p2 $0x0  }
0x1d: {  	s5 =	simm.s32 @p1 $0x1;
	p0 =	seq.s32 s7, s2  }
0x1e: {  	s7 =	smul.u32 @!p0 $0xF7A, s2;
	p2 =	seq.s32 @!p0 s5, $0x0  }
0x1f: {  	s9 =	smul.u32 $0xF7A, s1;
	s8 =	simm.s32 @!p0 $0x1BF5;
	p2 =	por !p2, p0  }
0x20: {  	[sflag:s8] =	ssyncset.s32 @!p0 $0xFFFFF086;
	s6 =	sadd.s32 @!p0 s3, s7;
	s7 =	simm.s32 @!p0 $0x108  }
0x21: {  	s3 =	sadd.s32 s3, s9;
	s6 =	sadd.s32 @!p0 $0x88, s6;
	s7 =	simm.s32 @p2 $0x1082  }
0x22: {  	[simem:s7], [sflag:s8] =	dma.local @!p0 [hbm:s6], $0xF7A  }
0x23: {  	s9 =	sor.u32 $0xD0000000, s2;
	s6 =	simm.s32 $0x108;
	_ =	swait.ge @!p0 [sflag:s8], $0x0  }
0x24: {  	s3 =	sadd.s32 $0x88, s3;
	s6 =	simm.s32 @!p1 $0x1082;
	[sflag:s4] =	ssyncset.s32 $0xFFFFF086  }
0x25: {  	[simem:s6], [sflag:s4] =	dma.local [hbm:s3], $0xF7A  }
0x26: {  	[smem:$0x3F9F] =	sst s1;
	(tag) =	ssettag s2;
	_ =	strace s9  }
0x27: {  	s1 =	sld [smem:$0x3FAF]  }
0x28: {  	s2 =	sld [smem:$0x3FB0]  }
0x29: {  	s4 =	sld [smem:$0x3FB2]  }
0x2a: {  	p0 =	seq.s32 s5, $0x0;
	s5 =	sld [smem:$0x3FB3]  }
0x2b: {  	s6 =	sld [smem:$0x3FB4]  }
0x2c: {  	s7 =	sld [smem:$0x3FB5]  }
0x2d: {  	s3 =	simm.s32 $0x108;
	s8 =	sld [smem:$0x3FB6]  }
0x2e: {  	s3 =	simm.s32 @!p0 $0x1082;
	s9 =	sld [smem:$0x3FB7]  }
0x2f: {  	lr =	sadd.s32 s0, s3;
	s0 =	sld [smem:$0x3FAE]  }
0x30: {  	s3 =	sld [smem:$0x3FB1]  }
0x31: {  	[smem:$0x3FBA] =	sst s10  }
0x32: {  	s10 =	sld [smem:$0x3FB8];
	_ =	sdelay $0x3  }
0x33: {  	p0 =	seq.s32 s10, $0x1;
	s10 =	sld [smem:$0x3FBA];
	_ =	sdelay $0x3  }
0x34: {  	[smem:$0x3FBA] =	sst s10  }
0x35: {  	s10 =	sld [smem:$0x3FB9];
	_ =	sdelay $0x3  }
0x36: {  	p1 =	seq.s32 s10, $0x1;
	s10 =	sld [smem:$0x3FBA];
	_ =	sdelay $0x3  }
0x37: {  	[smem:$0x3FBA] =	sst s10  }
0x38: {  	s10 =	sld [smem:$0x3FBB]  }
0x39: {  	_ = 	snop;
	(pc) =	sbr.ind lr, $3  }
0x3a: {  	_ = 	snop  }
0x3b: {  	_ = 	snop  }
0x3c: {  	p2 =	seq.s32 s10, $0x1;
	s10 =	sld [smem:$0x3FBA]  }
0x3d: {  	_ =	shalt  }
0x3e: {  	_ =	shalt  }
0x3f: {  	_ =	shalt  }
0x40: {  	_ =	shalt  }
0x41: {  	_ =	shalt  }
0x42: {  	_ =	shalt  }
0x43: {  	_ =	shalt  }
0x44: {  	_ =	shalt  }
0x45: {  	_ =	shalt  }
0x46: {  	_ =	shalt  }
0x47: {  	_ =	shalt  }
0x48: {  	_ =	shalt  }
0x49: {  	_ =	shalt  }
0x4a: {  	_ =	shalt  }
0x4b: {  	_ =	shalt  }
0x4c: {  	_ =	shalt  }
0x4d: {  	_ =	shalt  }
0x4e: {  	_ =	shalt  }
0x4f: {  	_ =	shalt  }
0x50: {  	_ =	shalt  }
0x51: {  	_ =	shalt  }
0x52: {  	_ =	shalt  }
0x53: {  	_ =	shalt  }
0x54: {  	_ =	shalt  }
0x55: {  	_ =	shalt  }
0x56: {  	_ =	shalt  }
0x57: {  	_ =	shalt  }
0x58: {  	_ =	shalt  }
0x59: {  	_ =	shalt  }
0x5a: {  	_ =	shalt  }
0x5b: {  	_ =	shalt  }
0x5c: {  	_ =	shalt  }
0x5d: {  	_ =	shalt  }
0x5e: {  	_ =	shalt  }
0x5f: {  	_ =	shalt  }
0x60: {  	_ =	shalt  }
0x61: {  	_ =	shalt  }
0x62: {  	_ =	shalt  }
0x63: {  	_ =	shalt  }
0x64: {  	_ =	shalt  }
0x65: {  	_ =	shalt  }
0x66: {  	_ =	shalt  }
0x67: {  	_ =	shalt  }
0x68: {  	_ =	shalt  }
0x69: {  	_ =	shalt  }
0x6a: {  	_ =	shalt  }
0x6b: {  	_ =	shalt  }
0x6c: {  	_ =	shalt  }
0x6d: {  	_ =	shalt  }
0x6e: {  	_ =	shalt  }
0x6f: {  	_ =	shalt  }
0x70: {  	_ =	shalt  }
0x71: {  	_ =	shalt  }
0x72: {  	_ =	shalt  }
0x73: {  	_ =	shalt  }
0x74: {  	_ =	shalt  }
0x75: {  	_ =	shalt  }
0x76: {  	_ =	shalt  }
0x77: {  	_ =	shalt  }
0x78: {  	_ =	shalt  }
0x79: {  	_ =	shalt  }
0x7a: {  	_ =	shalt  }
0x7b: {  	_ =	shalt  }
0x7c: {  	_ =	shalt  }
0x7d: {  	_ =	shalt  }
0x7e: {  	_ =	shalt  }
0x7f: {  	_ =	shalt  }
0x80: {  	_ =	shalt  }
0x81: {  	_ =	shalt  }
0x82: {  	_ =	shalt  }
0x83: {  	_ =	shalt  }
0x84: {  	_ =	shalt  }
0x85: {  	_ =	shalt  }
0x86: {  	_ =	shalt  }
0x87: {  	_ =	shalt  }
.Lfunc_end0:
.L_simem_size_0:
called_computation_lowered:
.L_overlay_start_0:
0x88: {  	s2 =	sld [smem:$0x3FD9]  }
0x89: {  	s3 =	sld [smem:$0x3FFE];
	_ =	sdelay $0x1  }
0x8a: {  	s1 =	srdreg.scid  }
0x8b: {  	s0 =	sand.u32 $0x1, s1  }
0x8c: {  	s18 =	sshll.u32 s0, $0xA;
	s2 =	sadd.s32 s3, s2  }
0x8d: {  	s2 =	sadd.s32 s2, s18  }
0x8e: {  	[smem:$0x3FC6] =	sst s2  }
0x8f: {  	_ = 	snop  }
0x90: {  	s2 =	sld [smem:$0x3FC9]  }
0x91: {  	s19 =	sld [smem:$0x3FC8]  }
0x92: {  	s4 =	sld [smem:$0x3FD0];
	(tm) =	ssettm $0x1  }
0x93: {  	s5 =	sld [smem:$0x3FFB];
	_ =	sdelay $0x3  }
0x94: {  	_ =	strace s5  }
0x95: {  	s5 =	sld [smem:$0x3FFC];
	_ =	sdelay $0x3  }
0x96: {  	_ =	strace s5  }
0x97: {  	s5 =	sld [smem:$0x3FFD];
	_ =	sdelay $0x3  }
0x98: {  	_ =	strace s5  }
0x99: {  	_ =	strace $0x8FFFFFFF  }
0x9a: {  	s20 =	sld [smem:$0x3FDB];
	_ =	sdelay $0x1  }
0x9b: {  	s6 =	simm.s32 $_scs_section_size  }
0x9c: {  	s7 =	simm.s32 $_size__tile_overlayer_lowered;
	s8 =	simm.s32 $_tile_overlayer_lowered  }
0x9d: {  	s23 =	simm.s32 $0x1BFF;
	s22 =	sshll.u32 s8, $0x1;
	s5 =	sadd.s32 s6, s20  }
0x9e: {  	s9 =	simm.s32 $0x0;
	s21 =	sshll.u32 s7, $0x1;
	s7 =	sadd.s32 s22, s5  }
0x9f: {  	[timem:s9], [sflag:s23] =	dma.local [hbm:s7], s21  }
0xa0: {  	_ =	swait.ge [sflag:s23], s21  }
0xa1: {  	s6 =	ssub.s32 $0x0, s21;
	[sflag:s23] =	ssyncset.done $0x0  }
0xa2: {  	[sflag:s23] =	ssyncadd.s32 s6;
	_ =	sdelay $0x1  }
0xa3: {  	s24 =	simm.s32 $0x1B8B  }
0xa4: {  	_ =	swait.ge [sflag:s24], $0x1  }
0xa5: {  	[sflag:s24] =	ssyncset.done $0x0  }
0xa6: {  	s25 =	simm.s32 $0x1B8E;
	[sflag:s24] =	ssyncadd.s32 $0xFFFFFFFF  }
0xa7: {  	s26 =	simm.s32 $execute0_lowered;
	[smem:$0x3FD2] =	sst s25  }
0xa8: {  	s6 =	sshll.u32 s26, $0x1;
	_ =	strace $0x80000046;
	[dreg:$0x1] =	wrdreg $0xFFFFFFFF  }
0xa9: {  	s28 =	simm.s32 $_size_execute0_lowered;
	s5 =	sadd.s32 s5, s6;
	[dreg:$0x0] =	wrdreg $0x0  }
0xaa: {  	s6 =	sshll.u32 s28, $0x1;
	[dreg:$0x2] =	wrdreg s5  }
0xab: {  	[dreg:$0x3] =	wrdreg s6  }
0xac: {  	[dreg:$0x4] =	wrdreg $0xC0  }
0xad: {  	_ =	task [dreg:s9], $0x5FFFF  }
0xae: {  	[dreg:$0x1] =	wrdreg $0xFFFFFFFF  }
0xaf: {  	[dreg:$0x0] =	wrdreg $0x60  }
0xb0: {  	[dreg:$0x2] =	wrdreg s2  }
0xb1: {  	[dreg:$0x3] =	wrdreg s19  }
0xb2: {  	[dreg:$0x4] =	wrdreg s4  }
0xb3: {  	[dreg:$0x5] =	wrdreg $0x9  }
0xb4: {  	_ =	task.clear_ibuf [dreg:s9], $0x6FFFF;
	_ =	strace $0x90000046  }
0xb5: {  	s29 =	simm.s32 $0x9;
	_ =	strace $0x80000048  }
0xb6: {  	_ =	swait.ge [sflag:s29], $0x1  }
0xb7: {  	[sflag:s29] =	ssyncadd.s32 $0xFFFFFFFF  }
0xb8: {  	_ =	strace $0x90000048  }
0xb9: {  	_ =	sfence  }
0xba: {  	s30 =	sld [smem:$0x0];
	_ =	sdelay $0x2  }
0xbb: {  	s31 =	sshll.u32 s1, $0xD;
	s1 =	sshrl.u32 s1, $0x2  }
0xbc: {  	s3 =	sand.u32 $0x4000, s31;
	s1 =	sadd.s32 s1, s30  }
0xbd: {  	s0 =	sor.u32 s3, s0;
	s1 =	sshll.u32 s1, $0x11  }
0xbe: {  	s0 =	sor.u32 s1, s0  }
0xbf: {  	s0 =	sadd.s32 $0x8F2B, s0  }
0xc0: {  	[sflag:s0] =	ssyncadd.remote.s32 $0x1  }
0xc1: {  	_ =	sfence.sel $0xFFFF  }
0xc2: {  	[dreg:$0x0] =	wrdreg $0xFFFFFFFF;
	(pc) =	sbr.abs _section_cstart, $3  }
0xc3: {  	[dreg:$0x1] =	wrdreg $0xFFFFFFFF  }
0xc4: {  	_ =	task.clear_ibuf [dreg:s9], $0x2FFFF;
	_ =	strace $0x9FFFFFFF  }
0xc5: {  	(tm) =	ssettm $0x7FFFFFFF  }
tec
execute0_lowered:
.L_overlay_start_1:
0x0: {  	(tag) =	ssettag $0x1  }
0x1: {  	s1 =	rddreg [dreg:$0x0]  }
0x2: {  	s0 =	srdreg.scid;
	s3 =	stileid.u32;
	s10 =	simm.s32 $0x1  }
0x3: {  	s12 =	simm.s32 $0x58;
	s18 =	simm.s32 $0x3;
	s19 =	simm.s32 $0x10180  }
0x4: {  	s0 =	sand.u32 $0x1, s0;
	s2 =	sshll.u32 s3, $0x1;
	s4 =	sshrl.u32 s3, $0x2  }
0x5: {  	s20 =	simm.s32 $0x4;
	s2 =	sor.u32 s0, s2;
	s5 =	sshll.u32 s4, $0x3  }
0x6: {  	s3 =	rddreg [dreg:$0x1];
	s6 =	smul.u32 $0x11300, s4;
	s2 =	ssub.s32 s2, s5  }
0x7: {  	s0 =	ssub.s32 $0x2, s0;
	s5 =	simm.s32 $0x0;
	s7 =	smul.u32 $0x1130, s2  }
0x8: {  	s21 =	simm.s32 $0x15980;
	s8 =	sshrl.u32 s0, $0x1;
	[smem:$0x7FF] =	sst s5  }
0x9: {  	s0 =	ssub.s32 s0, s8;
	_ =	strace $0x80000047;
	s9 =	sadd.s32 s6, s7  }
0xa: {  	v2 =	vimm.s32 $0xFFFFFFFF;
	v3 =	vlaneseq.u32;
	s0 =	smax.u32 s0, $0x1;
	s6 =	smul.u32 $0x19, s2;
	s31 =	sadd.s32 $0x8980, s9  }
0xb: {  	v4 =	vimm.f32 $0.0e+00;
	s7 =	smul.u32 $0x898000, s4;
	[dreg:$0x4] =	wrdreg s0;
	s4 =	simm.s32 $0x0;
	v0 =	vmov s9;
	v1 =	vmov s31  }
.LBB2_1:
0xc: {  	[dreg:$0x5] =	wrdreg s4;
	s0 =	simm.s32 $0x40;
	s2 =	simm.s32 $0x0  }
.LBB2_2:
0xd: {  	p0 =	sne.s32 s0, $0x8940;
	[tilespmem:s2+$0x0] =	vst v2;
	s2 =	smov.u32 s0;
	s0 =	sadd.s32 $0x40, s0  }
.Ltmp0:
0xe: {  	(pc) =	sbr.rel @p0 .LBB2_2-.Ltmp0, $2  }
0xf: {  	_ =	sdelay $0x2  }
0x10: {  	s2 =	sshra.s32 s2, $0x2  }
.Ltmp1:
0x11: {  	(pc) =	sbr.rel .LBB2_4-.Ltmp1, $4  }
0x12: {  	_ = 	snop  }
0x13: {  	s25 =	simm.s32 $0x0  }
0x14: {  	[tilespmem:s2+$0x0] =	vst v2;
	s0 =	simm.s32 $0x2280;
	s26 =	simm.s32 $0x0;
	s28 =	simm.s32 $0x0  }
0x15: {  	[tilespmem:s0], [sflag:$0x1] =	stream.linear.gather [hbm4b:s3+s25], $0x1770, $0x38;
	[tilespmem:$0x1B180] =	vst v63  }
.LBB2_9:
0x16: {  	s28 =	sadd.s32 $0x1, s28  }
0x17: {  	p0 =	sne.s32 s28, $0xD  }
.Ltmp2:
0x18: {  	_ = 	snop;
	(pc) =	sbr.rel @!p0 .LBB2_10-.Ltmp2, $2  }
0x19: {  	_ =	sdelay $0x2  }
0x1a: {  	s26 =	sadd.s32 $0x2EE0, s26  }
.LBB2_4:
0x1b: {  	s0 =	sshllo.u32 s28, $0x1  }
0x1c: {  	p0 =	sgt.u32 s0, $0x18  }
0x1d: {  	s0 =	smul.u32 @!p0 $0x2EE, s0;
	_ =	sdelay $0x1  }
0x1e: {  	s2 =	simm.s32 @!p0 $0x0;
	s4 =	simm.s32 @!p0 $0x3A00;
	s0 =	sadd.s32 @!p0 s3, s0  }
0x1f: {  	[tilespmem:s4], [sflag:$0x2] =	stream.linear.gather @!p0 [hbm4b:s0+s2], $0x1770, $0x38;
	[tilespmem:$0x1B180] =	vst v63  }
0x20: {  	_ =	swait.ge [sflag:s10], $0x1770  }
0x21: {  	[sflag:s10] =	ssyncset.done $0x0  }
0x22: {  	s15 =	simm.s32 $0x22F0;
	[sflag:s10] =	ssyncadd.s32 $0xFFFFE890  }
0x23: {  	v9 =	vld [tilespmem:s15+$0xFFFFFFF0]  }
0x24: {  	v10 =	vld [tilespmem:s15+$0xFFFFFFE0]  }
0x25: {  	s17 =	simm.s32 $0x80;
	v13 =	vld [tilespmem:s15+$0x0]  }
0x26: {  	s0 =	sand.u32 $0x3F80, s17;
	s17 =	sadd.s32 $0x0, s26  }
0x27: {  	s22 =	sand.u32 $0x70, s25;
	s23 =	sadd.s32 $0x20, s17;
	s8 =	sadd.s32 $0x30, s17  }
0x28: {  	s0 =	sor.u32 s22, s0;
	v7 =	vor.u32 s17, v3;
	s24 =	sadd.s32 $0x10, s17;
	v5 =	vor.u32 s8, v3;
	v6 =	vor.u32 s23, v3  }
0x29: {  	v8 =	vor.u32 s24, v3;
	v12 =	vld [tilespmem:s0+$0x2280];
	v17 =	vsub.s32 v9, v0;
	v9 =	vsub.s32 v9, v1  }
0x2a: {  	s29 =	smul.u32 $0x2EE0, s28;
	s4 =	simm.s32 $0xF0;
	v11 =	vsub.s32 v10, v0;
	v10 =	vsub.s32 v10, v1;
	v16 =	vsub.s32 v13, v1  }
0x2b: {  	s22 =	sadd.s32 $0x40, s17;
	s13 =	sadd.s32 $0x60, s17;
	s16 =	sadd.s32 $0x70, s17;
	v15 =	vld [tilespmem:s15+$0x20];
	vm4 =	vlt.u32 v17, $0x1130;
	vm2 =	vlt.u32 v11, $0x1130;
	vm1 =	vlt.u32 v9, $0x1130  }
0x2c: {  	s9 =	sadd.s32 $0x90, s17;
	s14 =	sadd.s32 $0xA0, s17;
	s2 =	sadd.s32 $0xC0, s17;
	v9 =	vadd.s32 $0x1130, v9;
	vm3 =	vlt.u32 v10, $0x1130;
	v18 =	vadd.s32 $0x1130, v10  }
0x2d: {  	s31 =	sadd.s32 $0xD0, s17;
	s30 =	sadd.s32 $0xE0, s17;
	s24 =	sadd.s32 $0x50, s17;
	v14 =	vld [tilespmem:s15+$0x30];
	v10 =	vsub.s32 v13, v0;
	vm0 =	vmor vm4, vm1;
	v9 =	vnsel vm1, $0x0, v9  }
0x2e: {  	s8 =	sadd.s32 $0x80, s17;
	s23 =	simm.s32 $0x22F0;
	s0 =	sadd.s32 $0xB0, s17;
	v13 =	vld [tilespmem:s15+$0xFFFFFF90];
	vm1 =	vmor vm2, vm3;
	v9 =	vsel vm4, v17, v9;
	v17 =	vsub.s32 v12, v1  }
.LBB2_5:
0x2f: {  	p1 =	sne.s32 s4, $0x1680  }
0x30: {  	v18 =	vnsel vm3, $0x0, v18;
	v19 =	vsub.s32 v15, v1;
	s15 =	sadd.s32 $0xF0, s15;
	s17 =	smov.u32 s4;
	s4 =	sadd.s32 $0xF0, s4  }
0x31: {  	vm6 =	vlt.u32 v16, $0x1130;
	v20 =	vsub.s32 v12, v0;
	v21 =	vadd.s32 $0x1130, v19  }
0x32: {  	vm5 =	vlt.u32 v17, $0x1130;
	v15 =	vsub.s32 v15, v0;
	vm3 =	vlt.u32 v19, $0x1130  }
0x33: {  	v16 =	vadd.s32 $0x1130, v16;
	v12 =	vsel vm2, v11, v18;
	v11 =	vsub.s32 v14, v0  }
0x34: {  	vm7 =	vlt.u32 v10, $0x1130;
	v18 =	vsub.s32 v13, v1  }
0x35: {  	v17 =	vadd.s32 $0x1130, v17;
	v14 =	vsub.s32 v14, v1;
	vm4 =	vlt.u32 v11, $0x1130;
	v19 =	vld [tilespmem:s23+$0x50]  }
0x36: {  	v21 =	vnsel vm3, $0x0, v21;
	vm9 =	vlt.u32 v14, $0x1130;
	v14 =	vadd.s32 $0x1130, v14  }
0x37: {  	vm8 =	vlt.u32 v20, $0x1130;
	vm2 =	vmor vm4, vm9;
	v14 =	vnsel vm9, $0x0, v14  }
0x38: {  	v23 =	vadd.s32 $0x1130, v18;
	vm9 =	vlt.u32 v15, $0x1130;
	v11 =	vsel vm4, v11, v14;
	v22 =	vld [tilespmem:s23+$0xFFFFFFA0]  }
0x39: {  	v13 =	vsub.s32 v13, v0;
	vm10 =	vlt.u32 v18, $0x1130;
	vm4 =	vmor vm9, vm3  }
0x3a: {  	v14 =	vnsel vm5, $0x0, v17;
	v17 =	vsub.s32 v19, v0;
	v18 =	vsub.s32 v19, v1  }
0x3b: {  	vm11 =	vlt.u32 v13, $0x1130;
	vm12 =	vlt.u32 v17, $0x1130;
	vm13 =	vlt.u32 v18, $0x1130  }
0x3c: {  	v23 =	vnsel vm10, $0x0, v23;
	v18 =	vadd.s32 $0x1130, v18;
	v19 =	vld [tilespmem:s23+$0xFFFFFFB0];
	vm3 =	vmor vm12, vm13  }
0x3d: {  	v13 =	vsel vm11, v13, v23;
	v18 =	vnsel vm13, $0x0, v18;
	v23 =	vsub.s32 v22, v1  }
0x3e: {  	v16 =	vnsel vm6, $0x0, v16;
	v24 =	vadd.s32 $0x1130, v23  }
0x3f: {  	vm10 =	vmor vm11, vm10;
	v15 =	vsel vm9, v15, v21;
	v17 =	vsel vm12, v17, v18  }
0x40: {  	v10 =	vsel vm7, v10, v16;
	vm5 =	vmor vm8, vm5;
	v21 =	vsub.s32 v22, v0;
	v18 =	vld [tilespmem:s23+$0xFFFFFFC0]  }
0x41: {  	vm11 =	vlt.u32 v21, $0x1130;
	vm12 =	vlt.u32 v23, $0x1130;
	v16 =	vld [tilespmem:s23+$0x70]  }
0x42: {  	vm6 =	vmor vm7, vm6;
	vm9 =	vmor vm11, vm12;
	v23 =	vsub.s32 v19, v1;
	v22 =	vld [tilespmem:s23+$0xFFFFFFD0]  }
0x43: {  	v27 =	vor.u32 s16, v3;
	v14 =	vsel vm8, v20, v14;
	v26 =	vadd.s32 $0x1130, v23;
	v25 =	vld [tilespmem:s23+$0x40]  }
0x44: {  	v24 =	vnsel vm12, $0x0, v24;
	v19 =	vsub.s32 v19, v0;
	vm7 =	vlt.u32 v23, $0x1130;
	v20 =	vld [tilespmem:s23+$0x60];
	s23 =	smov.u32 s15  }
0x45: {  	vm8 =	vlt.u32 v19, $0x1130;
	[tilespmem:v13+s5+$0x0] =	vst.idx.msk vm10, v7;
	v7 =	vsel vm11, v21, v24;
	v13 =	vnsel vm7, $0x0, v26  }
0x46: {  	vm7 =	vmor vm8, vm7;
	v13 =	vsel vm8, v19, v13;
	v19 =	vsub.s32 v18, v1  }
0x47: {  	vm8 =	vlt.u32 v19, $0x1130;
	v19 =	vadd.s32 $0x1130, v19;
	v21 =	vsub.s32 v22, v1  }
0x48: {  	v18 =	vsub.s32 v18, v0;
	v19 =	vnsel vm8, $0x0, v19;
	v23 =	vsub.s32 v25, v0  }
0x49: {  	vm10 =	vlt.u32 v18, $0x1130;
	v22 =	vsub.s32 v22, v0;
	v24 =	vadd.s32 $0x1130, v21  }
0x4a: {  	vm8 =	vmor vm10, vm8;
	vm11 =	vlt.u32 v21, $0x1130;
	[tilespmem:v7+s5+$0x0] =	vst.idx.msk vm9, v8;
	vm9 =	vlt.u32 v22, $0x1130  }
0x4b: {  	v7 =	vsel vm10, v18, v19;
	v8 =	vnsel vm11, $0x0, v24;
	vm10 =	vmor vm9, vm11  }
0x4c: {  	[tilespmem:v13+s5+$0x0] =	vst.idx.msk vm7, v6;
	v6 =	vsel vm9, v22, v8;
	v8 =	vor.u32 s13, v3;
	v13 =	vsub.s32 v25, v1  }
0x4d: {  	v18 =	vsub.s32 v20, v1;
	vm9 =	vlt.u32 v13, $0x1130;
	v13 =	vadd.s32 $0x1130, v13  }
0x4e: {  	v21 =	vsub.s32 v16, v0;
	v19 =	vadd.s32 $0x1130, v18;
	v13 =	vnsel vm9, $0x0, v13  }
0x4f: {  	v16 =	vsub.s32 v16, v1;
	vm11 =	vlt.u32 v21, $0x1130;
	v22 =	vor.u32 s24, v3  }
0x50: {  	[tilespmem:v7+s5+$0x0] =	vst.idx.msk vm8, v5;
	v5 =	vor.u32 s22, v3;
	vm8 =	vlt.u32 v16, $0x1130;
	v7 =	vadd.s32 $0x1130, v16  }
0x51: {  	[tilespmem:v6+s5+$0x0] =	vst.idx.msk vm10, v5;
	vm10 =	vlt.u32 v23, $0x1130;
	vm7 =	vmor vm11, vm8;
	v5 =	vnsel vm8, $0x0, v7  }
0x52: {  	s13 =	sadd.s32 $0x80, s17;
	v6 =	vsub.s32 v20, v0;
	[tilespmem:v12+s5+$0x0] =	vst.idx.msk vm1, v22;
	vm1 =	vmor vm10, vm9;
	v12 =	vsel vm11, v21, v5  }
0x53: {  	s16 =	sand.u32 $0x70, s17;
	s13 =	sand.u32 $0x3F80, s13;
	vm8 =	vlt.u32 v18, $0x1130;
	v5 =	vsel vm10, v23, v13;
	[tilespmem:v9+s5+$0x0] =	vst.idx.msk vm0, v8;
	vm0 =	vlt.u32 v6, $0x1130  }
0x54: {  	s11 =	sor.u32 s16, s13;
	v7 =	vor.u32 s8, v3;
	v8 =	vnsel vm8, $0x0, v19;
	[tilespmem:v10+s5+$0x0] =	vst.idx.msk vm6, v27;
	vm6 =	vmor vm0, vm8  }
0x55: {  	v6 =	vsel vm0, v6, v8;
	[tilespmem:v14+s5+$0x0] =	vst.idx.msk vm5, v7;
	v7 =	vor.u32 s9, v3  }
0x56: {  	[tilespmem:v15+s5+$0x0] =	vst.idx.msk vm4, v7;
	v7 =	vor.u32 s14, v3  }
0x57: {  	[tilespmem:v11+s5+$0x0] =	vst.idx.msk vm2, v7;
	v7 =	vor.u32 s0, v3  }
0x58: {  	s17 =	sadd.s32 s17, s26;
	[tilespmem:v5+s5+$0x0] =	vst.idx.msk vm1, v7;
	v5 =	vor.u32 s2, v3  }
0x59: {  	s8 =	sadd.s32 $0x30, s17;
	v8 =	vor.u32 s31, v3;
	s0 =	sadd.s32 $0x10, s17;
	v7 =	vor.u32 s17, v3;
	s2 =	sadd.s32 $0x20, s17;
	[tilespmem:v17+s5+$0x0] =	vst.idx.msk vm3, v5  }
0x5a: {  	s24 =	sadd.s32 $0x50, s17;
	s13 =	sadd.s32 $0x60, s17;
	s22 =	sadd.s32 $0x40, s17;
	v5 =	vor.u32 s8, v3;
	[tilespmem:v6+s5+$0x0] =	vst.idx.msk vm6, v8;
	v8 =	vor.u32 s30, v3  }
0x5b: {  	s16 =	sadd.s32 $0x70, s17;
	s9 =	sadd.s32 $0x90, s17;
	s8 =	sadd.s32 $0x80, s17;
	v6 =	vor.u32 s2, v3;
	[tilespmem:v12+s5+$0x0] =	vst.idx.msk vm7, v8  }
0x5c: {  	s14 =	sadd.s32 $0xA0, s17;
	s2 =	sadd.s32 $0xC0, s17;
	v8 =	vor.u32 s0, v3;
	s0 =	sadd.s32 $0xB0, s17;
	v9 =	vld [tilespmem:s15+$0xFFFFFFF0]  }
0x5d: {  	s31 =	sadd.s32 $0xD0, s17;
	s30 =	sadd.s32 $0xE0, s17;
	v10 =	vld [tilespmem:s15+$0xFFFFFFE0];
	_ =	sdelay $0x1  }
0x5e: {  	v13 =	vld [tilespmem:s15+$0x0];
	_ =	sdelay $0x1  }
0x5f: {  	v12 =	vld [tilespmem:s11+$0x2280];
	v17 =	vsub.s32 v9, v0;
	v9 =	vsub.s32 v9, v1  }
.Ltmp3:
0x60: {  	v15 =	vld [tilespmem:s15+$0x20];
	v11 =	vsub.s32 v10, v0;
	v10 =	vsub.s32 v10, v1;
	vm4 =	vlt.u32 v17, $0x1130;
	(pc) =	sbr.rel @p1 .LBB2_5-.Ltmp3, $4  }
0x61: {  	vm1 =	vlt.u32 v9, $0x1130;
	v9 =	vadd.s32 $0x1130, v9;
	vm2 =	vlt.u32 v11, $0x1130  }
0x62: {  	vm3 =	vlt.u32 v10, $0x1130;
	vm0 =	vmor vm4, vm1;
	v16 =	vsub.s32 v13, v1  }
0x63: {  	v18 =	vadd.s32 $0x1130, v10;
	v9 =	vnsel vm1, $0x0, v9;
	v10 =	vsub.s32 v13, v0;
	v14 =	vld [tilespmem:s15+$0x30]  }
0x64: {  	vm1 =	vmor vm2, vm3;
	v9 =	vsel vm4, v17, v9;
	v13 =	vld [tilespmem:s15+$0xFFFFFF90];
	v17 =	vsub.s32 v12, v1  }
0x65: {  	v18 =	vnsel vm3, $0x0, v18;
	v19 =	vsub.s32 v15, v1;
	vm6 =	vlt.u32 v16, $0x1130  }
0x66: {  	v12 =	vsub.s32 v12, v0;
	vm5 =	vlt.u32 v17, $0x1130;
	v62 =	vsub.s32 v15, v0  }
0x67: {  	v63 =	vadd.s32 $0x1130, v16;
	vm7 =	vlt.u32 v10, $0x1130;
	v30 =	vadd.s32 $0x1130, v17  }
0x68: {  	v20 =	vadd.s32 $0x1130, v19;
	vm15 =	vlt.u32 v19, $0x1130;
	v11 =	vsel vm2, v11, v18  }
0x69: {  	vm9 =	vlt.u32 v12, $0x1130;
	vm10 =	vlt.u32 v62, $0x1130;
	v17 =	vnsel vm5, $0x0, v30  }
0x6a: {  	v21 =	vld [tilespmem:s23+$0x50];
	v16 =	vnsel vm6, $0x0, v63;
	vm6 =	vmor vm7, vm6;
	v20 =	vnsel vm15, $0x0, v20  }
0x6b: {  	v22 =	vld [tilespmem:s23+$0xFFFFFFA0];
	vm3 =	vmor vm10, vm15;
	v10 =	vsel vm7, v10, v16;
	vm5 =	vmor vm9, vm5  }
0x6c: {  	v35 =	vld [tilespmem:s23+$0xFFFFFFB0];
	v12 =	vsel vm9, v12, v17;
	v28 =	vsub.s32 v14, v0;
	v31 =	vsub.s32 v14, v1  }
0x6d: {  	v37 =	vld [tilespmem:s23+$0xFFFFFFC0];
	v15 =	vsel vm10, v62, v20;
	v29 =	vsub.s32 v13, v1;
	vm4 =	vlt.u32 v28, $0x1130  }
0x6e: {  	v40 =	vld [tilespmem:s23+$0xFFFFFFD0];
	vm8 =	vlt.u32 v31, $0x1130;
	v14 =	vadd.s32 $0x1130, v31;
	v32 =	vsub.s32 v13, v0  }
0x6f: {  	vm2 =	vmor vm4, vm8;
	v14 =	vnsel vm8, $0x0, v14;
	v23 =	vadd.s32 $0x1130, v29  }
0x70: {  	vm8 =	vlt.u32 v29, $0x1130;
	v33 =	vsub.s32 v21, v0;
	v34 =	vsub.s32 v21, v1  }
0x71: {  	vm13 =	vlt.u32 v32, $0x1130;
	v36 =	vsub.s32 v22, v1;
	v38 =	vsub.s32 v22, v0  }
0x72: {  	v39 =	vsub.s32 v35, v1;
	v21 =	vsub.s32 v35, v0;
	v45 =	vsub.s32 v37, v1  }
0x73: {  	v47 =	vsub.s32 v40, v1;
	v22 =	vsub.s32 v40, v0;
	v14 =	vsel vm4, v28, v14  }
0x74: {  	vm11 =	vlt.u32 v33, $0x1130;
	vm12 =	vlt.u32 v34, $0x1130;
	v23 =	vnsel vm8, $0x0, v23  }
0x75: {  	v19 =	vadd.s32 $0x1130, v34;
	v24 =	vadd.s32 $0x1130, v36;
	vm8 =	vmor vm13, vm8  }
0x76: {  	v41 =	vadd.s32 $0x1130, v39;
	vm14 =	vlt.u32 v45, $0x1130;
	v20 =	vadd.s32 $0x1130, v45  }
0x77: {  	v25 =	vadd.s32 $0x1130, v47;
	vm4 =	vmor vm11, vm12;
	v13 =	vsel vm13, v32, v23  }
0x78: {  	v19 =	vnsel vm12, $0x0, v19;
	vm12 =	vlt.u32 v36, $0x1130;
	vm13 =	vlt.u32 v21, $0x1130  }
0x79: {  	v20 =	vnsel vm14, $0x0, v20;
	v18 =	vsel vm11, v33, v19;
	vm11 =	vlt.u32 v38, $0x1130  }
0x7a: {  	v46 =	vld [tilespmem:s23+$0x40];
	v42 =	vnsel vm12, $0x0, v24;
	v19 =	vsub.s32 v37, v0;
	vm10 =	vmor vm11, vm12  }
0x7b: {  	v48 =	vld [tilespmem:s23+$0x60];
	vm12 =	vlt.u32 v39, $0x1130;
	v43 =	vsel vm11, v38, v42;
	vm11 =	vlt.u32 v19, $0x1130  }
0x7c: {  	v26 =	vld [tilespmem:s23+$0x70];
	v44 =	vnsel vm12, $0x0, v41;
	vm7 =	vmor vm13, vm12;
	vm9 =	vmor vm11, vm14  }
0x7d: {  	vm12 =	vlt.u32 v22, $0x1130;
	v17 =	vsel vm13, v21, v44;
	vm13 =	vlt.u32 v47, $0x1130  }
0x7e: {  	v19 =	vsel vm11, v19, v20;
	vm15 =	vmor vm12, vm13;
	v49 =	vnsel vm13, $0x0, v25  }
0x7f: {  	v50 =	vor.u32 s16, v3;
	v53 =	vor.u32 s13, v3;
	v20 =	vsel vm12, v22, v49  }
0x80: {  	v56 =	vor.u32 s24, v3;
	v59 =	vor.u32 s8, v3;
	v51 =	vsub.s32 v46, v1;
	[tilespmem:v13+s5+$0x0] =	vst.idx.msk vm8, v7  }
0x81: {  	v61 =	vor.u32 s9, v3;
	v54 =	vsub.s32 v48, v1;
	v57 =	vsub.s32 v26, v1;
	[tilespmem:v43+s5+$0x0] =	vst.idx.msk vm10, v8  }
0x82: {  	v55 =	vsub.s32 v26, v0;
	v52 =	vadd.s32 $0x1130, v51;
	v58 =	vadd.s32 $0x1130, v57;
	[tilespmem:v17+s5+$0x0] =	vst.idx.msk vm7, v6  }
0x83: {  	vm14 =	vlt.u32 v51, $0x1130;
	v7 =	vsub.s32 v46, v0;
	[tilespmem:v19+s5+$0x0] =	vst.idx.msk vm9, v5;
	v5 =	vor.u32 s22, v3  }
0x84: {  	v13 =	vnsel vm14, $0x0, v52;
	v6 =	vadd.s32 $0x1130, v54;
	[tilespmem:v20+s5+$0x0] =	vst.idx.msk vm15, v5;
	vm15 =	vlt.u32 v7, $0x1130  }
0x85: {  	vm7 =	vlt.u32 v55, $0x1130;
	v5 =	vsub.s32 v48, v0;
	[tilespmem:v11+s5+$0x0] =	vst.idx.msk vm1, v56;
	vm12 =	vmor vm15, vm14  }
0x86: {  	v7 =	vsel vm15, v7, v13;
	vm13 =	vlt.u32 v5, $0x1130;
	vm14 =	vlt.u32 v54, $0x1130;
	[tilespmem:v9+s5+$0x0] =	vst.idx.msk vm0, v53  }
0x87: {  	vm9 =	vlt.u32 v57, $0x1130;
	vm15 =	vmor vm13, vm14;
	v6 =	vnsel vm14, $0x0, v6;
	[tilespmem:v10+s5+$0x0] =	vst.idx.msk vm6, v50  }
0x88: {  	vm11 =	vmor vm7, vm9;
	v60 =	vnsel vm9, $0x0, v58;
	v5 =	vsel vm13, v5, v6;
	[tilespmem:v12+s5+$0x0] =	vst.idx.msk vm5, v59  }
0x89: {  	v62 =	vor.u32 s14, v3;
	v6 =	vsel vm7, v55, v60;
	[tilespmem:v15+s5+$0x0] =	vst.idx.msk vm3, v61  }
0x8a: {  	v63 =	vor.u32 s0, v3;
	[tilespmem:v14+s5+$0x0] =	vst.idx.msk vm2, v62  }
.Ltmp4:
0x8b: {  	p1 =	seq.s32 s28, $0xC;
	[tilespmem:v7+s5+$0x0] =	vst.idx.msk vm12, v63;
	v7 =	vor.u32 s2, v3;
	(pc) =	sbr.rel @p0 .LBB2_9-.Ltmp4, $4  }
0x8c: {  	s0 =	sshrl.u32 @!p1 s29, $0x3;
	[tilespmem:v18+s5+$0x0] =	vst.idx.msk vm4, v7;
	v7 =	vor.u32 s31, v3  }
0x8d: {  	s0 =	sadd.s32 @!p1 s3, s0;
	[tilespmem:v5+s5+$0x0] =	vst.idx.msk vm15, v7;
	v5 =	vor.u32 s30, v3  }
0x8e: {  	s4 =	simm.s32 @!p1 $0x2280;
	s0 =	sadd.s32 @!p1 $0x5DC, s0;
	s2 =	simm.s32 @!p1 $0x0;
	[tilespmem:v6+s5+$0x0] =	vst.idx.msk vm11, v5  }
0x8f: {  	[tilespmem:s4], [sflag:$0x1] =	stream.linear.gather @!p1 [hbm4b:s0+s2], $0x1770, $0x38;
	[tilespmem:$0x1B180] =	vst v63  }
0x90: {  	s0 =	simm.s32 $0x2  }
0x91: {  	_ =	swait.ge [sflag:s0], $0x1770  }
0x92: {  	[sflag:s0] =	ssyncset.done $0x0  }
0x93: {  	s2 =	simm.s32 $0x3A70;
	[sflag:s0] =	ssyncadd.s32 $0xFFFFE890;
	s0 =	simm.s32 $0x80  }
.LBB2_8:
0x94: {  	v5 =	vld [tilespmem:s2+$0xFFFFFF90]  }
0x95: {  	v6 =	vld [tilespmem:s2+$0xFFFFFFA0]  }
0x96: {  	v8 =	vld [tilespmem:s2+$0xFFFFFFB0]  }
0x97: {  	v10 =	vld [tilespmem:s2+$0xFFFFFFC0]  }
0x98: {  	v12 =	vld [tilespmem:s2+$0xFFFFFFD0]  }
0x99: {  	s4 =	sadd.s32 s0, s26;
	v14 =	vld [tilespmem:s2+$0xFFFFFFE0]  }
0x9a: {  	v16 =	vld [tilespmem:s2+$0xFFFFFFF0];
	s31 =	sadd.s32 $0x1700, s4;
	s9 =	sadd.s32 $0x1710, s4;
	s11 =	sadd.s32 $0x1720, s4  }
0x9b: {  	v18 =	vld [tilespmem:s2+$0x0];
	s13 =	sadd.s32 $0x1730, s4;
	s15 =	sadd.s32 $0x1740, s4;
	s16 =	sadd.s32 $0x1750, s4;
	v45 =	vor.u32 s31, v3;
	v46 =	vor.u32 s9, v3;
	v47 =	vor.u32 s11, v3  }
0x9c: {  	v22 =	vld [tilespmem:s2+$0x20];
	s22 =	sadd.s32 $0x1770, s4;
	s23 =	sadd.s32 $0x1780, s4;
	v19 =	vor.u32 s13, v3;
	v49 =	vor.u32 s15, v3;
	v50 =	vor.u32 s16, v3  }
0x9d: {  	v23 =	vld [tilespmem:s2+$0x30];
	v58 =	vor.u32 s22, v3;
	v61 =	vor.u32 s23, v3;
	v7 =	vsub.s32 v5, v0  }
0x9e: {  	v51 =	vld [tilespmem:s2+$0x40];
	v5 =	vsub.s32 v5, v1;
	v9 =	vsub.s32 v6, v0;
	v6 =	vsub.s32 v6, v1  }
0x9f: {  	v54 =	vld [tilespmem:s2+$0x60];
	v11 =	vsub.s32 v8, v0;
	v8 =	vsub.s32 v8, v1;
	v13 =	vsub.s32 v10, v0  }
0xa0: {  	v27 =	vld [tilespmem:s2+$0x70];
	v10 =	vsub.s32 v10, v1;
	v15 =	vsub.s32 v12, v0;
	v12 =	vsub.s32 v12, v1  }
0xa1: {  	v17 =	vsub.s32 v14, v0;
	v14 =	vsub.s32 v14, v1;
	v48 =	vsub.s32 v16, v0  }
0xa2: {  	v16 =	vsub.s32 v16, v1;
	v21 =	vsub.s32 v18, v0;
	v18 =	vsub.s32 v18, v1  }
0xa3: {  	v52 =	vsub.s32 v22, v0;
	v22 =	vsub.s32 v22, v1;
	v26 =	vsub.s32 v23, v1  }
0xa4: {  	v23 =	vsub.s32 v23, v0;
	v55 =	vsub.s32 v51, v0;
	v56 =	vsub.s32 v54, v0  }
0xa5: {  	v57 =	vsub.s32 v54, v1;
	v59 =	vsub.s32 v27, v0;
	v60 =	vsub.s32 v27, v1  }
0xa6: {  	vm1 =	vlt.u32 v7, $0x1130;
	vm2 =	vlt.u32 v5, $0x1130;
	v5 =	vadd.s32 $0x1130, v5  }
0xa7: {  	vm7 =	vlt.u32 v9, $0x1130;
	vm3 =	vlt.u32 v6, $0x1130;
	v6 =	vadd.s32 $0x1130, v6  }
0xa8: {  	vm8 =	vlt.u32 v11, $0x1130;
	vm4 =	vlt.u32 v8, $0x1130;
	v8 =	vadd.s32 $0x1130, v8  }
0xa9: {  	vm9 =	vlt.u32 v13, $0x1130;
	vm5 =	vlt.u32 v10, $0x1130;
	v10 =	vadd.s32 $0x1130, v10  }
0xaa: {  	vm10 =	vlt.u32 v15, $0x1130;
	vm6 =	vlt.u32 v12, $0x1130;
	v12 =	vadd.s32 $0x1130, v12  }
0xab: {  	vm11 =	vlt.u32 v17, $0x1130;
	vm12 =	vlt.u32 v48, $0x1130;
	vm13 =	vlt.u32 v21, $0x1130  }
0xac: {  	vm15 =	vlt.u32 v52, $0x1130;
	vm0 =	vmor vm1, vm2;
	v5 =	vnsel vm2, $0x0, v5  }
0xad: {  	v6 =	vnsel vm3, $0x0, v6;
	vm2 =	vmor vm8, vm4;
	v8 =	vnsel vm4, $0x0, v8  }
0xae: {  	s8 =	sadd.s32 $0x16F0, s4;
	v10 =	vnsel vm5, $0x0, v10;
	vm4 =	vmor vm10, vm6;
	v12 =	vnsel vm6, $0x0, v12  }
0xaf: {  	v5 =	vsel vm1, v7, v5;
	v7 =	vor.u32 s8, v3;
	vm1 =	vmor vm7, vm3  }
0xb0: {  	v6 =	vsel vm7, v9, v6;
	v8 =	vsel vm8, v11, v8;
	vm3 =	vmor vm9, vm5  }
0xb1: {  	v10 =	vsel vm9, v13, v10;
	vm7 =	vlt.u32 v14, $0x1130;
	v12 =	vsel vm10, v15, v12  }
0xb2: {  	v14 =	vadd.s32 $0x1130, v14;
	vm8 =	vlt.u32 v16, $0x1130;
	v16 =	vadd.s32 $0x1130, v16  }
0xb3: {  	s9 =	sadd.s32 $0xFFFFFF80, s0;
	vm9 =	vlt.u32 v18, $0x1130;
	v18 =	vadd.s32 $0x1130, v18;
	v9 =	vadd.s32 $0x1130, v57  }
0xb4: {  	s14 =	sand.u32 $0x3F80, s0;
	s9 =	sand.u32 $0x70, s9;
	vm5 =	vmor vm11, vm7;
	v14 =	vnsel vm7, $0x0, v14;
	vm6 =	vmor vm12, vm8  }
0xb5: {  	v25 =	vld [tilespmem:s2+$0x50];
	s8 =	sor.u32 s9, s14;
	v16 =	vnsel vm8, $0x0, v16;
	vm7 =	vmor vm13, vm9;
	v18 =	vnsel vm9, $0x0, v18  }
0xb6: {  	v20 =	vld [tilespmem:s8+$0x3A00];
	v14 =	vsel vm11, v17, v14;
	v15 =	vsel vm12, v48, v16;
	v18 =	vsel vm13, v21, v18  }
0xb7: {  	vm11 =	vlt.u32 v22, $0x1130;
	v22 =	vadd.s32 $0x1130, v22;
	vm12 =	vlt.u32 v26, $0x1130  }
0xb8: {  	v26 =	vadd.s32 $0x1130, v26;
	vm13 =	vlt.u32 v23, $0x1130;
	v21 =	vsub.s32 v51, v1  }
0xb9: {  	vm9 =	vmor vm15, vm11;
	v22 =	vnsel vm11, $0x0, v22;
	v53 =	vnsel vm12, $0x0, v26  }
0xba: {  	vm11 =	vlt.u32 v55, $0x1130;
	v22 =	vsel vm15, v52, v22;
	v23 =	vsel vm13, v23, v53  }
0xbb: {  	[tilespmem:v5+s5+$0x0] =	vst.idx.msk vm0, v7;
	v5 =	vadd.s32 $0x1130, v21;
	v7 =	vsub.s32 v25, v1;
	v24 =	vsub.s32 v20, v0  }
0xbc: {  	v20 =	vsub.s32 v20, v1;
	[tilespmem:v6+s5+$0x0] =	vst.idx.msk vm1, v45;
	v6 =	vsub.s32 v25, v0;
	vm14 =	vlt.u32 v24, $0x1130  }
0xbd: {  	vm10 =	vlt.u32 v20, $0x1130;
	v20 =	vadd.s32 $0x1130, v20;
	vm15 =	vlt.u32 v6, $0x1130  }
0xbe: {  	vm8 =	vmor vm14, vm10;
	v20 =	vnsel vm10, $0x0, v20;
	vm10 =	vmor vm13, vm12  }
0xbf: {  	[tilespmem:v8+s5+$0x0] =	vst.idx.msk vm2, v46;
	vm12 =	vlt.u32 v21, $0x1130;
	vm13 =	vlt.u32 v57, $0x1130;
	v20 =	vsel vm14, v24, v20  }
0xc0: {  	[tilespmem:v10+s5+$0x0] =	vst.idx.msk vm3, v47;
	vm0 =	vmor vm11, vm12;
	vm14 =	vlt.u32 v7, $0x1130;
	v7 =	vadd.s32 $0x1130, v7  }
0xc1: {  	v5 =	vnsel vm12, $0x0, v5;
	[tilespmem:v12+s5+$0x0] =	vst.idx.msk vm4, v19;
	vm12 =	vlt.u32 v56, $0x1130;
	v9 =	vnsel vm13, $0x0, v9  }
0xc2: {  	s17 =	sadd.s32 $0x1760, s4;
	v7 =	vnsel vm14, $0x0, v7;
	v5 =	vsel vm11, v55, v5;
	vm1 =	vmor vm15, vm14;
	[tilespmem:v14+s5+$0x0] =	vst.idx.msk vm5, v49  }
0xc3: {  	vm3 =	vmor vm12, vm13;
	v6 =	vsel vm15, v6, v7;
	v7 =	vor.u32 s17, v3;
	[tilespmem:v15+s5+$0x0] =	vst.idx.msk vm6, v50  }
0xc4: {  	vm14 =	vlt.u32 v59, $0x1130;
	vm15 =	vlt.u32 v60, $0x1130;
	[tilespmem:v18+s5+$0x0] =	vst.idx.msk vm7, v7;
	v7 =	vadd.s32 $0x1130, v60  }
0xc5: {  	s24 =	sadd.s32 $0x1790, s4;
	v8 =	vsel vm12, v56, v9;
	vm4 =	vmor vm14, vm15;
	v7 =	vnsel vm15, $0x0, v7;
	[tilespmem:v20+s5+$0x0] =	vst.idx.msk vm8, v58  }
0xc6: {  	p0 =	sne.s32 s0, $0x1700;
	s29 =	sadd.s32 $0x17A0, s4;
	v62 =	vor.u32 s24, v3;
	v7 =	vsel vm14, v59, v7;
	[tilespmem:v22+s5+$0x0] =	vst.idx.msk vm9, v61  }
.Ltmp5:
0xc7: {  	s30 =	sadd.s32 $0x17B0, s4;
	v63 =	vor.u32 s29, v3;
	[tilespmem:v23+s5+$0x0] =	vst.idx.msk vm10, v62;
	(pc) =	sbr.rel @p0 .LBB2_8-.Ltmp5, $4  }
0xc8: {  	s31 =	sadd.s32 $0x17C0, s4;
	[tilespmem:v5+s5+$0x0] =	vst.idx.msk vm0, v63;
	v5 =	vor.u32 s30, v3  }
0xc9: {  	s4 =	sadd.s32 $0x17D0, s4;
	[tilespmem:v6+s5+$0x0] =	vst.idx.msk vm1, v5;
	v5 =	vor.u32 s31, v3  }
0xca: {  	[tilespmem:v8+s5+$0x0] =	vst.idx.msk vm3, v5;
	v5 =	vor.u32 s4, v3  }
0xcb: {  	s2 =	sadd.s32 $0xF0, s2;
	s0 =	sadd.s32 $0xF0, s0;
	[tilespmem:v7+s5+$0x0] =	vst.idx.msk vm4, v5  }
.Ltmp6:
0xcc: {  	_ = 	snop;
	(pc) =	sbr.rel .LBB2_9-.Ltmp6, $1  }
0xcd: {  	_ =	sdelay $0x3  }
.LBB2_10:
0xce: {  	s0 =	simm.s32 $0x7E70  }
0xcf: {  	[tilespmem:s0+$0xFFFFD310] =	vst v4  }
0xd0: {  	[tilespmem:s0+$0x0] =	vst v4  }
0xd1: {  	[tilespmem:s0+$0xFFFFFFF0] =	vst v4  }
0xd2: {  	[tilespmem:s0+$0xFFFFFFE0] =	vst v4  }
0xd3: {  	[tilespmem:s0+$0xFFFFFFD0] =	vst v4  }
0xd4: {  	[tilespmem:s0+$0xFFFFFFC0] =	vst v4  }
0xd5: {  	[tilespmem:s0+$0xFFFFFFB0] =	vst v4  }
0xd6: {  	[tilespmem:s0+$0xFFFFFFA0] =	vst v4  }
0xd7: {  	[tilespmem:s0+$0xFFFFFF90] =	vst v4  }
0xd8: {  	[tilespmem:s0+$0xFFFFD400] =	vst v4  }
0xd9: {  	[tilespmem:s0+$0xFFFFD3F0] =	vst v4  }
0xda: {  	[tilespmem:s0+$0xFFFFD3E0] =	vst v4  }
0xdb: {  	[tilespmem:s0+$0xFFFFD3D0] =	vst v4  }
0xdc: {  	[tilespmem:s0+$0xFFFFD3C0] =	vst v4  }
0xdd: {  	[tilespmem:s0+$0xFFFFD3B0] =	vst v4  }
0xde: {  	[tilespmem:s0+$0xFFFFD3A0] =	vst v4  }
0xdf: {  	[tilespmem:s0+$0xFFFFD390] =	vst v4  }
0xe0: {  	[tilespmem:s0+$0xFFFFFF80] =	vst v4  }
0xe1: {  	[tilespmem:s0+$0xFFFFFF70] =	vst v4  }
0xe2: {  	[tilespmem:s0+$0xFFFFFF60] =	vst v4  }
0xe3: {  	[tilespmem:s0+$0xFFFFFF50] =	vst v4  }
0xe4: {  	[tilespmem:s0+$0xFFFFFF40] =	vst v4  }
0xe5: {  	[tilespmem:s0+$0xFFFFFF30] =	vst v4  }
0xe6: {  	[tilespmem:s0+$0xFFFFFF20] =	vst v4  }
0xe7: {  	[tilespmem:s0+$0xFFFFFF10] =	vst v4  }
0xe8: {  	[tilespmem:s0+$0xFFFFD380] =	vst v4  }
0xe9: {  	[tilespmem:s0+$0xFFFFD370] =	vst v4  }
0xea: {  	[tilespmem:s0+$0xFFFFD360] =	vst v4  }
0xeb: {  	[tilespmem:s0+$0xFFFFD350] =	vst v4  }
0xec: {  	[tilespmem:s0+$0xFFFFD340] =	vst v4  }
0xed: {  	s2 =	simm.s32 $0x0;
	[tilespmem:s0+$0xFFFFD330] =	vst v4  }
.LBB2_11:
0xee: {  	s2 =	sadd.s32 $0x2, s2;
	[tilespmem:s0+$0xFFFFD320] =	vst v4;
	s0 =	sadd.s32 $0x100, s0  }
0xef: {  	[tilespmem:s0+$0xFFFFD310] =	vst v4;
	p0 =	slt.u32 s2, $0x56  }
0xf0: {  	[tilespmem:s0+$0x0] =	vst v4  }
0xf1: {  	[tilespmem:s0+$0xFFFFFFF0] =	vst v4  }
0xf2: {  	[tilespmem:s0+$0xFFFFFFE0] =	vst v4  }
0xf3: {  	[tilespmem:s0+$0xFFFFFFD0] =	vst v4  }
0xf4: {  	[tilespmem:s0+$0xFFFFFFC0] =	vst v4  }
0xf5: {  	[tilespmem:s0+$0xFFFFFFB0] =	vst v4  }
0xf6: {  	[tilespmem:s0+$0xFFFFFFA0] =	vst v4  }
0xf7: {  	[tilespmem:s0+$0xFFFFFF90] =	vst v4  }
0xf8: {  	[tilespmem:s0+$0xFFFFD400] =	vst v4  }
0xf9: {  	[tilespmem:s0+$0xFFFFD3F0] =	vst v4  }
0xfa: {  	[tilespmem:s0+$0xFFFFD3E0] =	vst v4  }
0xfb: {  	[tilespmem:s0+$0xFFFFD3D0] =	vst v4  }
0xfc: {  	[tilespmem:s0+$0xFFFFD3C0] =	vst v4  }
0xfd: {  	[tilespmem:s0+$0xFFFFD3B0] =	vst v4  }
0xfe: {  	[tilespmem:s0+$0xFFFFD3A0] =	vst v4  }
0xff: {  	[tilespmem:s0+$0xFFFFD390] =	vst v4  }
0x100: {  	[tilespmem:s0+$0xFFFFFF80] =	vst v4  }
0x101: {  	[tilespmem:s0+$0xFFFFFF70] =	vst v4  }
0x102: {  	[tilespmem:s0+$0xFFFFFF60] =	vst v4  }
0x103: {  	[tilespmem:s0+$0xFFFFFF50] =	vst v4  }
0x104: {  	[tilespmem:s0+$0xFFFFFF40] =	vst v4  }
0x105: {  	[tilespmem:s0+$0xFFFFFF30] =	vst v4  }
0x106: {  	[tilespmem:s0+$0xFFFFFF20] =	vst v4  }
0x107: {  	[tilespmem:s0+$0xFFFFFF10] =	vst v4  }
0x108: {  	[tilespmem:s0+$0xFFFFD380] =	vst v4  }
.Ltmp7:
0x109: {  	[tilespmem:s0+$0xFFFFD370] =	vst v4;
	(pc) =	sbr.rel @p0 .LBB2_11-.Ltmp7, $4  }
0x10a: {  	[tilespmem:s0+$0xFFFFD360] =	vst v4  }
0x10b: {  	[tilespmem:s0+$0xFFFFD350] =	vst v4  }
0x10c: {  	[tilespmem:s0+$0xFFFFD340] =	vst v4  }
0x10d: {  	[tilespmem:s0+$0xFFFFD330] =	vst v4  }
0x10e: {  	[tilespmem:s0+$0xFFFFD320] =	vst v4;
	(ifvalue) =	ssetifvalue $0xFFFFFFFF  }
0x10f: {  	s25 =	simm.s32 $0x0;
	s9 =	simm.s32 $0x5180;
	(ifvalue) =	ssetifvalue $0xFFFFFFFF  }
0x110: {  	[tilespmem:s9], [sflag:$0x3] =	stream.indirect.gather [hbm4b:s1+s12], $0x80, s25, s12, $0x40b8;
	[tilespmem:$0x1B180] =	vst v63  }
0x111: {  	(ifvalue) =	ssetifvalue $0xFFFFFFFF  }
0x112: {  	s31 =	simm.s32 $0x1130;
	s11 =	simm.s32 $0x7D80;
	(ifvalue) =	ssetifvalue $0xFFFFFFFF  }
0x113: {  	[tilespmem:s11], [sflag:$0x3] =	stream.indirect.gather [hbm4b:s1+s12], $0x80, s31, s12, $0x40b8;
	[tilespmem:$0x1B180] =	vst v63  }
0x114: {  	s13 =	simm.s32 $0xA980;
	s14 =	simm.s32 $0xD580;
	s8 =	rddreg [dreg:$0x2]  }
.LBB2_13:
0x115: {  	s0 =	simm.s32 $0xD670  }
0x116: {  	[tilespmem:s0+$0xFFFFD310] =	vst v4  }
0x117: {  	[tilespmem:s0+$0x0] =	vst v4  }
0x118: {  	[tilespmem:s0+$0xFFFFFFF0] =	vst v4  }
0x119: {  	[tilespmem:s0+$0xFFFFFFE0] =	vst v4  }
0x11a: {  	[tilespmem:s0+$0xFFFFFFD0] =	vst v4  }
0x11b: {  	[tilespmem:s0+$0xFFFFFFC0] =	vst v4  }
0x11c: {  	[tilespmem:s0+$0xFFFFFFB0] =	vst v4  }
0x11d: {  	[tilespmem:s0+$0xFFFFFFA0] =	vst v4  }
0x11e: {  	[tilespmem:s0+$0xFFFFFF90] =	vst v4  }
0x11f: {  	[tilespmem:s0+$0xFFFFD400] =	vst v4  }
0x120: {  	[tilespmem:s0+$0xFFFFD3F0] =	vst v4  }
0x121: {  	[tilespmem:s0+$0xFFFFD3E0] =	vst v4  }
0x122: {  	[tilespmem:s0+$0xFFFFD3D0] =	vst v4  }
0x123: {  	[tilespmem:s0+$0xFFFFD3C0] =	vst v4  }
0x124: {  	[tilespmem:s0+$0xFFFFD3B0] =	vst v4  }
0x125: {  	[tilespmem:s0+$0xFFFFD3A0] =	vst v4  }
0x126: {  	[tilespmem:s0+$0xFFFFD390] =	vst v4  }
0x127: {  	[tilespmem:s0+$0xFFFFFF80] =	vst v4  }
0x128: {  	[tilespmem:s0+$0xFFFFFF70] =	vst v4  }
0x129: {  	[tilespmem:s0+$0xFFFFFF60] =	vst v4  }
0x12a: {  	[tilespmem:s0+$0xFFFFFF50] =	vst v4  }
0x12b: {  	[tilespmem:s0+$0xFFFFFF40] =	vst v4  }
0x12c: {  	[tilespmem:s0+$0xFFFFFF30] =	vst v4  }
0x12d: {  	[tilespmem:s0+$0xFFFFFF20] =	vst v4  }
0x12e: {  	[tilespmem:s0+$0xFFFFFF10] =	vst v4  }
0x12f: {  	[tilespmem:s0+$0xFFFFD380] =	vst v4  }
0x130: {  	[tilespmem:s0+$0xFFFFD370] =	vst v4  }
0x131: {  	[tilespmem:s0+$0xFFFFD360] =	vst v4  }
0x132: {  	[tilespmem:s0+$0xFFFFD350] =	vst v4  }
0x133: {  	[tilespmem:s0+$0xFFFFD340] =	vst v4  }
0x134: {  	s2 =	simm.s32 $0x0;
	[tilespmem:s0+$0xFFFFD330] =	vst v4  }
.LBB2_14:
0x135: {  	s2 =	sadd.s32 $0x2, s2;
	[tilespmem:s0+$0xFFFFD320] =	vst v4;
	s0 =	sadd.s32 $0x100, s0  }
0x136: {  	[tilespmem:s0+$0xFFFFD310] =	vst v4;
	p0 =	slt.u32 s2, $0x56  }
0x137: {  	[tilespmem:s0+$0x0] =	vst v4  }
0x138: {  	[tilespmem:s0+$0xFFFFFFF0] =	vst v4  }
0x139: {  	[tilespmem:s0+$0xFFFFFFE0] =	vst v4  }
0x13a: {  	[tilespmem:s0+$0xFFFFFFD0] =	vst v4  }
0x13b: {  	[tilespmem:s0+$0xFFFFFFC0] =	vst v4  }
0x13c: {  	[tilespmem:s0+$0xFFFFFFB0] =	vst v4  }
0x13d: {  	[tilespmem:s0+$0xFFFFFFA0] =	vst v4  }
0x13e: {  	[tilespmem:s0+$0xFFFFFF90] =	vst v4  }
0x13f: {  	[tilespmem:s0+$0xFFFFD400] =	vst v4  }
0x140: {  	[tilespmem:s0+$0xFFFFD3F0] =	vst v4  }
0x141: {  	[tilespmem:s0+$0xFFFFD3E0] =	vst v4  }
0x142: {  	[tilespmem:s0+$0xFFFFD3D0] =	vst v4  }
0x143: {  	[tilespmem:s0+$0xFFFFD3C0] =	vst v4  }
0x144: {  	[tilespmem:s0+$0xFFFFD3B0] =	vst v4  }
0x145: {  	[tilespmem:s0+$0xFFFFD3A0] =	vst v4  }
0x146: {  	[tilespmem:s0+$0xFFFFD390] =	vst v4  }
0x147: {  	[tilespmem:s0+$0xFFFFFF80] =	vst v4  }
0x148: {  	[tilespmem:s0+$0xFFFFFF70] =	vst v4  }
0x149: {  	[tilespmem:s0+$0xFFFFFF60] =	vst v4  }
0x14a: {  	[tilespmem:s0+$0xFFFFFF50] =	vst v4  }
0x14b: {  	[tilespmem:s0+$0xFFFFFF40] =	vst v4  }
0x14c: {  	[tilespmem:s0+$0xFFFFFF30] =	vst v4  }
0x14d: {  	[tilespmem:s0+$0xFFFFFF20] =	vst v4  }
0x14e: {  	[tilespmem:s0+$0xFFFFFF10] =	vst v4  }
0x14f: {  	[tilespmem:s0+$0xFFFFD380] =	vst v4  }
.Ltmp8:
0x150: {  	[tilespmem:s0+$0xFFFFD370] =	vst v4;
	(pc) =	sbr.rel @p0 .LBB2_14-.Ltmp8, $4  }
0x151: {  	[tilespmem:s0+$0xFFFFD360] =	vst v4  }
0x152: {  	[tilespmem:s0+$0xFFFFD350] =	vst v4  }
0x153: {  	[tilespmem:s0+$0xFFFFD340] =	vst v4  }
0x154: {  	[tilespmem:s0+$0xFFFFD330] =	vst v4  }
0x155: {  	s2 =	smul.u32 $0x2C0, s25;
	_ =	sdelay $0x1  }
0x156: {  	[tilespmem:s0+$0xFFFFD320] =	vst v4;
	(ifvalue) =	ssetifvalue $0xFFFFFFFF;
	s30 =	sshra.s32 s2, $0x2  }
0x157: {  	(ifvalue) =	ssetifvalue $0xFFFFFFFF;
	s2 =	sadd.s32 $0x58, s30  }
0x158: {  	[tilespmem:s13], [sflag:$0x4] =	stream.indirect.gather [hbm4b:s1+s12], $0x80, s2, s12, $0x40b8;
	[tilespmem:$0x1B180] =	vst v63  }
0x159: {  	(ifvalue) =	ssetifvalue $0xFFFFFFFF  }
0x15a: {  	s0 =	sadd.s32 $0x1188, s30;
	(ifvalue) =	ssetifvalue $0xFFFFFFFF  }
0x15b: {  	[tilespmem:s14], [sflag:$0x4] =	stream.indirect.gather [hbm4b:s1+s12], $0x80, s0, s12, $0x40b8;
	[tilespmem:$0x1B180] =	vst v63  }
0x15c: {  	_ =	swait.ge [sflag:s18], $0x2C00  }
0x15d: {  	[sflag:s18] =	ssyncset.done $0x0  }
0x15e: {  	[sflag:s18] =	ssyncadd.s32 $0xFFFFD400  }
0x15f: {  	_ =	swait.ge [sflag:s18], $0x2C00  }
0x160: {  	p0 =	seq.s32 s25, $0x0;
	s31 =	simm.s32 $0x1;
	[sflag:s18] =	ssyncset.done $0x0  }
0x161: {  	v5 =	vmov s31;
	s2 =	simm.s32 @!p0 $0x5;
	[sflag:s18] =	ssyncadd.s32 $0xFFFFD400  }
0x162: {  	v6 =	vshll.u32 v5, $0x8;
	v7 =	vshll.u32 v5, $0x7;
	_ =	swait.ge @!p0 [sflag:s2], $0x5800  }
0x163: {  	v5 =	vmul.u32 $0x2, v3;
	v6 =	vand.u32 $0x7800, v6;
	v7 =	vand.u32 $0x380, v7;
	[sflag:s2] =	ssyncset.done @!p0 $0x0  }
0x164: {  	s4 =	simm.s32 $0x7E70;
	v16 =	vor.u32 v7, v6;
	[sflag:s2] =	ssyncadd.s32 @!p0 $0xFFFFA800  }
0x165: {  	v8 =	vor.u32 v5, v16;
	v7 =	vld [tilespmem:s4+$0xFFFFD390];
	_ =	sdelay $0x2  }
0x166: {  	s15 =	simm.s32 $0x0  }
0x167: {  	v9 =	vmov s15  }
0x168: {  	v6 =	vor.u32 $0x1, v5;
	[tilespmem:v8+s19+$0x0] =	vst.idx.msk $0xffff, v7;
	v7 =	vshll.u32 v9, $0x8;
	v8 =	vshll.u32 v9, $0x7  }
0x169: {  	v11 =	vor.u32 v6, v16;
	v9 =	vld [tilespmem:s4+$0xFFFFFF90];
	v7 =	vand.u32 $0x7800, v7;
	v8 =	vand.u32 $0x300, v8  }
0x16a: {  	v10 =	vor.u32 v8, v7  }
0x16b: {  	v12 =	vld [tilespmem:s4+$0xFFFFD310];
	v8 =	vor.u32 v5, v10;
	_ =	sdelay $0x2  }
0x16c: {  	v7 =	vor.u32 $0x20, v5;
	[tilespmem:v11+s19+$0x0] =	vst.idx.msk $0xffff, v9  }
0x16d: {  	v11 =	vor.u32 v7, v16;
	v9 =	vld [tilespmem:s4+$0xFFFFD3A0]  }
0x16e: {  	[tilespmem:v8+s19+$0x0] =	vst.idx.msk $0xffff, v12  }
0x16f: {  	v12 =	vor.u32 v6, v10;
	v13 =	vld [tilespmem:s4+$0xFFFFFF10];
	_ =	sdelay $0x2  }
0x170: {  	v8 =	vor.u32 $0x21, v5;
	[tilespmem:v11+s19+$0x0] =	vst.idx.msk $0xffff, v9  }
0x171: {  	v14 =	vor.u32 v8, v16;
	v11 =	vld [tilespmem:s4+$0xFFFFFFA0]  }
0x172: {  	[tilespmem:v12+s19+$0x0] =	vst.idx.msk $0xffff, v13  }
0x173: {  	v12 =	vor.u32 v7, v10;
	v13 =	vld [tilespmem:s4+$0xFFFFD320];
	_ =	sdelay $0x2  }
0x174: {  	v9 =	vor.u32 $0x40, v5;
	[tilespmem:v14+s19+$0x0] =	vst.idx.msk $0xffff, v11  }
0x175: {  	v14 =	vor.u32 v9, v16;
	v11 =	vld [tilespmem:s4+$0xFFFFD3B0]  }
0x176: {  	[tilespmem:v12+s19+$0x0] =	vst.idx.msk $0xffff, v13  }
0x177: {  	s16 =	simm.s32 $0x3;
	v12 =	vor.u32 v8, v10;
	v13 =	vld [tilespmem:s4+$0xFFFFFF20]  }
0x178: {  	v15 =	vmov s16  }
0x179: {  	v17 =	vshll.u32 v15, $0x8;
	v15 =	vshll.u32 v15, $0x7  }
0x17a: {  	v18 =	vor.u32 $0x41, v5;
	[tilespmem:v14+s19+$0x0] =	vst.idx.msk $0xffff, v11;
	v11 =	vand.u32 $0x7800, v17;
	v14 =	vand.u32 $0x380, v15  }
0x17b: {  	s26 =	simm.s32 $0x7F70;
	s17 =	simm.s32 $0x2;
	v17 =	vor.u32 v18, v16;
	v15 =	vld [tilespmem:s4+$0xFFFFFFB0];
	v11 =	vor.u32 v14, v11  }
0x17c: {  	[tilespmem:v12+s19+$0x0] =	vst.idx.msk $0xffff, v13;
	v13 =	vld [tilespmem:s26+$0xFFFFD390];
	v14 =	vor.u32 v5, v11;
	v12 =	vmov s17  }
0x17d: {  	v19 =	vor.u32 v9, v10;
	v20 =	vld [tilespmem:s4+$0xFFFFD330];
	v21 =	vshll.u32 v12, $0x8;
	v12 =	vshll.u32 v12, $0x7  }
0x17e: {  	v21 =	vand.u32 $0x7800, v21;
	v12 =	vand.u32 $0x300, v12  }
0x17f: {  	v12 =	vor.u32 v12, v21  }
0x180: {  	v23 =	vor.u32 $0x60, v5;
	v24 =	vld [tilespmem:s26+$0xFFFFD310];
	[tilespmem:v17+s19+$0x0] =	vst.idx.msk $0xffff, v15;
	v22 =	vor.u32 v5, v12  }
0x181: {  	v21 =	vor.u32 v23, v16;
	v15 =	vld [tilespmem:s4+$0xFFFFD3C0];
	[tilespmem:v14+s19+$0x0] =	vst.idx.msk $0xffff, v13  }
0x182: {  	v14 =	vor.u32 v6, v11;
	[tilespmem:v19+s19+$0x0] =	vst.idx.msk $0xffff, v20;
	v13 =	vld [tilespmem:s26+$0xFFFFFF90]  }
0x183: {  	v20 =	vor.u32 v18, v10;
	v19 =	vld [tilespmem:s4+$0xFFFFFF30];
	_ =	sdelay $0x1  }
0x184: {  	[tilespmem:v22+s19+$0x0] =	vst.idx.msk $0xffff, v24  }
0x185: {  	v17 =	vor.u32 $0x61, v5;
	v22 =	vor.u32 v6, v12;
	[tilespmem:v21+s19+$0x0] =	vst.idx.msk $0xffff, v15;
	v24 =	vld [tilespmem:s26+$0xFFFFFF10]  }
0x186: {  	v21 =	vor.u32 v17, v16;
	v15 =	vld [tilespmem:s4+$0xFFFFFFC0];
	[tilespmem:v14+s19+$0x0] =	vst.idx.msk $0xffff, v13  }
0x187: {  	[tilespmem:v20+s19+$0x0] =	vst.idx.msk $0xffff, v19;
	v14 =	vld [tilespmem:s26+$0xFFFFD3A0];
	v19 =	vor.u32 v7, v11  }
0x188: {  	v20 =	vor.u32 v23, v10;
	v25 =	vld [tilespmem:s4+$0xFFFFD340];
	_ =	sdelay $0x1  }
0x189: {  	[tilespmem:v22+s19+$0x0] =	vst.idx.msk $0xffff, v24  }
0x18a: {  	v13 =	vor.u32 $0x400, v5;
	v22 =	vor.u32 v7, v12;
	[tilespmem:v21+s19+$0x0] =	vst.idx.msk $0xffff, v15;
	v24 =	vld [tilespmem:s26+$0xFFFFD320]  }
0x18b: {  	v21 =	vor.u32 v13, v16;
	v15 =	vld [tilespmem:s4+$0xFFFFD3D0];
	[tilespmem:v19+s19+$0x0] =	vst.idx.msk $0xffff, v14  }
0x18c: {  	[tilespmem:v20+s19+$0x0] =	vst.idx.msk $0xffff, v25;
	v19 =	vld [tilespmem:s26+$0xFFFFFFA0];
	v20 =	vor.u32 v8, v11  }
0x18d: {  	v25 =	vor.u32 v17, v10;
	v26 =	vld [tilespmem:s4+$0xFFFFFF40];
	_ =	sdelay $0x1  }
0x18e: {  	[tilespmem:v22+s19+$0x0] =	vst.idx.msk $0xffff, v24  }
0x18f: {  	v14 =	vor.u32 $0x401, v5;
	v24 =	vor.u32 v8, v12;
	[tilespmem:v21+s19+$0x0] =	vst.idx.msk $0xffff, v15;
	v27 =	vld [tilespmem:s26+$0xFFFFFF20]  }
0x190: {  	v22 =	vor.u32 v14, v16;
	v21 =	vld [tilespmem:s4+$0xFFFFFFD0];
	[tilespmem:v20+s19+$0x0] =	vst.idx.msk $0xffff, v19  }
0x191: {  	v20 =	vor.u32 v9, v11;
	[tilespmem:v25+s19+$0x0] =	vst.idx.msk $0xffff, v26;
	v19 =	vld [tilespmem:s26+$0xFFFFD3B0]  }
0x192: {  	s22 =	simm.s32 $0x4;
	v25 =	vor.u32 v13, v10;
	v26 =	vld [tilespmem:s4+$0xFFFFD350]  }
0x193: {  	v28 =	vmov s22  }
0x194: {  	s23 =	simm.s32 $0x5;
	v30 =	vshll.u32 v28, $0x8;
	v29 =	vor.u32 v14, v10;
	v15 =	vor.u32 $0x420, v5;
	[tilespmem:v24+s19+$0x0] =	vst.idx.msk $0xffff, v27  }
0x195: {  	v24 =	vshll.u32 v28, $0x7;
	[tilespmem:v22+s19+$0x0] =	vst.idx.msk $0xffff, v21;
	v21 =	vor.u32 v9, v12;
	v22 =	vmov s23;
	v28 =	vld [tilespmem:s26+$0xFFFFD330]  }
0x196: {  	v31 =	vor.u32 v15, v16;
	v27 =	vld [tilespmem:s4+$0xFFFFD3E0];
	v32 =	vshll.u32 v22, $0x8;
	v22 =	vshll.u32 v22, $0x7;
	[tilespmem:v20+s19+$0x0] =	vst.idx.msk $0xffff, v19  }
0x197: {  	[tilespmem:v25+s19+$0x0] =	vst.idx.msk $0xffff, v26;
	v19 =	vand.u32 $0x7800, v32;
	v20 =	vand.u32 $0x380, v22;
	v22 =	vld [tilespmem:s26+$0xFFFFFFB0];
	v25 =	vor.u32 v18, v11  }
0x198: {  	s28 =	simm.s32 $0x8070;
	v24 =	vand.u32 $0x300, v24;
	v26 =	vand.u32 $0x7800, v30;
	v30 =	vld [tilespmem:s4+$0xFFFFFF50];
	v19 =	vor.u32 v20, v19  }
0x199: {  	v20 =	vor.u32 v24, v26;
	v26 =	vld [tilespmem:s28+$0xFFFFD390];
	v54 =	vor.u32 v5, v19  }
0x19a: {  	v34 =	vld [tilespmem:s28+$0xFFFFD310];
	v33 =	vor.u32 v5, v20;
	[tilespmem:v21+s19+$0x0] =	vst.idx.msk $0xffff, v28  }
0x19b: {  	v24 =	vor.u32 $0x421, v5;
	[tilespmem:v31+s19+$0x0] =	vst.idx.msk $0xffff, v27;
	v28 =	vld [tilespmem:s26+$0xFFFFFF30];
	v31 =	vor.u32 v18, v12  }
0x19c: {  	v27 =	vor.u32 v24, v16;
	v21 =	vld [tilespmem:s4+$0xFFFFFFE0];
	[tilespmem:v25+s19+$0x0] =	vst.idx.msk $0xffff, v22  }
0x19d: {  	v25 =	vor.u32 v23, v11;
	[tilespmem:v29+s19+$0x0] =	vst.idx.msk $0xffff, v30;
	v22 =	vld [tilespmem:s26+$0xFFFFD3C0]  }
0x19e: {  	v29 =	vor.u32 v15, v10;
	v30 =	vld [tilespmem:s4+$0xFFFFD360];
	[tilespmem:v54+s19+$0x0] =	vst.idx.msk $0xffff, v26  }
0x19f: {  	v55 =	vor.u32 v6, v19;
	[tilespmem:v33+s19+$0x0] =	vst.idx.msk $0xffff, v34;
	v32 =	vld [tilespmem:s28+$0xFFFFFF90]  }
0x1a0: {  	v56 =	vor.u32 v6, v20;
	v35 =	vld [tilespmem:s28+$0xFFFFFF10];
	[tilespmem:v31+s19+$0x0] =	vst.idx.msk $0xffff, v28  }
0x1a1: {  	v26 =	vor.u32 $0x440, v5;
	v28 =	vor.u32 v23, v12;
	[tilespmem:v27+s19+$0x0] =	vst.idx.msk $0xffff, v21;
	v31 =	vld [tilespmem:s26+$0xFFFFD340]  }
0x1a2: {  	v27 =	vor.u32 v26, v16;
	v21 =	vld [tilespmem:s4+$0xFFFFD3F0];
	[tilespmem:v25+s19+$0x0] =	vst.idx.msk $0xffff, v22  }
0x1a3: {  	v36 =	vor.u32 v17, v11;
	v22 =	vld [tilespmem:s26+$0xFFFFFFC0];
	[tilespmem:v29+s19+$0x0] =	vst.idx.msk $0xffff, v30  }
0x1a4: {  	v29 =	vor.u32 v24, v10;
	[tilespmem:v55+s19+$0x0] =	vst.idx.msk $0xffff, v32;
	v30 =	vld [tilespmem:s4+$0xFFFFFF60]  }
0x1a5: {  	v57 =	vor.u32 v7, v19;
	[tilespmem:v56+s19+$0x0] =	vst.idx.msk $0xffff, v35;
	v32 =	vld [tilespmem:s28+$0xFFFFD3A0]  }
0x1a6: {  	v58 =	vor.u32 v7, v20;
	v35 =	vld [tilespmem:s28+$0xFFFFD320];
	[tilespmem:v28+s19+$0x0] =	vst.idx.msk $0xffff, v31  }
0x1a7: {  	v25 =	vor.u32 $0x441, v5;
	v28 =	vor.u32 v17, v12;
	[tilespmem:v27+s19+$0x0] =	vst.idx.msk $0xffff, v21;
	v31 =	vld [tilespmem:s26+$0xFFFFFF40]  }
0x1a8: {  	v27 =	vor.u32 v25, v16;
	v21 =	vld [tilespmem:s4+$0xFFFFFFF0];
	[tilespmem:v36+s19+$0x0] =	vst.idx.msk $0xffff, v22  }
0x1a9: {  	v59 =	vor.u32 v13, v11;
	v22 =	vld [tilespmem:s26+$0xFFFFD3D0];
	[tilespmem:v29+s19+$0x0] =	vst.idx.msk $0xffff, v30  }
0x1aa: {  	v29 =	vor.u32 v26, v10;
	[tilespmem:v57+s19+$0x0] =	vst.idx.msk $0xffff, v32;
	v30 =	vld [tilespmem:s4+$0xFFFFD370]  }
0x1ab: {  	v60 =	vor.u32 v8, v19;
	[tilespmem:v58+s19+$0x0] =	vst.idx.msk $0xffff, v35;
	v32 =	vld [tilespmem:s28+$0xFFFFFFA0]  }
0x1ac: {  	v61 =	vor.u32 v8, v20;
	v35 =	vld [tilespmem:s28+$0xFFFFFF20];
	[tilespmem:v28+s19+$0x0] =	vst.idx.msk $0xffff, v31  }
0x1ad: {  	v37 =	vor.u32 $0x460, v5;
	v28 =	vor.u32 v13, v12;
	[tilespmem:v27+s19+$0x0] =	vst.idx.msk $0xffff, v21;
	v31 =	vld [tilespmem:s26+$0xFFFFD350]  }
0x1ae: {  	v27 =	vor.u32 v37, v16;
	v21 =	vld [tilespmem:s4+$0xFFFFD400];
	[tilespmem:v59+s19+$0x0] =	vst.idx.msk $0xffff, v22  }
0x1af: {  	v62 =	vor.u32 v14, v11;
	v22 =	vld [tilespmem:s26+$0xFFFFFFD0];
	[tilespmem:v29+s19+$0x0] =	vst.idx.msk $0xffff, v30  }
0x1b0: {  	v29 =	vor.u32 v25, v10;
	[tilespmem:v60+s19+$0x0] =	vst.idx.msk $0xffff, v32;
	v30 =	vld [tilespmem:s4+$0xFFFFFF70]  }
0x1b1: {  	v63 =	vor.u32 v9, v19;
	[tilespmem:v61+s19+$0x0] =	vst.idx.msk $0xffff, v35;
	v32 =	vld [tilespmem:s28+$0xFFFFD3B0]  }
0x1b2: {  	s30 =	simm.s32 $0x7;
	v38 =	vor.u32 $0x461, v5;
	v41 =	vor.u32 v15, v11;
	v44 =	vor.u32 v9, v20;
	v35 =	vld [tilespmem:s28+$0xFFFFD330];
	[tilespmem:v28+s19+$0x0] =	vst.idx.msk $0xffff, v31  }
0x1b3: {  	s24 =	simm.s32 $0x6;
	v45 =	vmov s30;
	v47 =	vor.u32 v18, v19;
	v31 =	vor.u32 v14, v12;
	[tilespmem:v27+s19+$0x0] =	vst.idx.msk $0xffff, v21;
	v39 =	vld [tilespmem:s26+$0xFFFFFF50]  }
0x1b4: {  	v16 =	vor.u32 v38, v16;
	v27 =	vor.u32 v37, v10;
	v21 =	vmov s24;
	v28 =	vld [tilespmem:s4+$0x0];
	[tilespmem:v62+s19+$0x0] =	vst.idx.msk $0xffff, v22  }
0x1b5: {  	v22 =	vshll.u32 v21, $0x8;
	v21 =	vshll.u32 v21, $0x7;
	v40 =	vld [tilespmem:s26+$0xFFFFD3E0];
	[tilespmem:v29+s19+$0x0] =	vst.idx.msk $0xffff, v30;
	v29 =	vshll.u32 v45, $0x8  }
0x1b6: {  	v30 =	vshll.u32 v45, $0x7;
	v22 =	vand.u32 $0x7800, v22;
	v48 =	vand.u32 $0x300, v21;
	[tilespmem:v63+s19+$0x0] =	vst.idx.msk $0xffff, v32;
	v46 =	vld [tilespmem:s4+$0xFFFFD380]  }
0x1b7: {  	s0 =	simm.s32 $0x8170;
	v29 =	vand.u32 $0x7800, v29;
	v30 =	vand.u32 $0x380, v30;
	[tilespmem:v44+s19+$0x0] =	vst.idx.msk $0xffff, v35;
	v22 =	vor.u32 v48, v22;
	v33 =	vld [tilespmem:s28+$0xFFFFFFB0]  }
0x1b8: {  	v49 =	vld [tilespmem:s0+$0xFFFFD310];
	v21 =	vor.u32 v30, v29;
	v30 =	vor.u32 v5, v22;
	[tilespmem:v31+s19+$0x0] =	vst.idx.msk $0xffff, v39  }
0x1b9: {  	[tilespmem:v16+s19+$0x0] =	vst.idx.msk $0xffff, v28  }
0x1ba: {  	v16 =	vld [tilespmem:s0+$0xFFFFD390];
	v28 =	vor.u32 v5, v21;
	[tilespmem:v41+s19+$0x0] =	vst.idx.msk $0xffff, v40  }
0x1bb: {  	v50 =	vor.u32 v24, v11;
	v31 =	vld [tilespmem:s26+$0xFFFFFFE0];
	[tilespmem:v27+s19+$0x0] =	vst.idx.msk $0xffff, v46  }
0x1bc: {  	v18 =	vor.u32 v18, v20;
	v29 =	vld [tilespmem:s28+$0xFFFFFF30];
	[tilespmem:v47+s19+$0x0] =	vst.idx.msk $0xffff, v33  }
0x1bd: {  	v52 =	vor.u32 v23, v19;
	[tilespmem:v30+s19+$0x0] =	vst.idx.msk $0xffff, v49;
	v27 =	vld [tilespmem:s28+$0xFFFFD3C0]  }
0x1be: {  	v54 =	vor.u32 v6, v22;
	v55 =	vld [tilespmem:s0+$0xFFFFFF10]  }
0x1bf: {  	v53 =	vor.u32 v15, v12;
	v51 =	vld [tilespmem:s26+$0xFFFFD360];
	[tilespmem:v28+s19+$0x0] =	vst.idx.msk $0xffff, v16  }
0x1c0: {  	v30 =	vor.u32 v6, v21;
	v28 =	vld [tilespmem:s0+$0xFFFFFF90];
	[tilespmem:v50+s19+$0x0] =	vst.idx.msk $0xffff, v31  }
0x1c1: {  	[tilespmem:v18+s19+$0x0] =	vst.idx.msk $0xffff, v29;
	v29 =	vor.u32 v26, v11;
	v18 =	vld [tilespmem:s26+$0xFFFFD3F0]  }
0x1c2: {  	v23 =	vor.u32 v23, v20;
	v31 =	vld [tilespmem:s28+$0xFFFFD340];
	[tilespmem:v52+s19+$0x0] =	vst.idx.msk $0xffff, v27  }
0x1c3: {  	v56 =	vor.u32 v17, v19;
	[tilespmem:v54+s19+$0x0] =	vst.idx.msk $0xffff, v55;
	v27 =	vld [tilespmem:s28+$0xFFFFFFC0]  }
0x1c4: {  	v58 =	vor.u32 v7, v22;
	[tilespmem:v53+s19+$0x0] =	vst.idx.msk $0xffff, v51;
	v35 =	vld [tilespmem:s0+$0xFFFFD320]  }
0x1c5: {  	v24 =	vor.u32 v24, v12;
	[tilespmem:v30+s19+$0x0] =	vst.idx.msk $0xffff, v28;
	v28 =	vld [tilespmem:s26+$0xFFFFFF60]  }
0x1c6: {  	v57 =	vor.u32 v7, v21;
	v30 =	vld [tilespmem:s0+$0xFFFFD3A0];
	[tilespmem:v29+s19+$0x0] =	vst.idx.msk $0xffff, v18  }
0x1c7: {  	[tilespmem:v23+s19+$0x0] =	vst.idx.msk $0xffff, v31;
	v23 =	vor.u32 v25, v11;
	v18 =	vld [tilespmem:s26+$0xFFFFFFF0]  }
0x1c8: {  	v17 =	vor.u32 v17, v20;
	v29 =	vld [tilespmem:s28+$0xFFFFFF40];
	[tilespmem:v56+s19+$0x0] =	vst.idx.msk $0xffff, v27  }
0x1c9: {  	v31 =	vor.u32 v13, v19;
	[tilespmem:v58+s19+$0x0] =	vst.idx.msk $0xffff, v35;
	v27 =	vld [tilespmem:s28+$0xFFFFD3D0]  }
0x1ca: {  	v59 =	vor.u32 v8, v22;
	[tilespmem:v24+s19+$0x0] =	vst.idx.msk $0xffff, v28;
	v60 =	vld [tilespmem:s0+$0xFFFFFF20]  }
0x1cb: {  	v24 =	vor.u32 v26, v12;
	[tilespmem:v57+s19+$0x0] =	vst.idx.msk $0xffff, v30;
	v26 =	vld [tilespmem:s26+$0xFFFFD370]  }
0x1cc: {  	v30 =	vor.u32 v8, v21;
	v28 =	vld [tilespmem:s0+$0xFFFFFFA0];
	[tilespmem:v23+s19+$0x0] =	vst.idx.msk $0xffff, v18  }
0x1cd: {  	[tilespmem:v17+s19+$0x0] =	vst.idx.msk $0xffff, v29;
	v29 =	vor.u32 v37, v11;
	v23 =	vld [tilespmem:s26+$0xFFFFD400]  }
0x1ce: {  	v16 =	vld [tilespmem:s4+$0xFFFFFF80];
	[tilespmem:v31+s19+$0x0] =	vst.idx.msk $0xffff, v27  }
0x1cf: {  	s31 =	simm.s32 $0x8;
	v61 =	vor.u32 v13, v20;
	v62 =	vld [tilespmem:s28+$0xFFFFD350];
	[tilespmem:v59+s19+$0x0] =	vst.idx.msk $0xffff, v60  }
0x1d0: {  	v63 =	vor.u32 v14, v19;
	v17 =	vor.u32 v38, v10;
	v10 =	vmov s31;
	v27 =	vld [tilespmem:s28+$0xFFFFFFD0];
	[tilespmem:v24+s19+$0x0] =	vst.idx.msk $0xffff, v26  }
0x1d1: {  	v13 =	vor.u32 v25, v12;
	v24 =	vshll.u32 v10, $0x8;
	[tilespmem:v30+s19+$0x0] =	vst.idx.msk $0xffff, v28;
	v28 =	vld [tilespmem:s26+$0xFFFFFF70]  }
0x1d2: {  	v14 =	vor.u32 v14, v20;
	v35 =	vor.u32 v9, v21;
	v34 =	vld [tilespmem:s0+$0xFFFFD3B0];
	[tilespmem:v29+s19+$0x0] =	vst.idx.msk $0xffff, v23;
	v23 =	vand.u32 $0x7800, v24  }
0x1d3: {  	v32 =	vor.u32 v9, v22;
	v25 =	vor.u32 v38, v12;
	v10 =	vshll.u32 v10, $0x7;
	v33 =	vld [tilespmem:s0+$0xFFFFD330]  }
0x1d4: {  	v18 =	vor.u32 v37, v12;
	v31 =	vor.u32 v38, v11;
	v10 =	vand.u32 $0x300, v10;
	[tilespmem:v61+s19+$0x0] =	vst.idx.msk $0xffff, v62;
	v30 =	vld [tilespmem:s26+$0x0]  }
0x1d5: {  	s29 =	simm.s32 $0x8170;
	s2 =	simm.s32 $0xA;
	s4 =	simm.s32 $0x9;
	v29 =	vld [tilespmem:s28+$0xFFFFFF50];
	v24 =	vmov v5;
	v26 =	vor.u32 v10, v23;
	[tilespmem:v63+s19+$0x0] =	vst.idx.msk $0xffff, v27;
	v23 =	vmov v5  }
.LBB2_16:
0x1d6: {  	p1 =	slt.u32 s2, $0x56;
	v11 =	vmov s4;
	v12 =	vld [tilespmem:s28+$0xFFFFD3E0];
	v27 =	vor.u32 v15, v19;
	[tilespmem:v13+s19+$0x0] =	vst.idx.msk $0xffff, v28;
	v10 =	vmovc v20;
	v20 =	vmov v22  }
0x1d7: {  	v28 =	vor.u32 $0x41, v23;
	v22 =	vmovc v26;
	v13 =	vshll.u32 v11, $0x8;
	v11 =	vshll.u32 v11, $0x7;
	[tilespmem:v35+s19+$0x0] =	vst.idx.msk $0xffff, v34;
	v34 =	vld [tilespmem:s26+$0xFFFFD380]  }
0x1d8: {  	v13 =	vand.u32 $0x7800, v13;
	v11 =	vand.u32 $0x380, v11;
	[tilespmem:v32+s19+$0x0] =	vst.idx.msk $0xffff, v33;
	v26 =	vld [tilespmem:s0+$0xFFFFFFB0];
	v32 =	vor.u32 v28, v21  }
0x1d9: {  	v33 =	vor.u32 v5, v22;
	s0 =	sadd.s32 $0x100, s0;
	v11 =	vor.u32 v11, v13;
	v13 =	vld [tilespmem:s29+$0xFFFFFF30];
	[tilespmem:v31+s19+$0x0] =	vst.idx.msk $0xffff, v30  }
0x1da: {  	v28 =	vor.u32 v28, v20;
	v30 =	vld [tilespmem:s0+$0xFFFFD390];
	v31 =	vor.u32 v5, v11;
	[tilespmem:v14+s19+$0x0] =	vst.idx.msk $0xffff, v29  }
0x1db: {  	v15 =	vor.u32 v15, v10;
	v29 =	vor.u32 $0x421, v24;
	v14 =	vld [tilespmem:s0+$0xFFFFD310];
	[tilespmem:v27+s19+$0x0] =	vst.idx.msk $0xffff, v12  }
0x1dc: {  	v12 =	vor.u32 v29, v10;
	v29 =	vor.u32 v29, v19;
	v27 =	vld [tilespmem:s28+$0xFFFFFFE0];
	[tilespmem:v18+s19+$0x0] =	vst.idx.msk $0xffff, v34  }
0x1dd: {  	v18 =	vor.u32 $0x60, v23;
	[tilespmem:v32+s19+$0x0] =	vst.idx.msk $0xffff, v26;
	v26 =	vld [tilespmem:s28+$0xFFFFD360]  }
0x1de: {  	v32 =	vor.u32 v18, v20;
	v18 =	vor.u32 v18, v21;
	v34 =	vld [tilespmem:s29+$0xFFFFD3C0];
	[tilespmem:v17+s19+$0x0] =	vst.idx.msk $0xffff, v16;
	v17 =	vmov v25  }
0x1df: {  	[tilespmem:v31+s19+$0x0] =	vst.idx.msk $0xffff, v30;
	v16 =	vld [tilespmem:s26+$0xFFFFFF80];
	s26 =	smov.u32 s28;
	s28 =	smov.u32 s29;
	s29 =	smov.u32 s0  }
0x1e0: {  	v30 =	vor.u32 v6, v11;
	[tilespmem:v33+s19+$0x0] =	vst.idx.msk $0xffff, v14;
	v14 =	vor.u32 v6, v22;
	v25 =	vld [tilespmem:s0+$0xFFFFFF90]  }
0x1e1: {  	v33 =	vor.u32 $0x440, v24;
	v31 =	vld [tilespmem:s0+$0xFFFFFF10];
	[tilespmem:v29+s19+$0x0] =	vst.idx.msk $0xffff, v27  }
0x1e2: {  	v27 =	vor.u32 v33, v10;
	[tilespmem:v28+s19+$0x0] =	vst.idx.msk $0xffff, v13;
	v13 =	vld [tilespmem:s26+$0xFFFFD3F0];
	v28 =	vor.u32 v33, v19  }
0x1e3: {  	v33 =	vor.u32 $0x61, v23;
	v29 =	vld [tilespmem:s28+$0xFFFFD340];
	[tilespmem:v18+s19+$0x0] =	vst.idx.msk $0xffff, v34  }
0x1e4: {  	v18 =	vor.u32 v33, v20;
	v33 =	vor.u32 v33, v21;
	v34 =	vld [tilespmem:s28+$0xFFFFFFC0];
	[tilespmem:v15+s19+$0x0] =	vst.idx.msk $0xffff, v26  }
0x1e5: {  	[tilespmem:v30+s19+$0x0] =	vst.idx.msk $0xffff, v25;
	v15 =	vld [tilespmem:s26+$0xFFFFFF60]  }
0x1e6: {  	v26 =	vor.u32 v7, v11;
	[tilespmem:v14+s19+$0x0] =	vst.idx.msk $0xffff, v31;
	v14 =	vor.u32 v7, v22;
	v25 =	vld [tilespmem:s0+$0xFFFFD3A0]  }
0x1e7: {  	v31 =	vor.u32 $0x441, v24;
	v30 =	vld [tilespmem:s0+$0xFFFFD320];
	[tilespmem:v28+s19+$0x0] =	vst.idx.msk $0xffff, v13  }
0x1e8: {  	v13 =	vor.u32 v31, v10;
	[tilespmem:v32+s19+$0x0] =	vst.idx.msk $0xffff, v29;
	v28 =	vld [tilespmem:s26+$0xFFFFFFF0];
	v29 =	vor.u32 v31, v19  }
0x1e9: {  	v32 =	vor.u32 $0x400, v23;
	v31 =	vld [tilespmem:s28+$0xFFFFFF40];
	[tilespmem:v33+s19+$0x0] =	vst.idx.msk $0xffff, v34  }
0x1ea: {  	v36 =	vor.u32 v32, v20;
	v32 =	vor.u32 v32, v21;
	v33 =	vld [tilespmem:s28+$0xFFFFD3D0];
	[tilespmem:v12+s19+$0x0] =	vst.idx.msk $0xffff, v15  }
0x1eb: {  	[tilespmem:v26+s19+$0x0] =	vst.idx.msk $0xffff, v25;
	v12 =	vld [tilespmem:s26+$0xFFFFD370]  }
0x1ec: {  	v15 =	vor.u32 v8, v22;
	v26 =	vor.u32 v8, v11;
	[tilespmem:v14+s19+$0x0] =	vst.idx.msk $0xffff, v30;
	v25 =	vld [tilespmem:s0+$0xFFFFFFA0]  }
0x1ed: {  	v14 =	vor.u32 $0x460, v24;
	v30 =	vld [tilespmem:s0+$0xFFFFFF20];
	[tilespmem:v29+s19+$0x0] =	vst.idx.msk $0xffff, v28  }
0x1ee: {  	[tilespmem:v18+s19+$0x0] =	vst.idx.msk $0xffff, v31;
	v18 =	vor.u32 v14, v10;
	v29 =	vld [tilespmem:s26+$0xFFFFD400];
	v31 =	vor.u32 v14, v19  }
0x1ef: {  	v28 =	vor.u32 $0x401, v23;
	v37 =	vld [tilespmem:s28+$0xFFFFD350];
	[tilespmem:v32+s19+$0x0] =	vst.idx.msk $0xffff, v33  }
0x1f0: {  	v14 =	vor.u32 v28, v20;
	v39 =	vor.u32 v28, v21;
	v38 =	vld [tilespmem:s28+$0xFFFFFFD0];
	[tilespmem:v27+s19+$0x0] =	vst.idx.msk $0xffff, v12  }
.Ltmp9:
0x1f1: {  	v12 =	vmov s2;
	[tilespmem:v26+s19+$0x0] =	vst.idx.msk $0xffff, v25;
	v28 =	vld [tilespmem:s26+$0xFFFFFF70];
	(pc) =	sbr.rel @p1 .LBB2_16-.Ltmp9, $4  }
0x1f2: {  	v35 =	vor.u32 v9, v11;
	v32 =	vor.u32 v9, v22;
	v25 =	vshll.u32 v12, $0x8;
	[tilespmem:v15+s19+$0x0] =	vst.idx.msk $0xffff, v30;
	v34 =	vld [tilespmem:s0+$0xFFFFD3B0]  }
0x1f3: {  	v12 =	vshll.u32 v12, $0x7;
	v26 =	vor.u32 $0x461, v24;
	v24 =	vmovc v23;
	v23 =	vmovc v5;
	v15 =	vand.u32 $0x7800, v25;
	v33 =	vld [tilespmem:s0+$0xFFFFD330];
	[tilespmem:v31+s19+$0x0] =	vst.idx.msk $0xffff, v29  }
0x1f4: {  	v12 =	vand.u32 $0x300, v12;
	v25 =	vor.u32 v26, v10;
	v31 =	vor.u32 v26, v19;
	[tilespmem:v36+s19+$0x0] =	vst.idx.msk $0xffff, v37;
	v30 =	vld [tilespmem:s26+$0x0]  }
0x1f5: {  	s4 =	sadd.s32 $0x1, s2;
	s2 =	sadd.s32 $0x2, s2;
	v26 =	vor.u32 v12, v15;
	v15 =	vor.u32 $0x420, v24;
	v19 =	vmovc v21;
	v21 =	vmov v11;
	v29 =	vld [tilespmem:s28+$0xFFFFFF50];
	[tilespmem:v39+s19+$0x0] =	vst.idx.msk $0xffff, v38  }
0x1f6: {  	v10 =	vmov s4  }
0x1f7: {  	v11 =	vshll.u32 v10, $0x8;
	v10 =	vshll.u32 v10, $0x7  }
0x1f8: {  	s2 =	sadd.s32 $0x100, s0;
	v11 =	vand.u32 $0x7800, v11;
	v10 =	vand.u32 $0x380, v10  }
0x1f9: {  	v12 =	vor.u32 v5, v26;
	v36 =	vld [tilespmem:s2+$0xFFFFD310];
	v27 =	vor.u32 v10, v11  }
0x1fa: {  	v10 =	vld [tilespmem:s2+$0xFFFFD390];
	v11 =	vor.u32 v5, v27;
	_ =	sdelay $0x3  }
0x1fb: {  	[tilespmem:v12+s19+$0x0] =	vst.idx.msk $0xffff, v36  }
0x1fc: {  	v12 =	vor.u32 v6, v26;
	v36 =	vld [tilespmem:s2+$0xFFFFFF10];
	[tilespmem:v11+s19+$0x0] =	vst.idx.msk $0xffff, v10  }
0x1fd: {  	v11 =	vor.u32 v6, v27;
	v10 =	vld [tilespmem:s2+$0xFFFFFF90];
	_ =	sdelay $0x3  }
0x1fe: {  	[tilespmem:v12+s19+$0x0] =	vst.idx.msk $0xffff, v36  }
0x1ff: {  	v12 =	vor.u32 v7, v26;
	v36 =	vld [tilespmem:s2+$0xFFFFD320];
	[tilespmem:v11+s19+$0x0] =	vst.idx.msk $0xffff, v10  }
0x200: {  	v11 =	vor.u32 v7, v27;
	v10 =	vld [tilespmem:s2+$0xFFFFD3A0];
	_ =	sdelay $0x3  }
0x201: {  	[tilespmem:v12+s19+$0x0] =	vst.idx.msk $0xffff, v36  }
0x202: {  	v12 =	vor.u32 v8, v26;
	v36 =	vld [tilespmem:s2+$0xFFFFFF20];
	[tilespmem:v11+s19+$0x0] =	vst.idx.msk $0xffff, v10  }
0x203: {  	v11 =	vor.u32 v8, v27;
	v10 =	vld [tilespmem:s2+$0xFFFFFFA0];
	_ =	sdelay $0x3  }
0x204: {  	[tilespmem:v12+s19+$0x0] =	vst.idx.msk $0xffff, v36  }
0x205: {  	v12 =	vor.u32 v9, v26;
	v36 =	vld [tilespmem:s2+$0xFFFFD330];
	[tilespmem:v11+s19+$0x0] =	vst.idx.msk $0xffff, v10  }
0x206: {  	v37 =	vor.u32 v9, v27;
	v11 =	vld [tilespmem:s2+$0xFFFFD3B0]  }
0x207: {  	v38 =	vor.u32 $0x41, v23;
	[tilespmem:v32+s19+$0x0] =	vst.idx.msk $0xffff, v33  }
0x208: {  	[tilespmem:v35+s19+$0x0] =	vst.idx.msk $0xffff, v34;
	v49 =	vor.u32 v38, v21;
	v38 =	vor.u32 v38, v22;
	v52 =	vld [tilespmem:s29+$0xFFFFFF30]  }
0x209: {  	v34 =	vld [tilespmem:s0+$0xFFFFFFB0]  }
0x20a: {  	v10 =	vor.u32 $0x41, v5;
	[tilespmem:v12+s19+$0x0] =	vst.idx.msk $0xffff, v36  }
0x20b: {  	v53 =	vor.u32 v10, v26;
	v12 =	vld [tilespmem:s2+$0xFFFFFF30];
	[tilespmem:v37+s19+$0x0] =	vst.idx.msk $0xffff, v11  }
0x20c: {  	v51 =	vor.u32 v10, v27;
	v50 =	vld [tilespmem:s2+$0xFFFFFFB0]  }
0x20d: {  	v39 =	vor.u32 $0x60, v23;
	[tilespmem:v38+s19+$0x0] =	vst.idx.msk $0xffff, v52  }
0x20e: {  	v56 =	vor.u32 v39, v22;
	[tilespmem:v49+s19+$0x0] =	vst.idx.msk $0xffff, v34;
	v38 =	vld [tilespmem:s29+$0xFFFFD340]  }
0x20f: {  	v54 =	vor.u32 v39, v21;
	v34 =	vld [tilespmem:s29+$0xFFFFD3C0]  }
0x210: {  	v11 =	vor.u32 $0x60, v5;
	[tilespmem:v53+s19+$0x0] =	vst.idx.msk $0xffff, v12  }
0x211: {  	v57 =	vor.u32 v11, v26;
	v58 =	vld [tilespmem:s2+$0xFFFFD340];
	[tilespmem:v51+s19+$0x0] =	vst.idx.msk $0xffff, v50  }
0x212: {  	v55 =	vor.u32 v11, v27;
	v32 =	vld [tilespmem:s2+$0xFFFFD3C0]  }
0x213: {  	v40 =	vor.u32 $0x61, v23;
	[tilespmem:v56+s19+$0x0] =	vst.idx.msk $0xffff, v38  }
0x214: {  	v61 =	vor.u32 v40, v22;
	[tilespmem:v54+s19+$0x0] =	vst.idx.msk $0xffff, v34;
	v38 =	vld [tilespmem:s29+$0xFFFFFF40]  }
0x215: {  	v59 =	vor.u32 v40, v21;
	v34 =	vld [tilespmem:s29+$0xFFFFFFC0]  }
0x216: {  	v12 =	vor.u32 $0x61, v5;
	[tilespmem:v57+s19+$0x0] =	vst.idx.msk $0xffff, v58  }
0x217: {  	v62 =	vor.u32 v12, v26;
	v36 =	vld [tilespmem:s2+$0xFFFFFF40];
	[tilespmem:v55+s19+$0x0] =	vst.idx.msk $0xffff, v32  }
0x218: {  	[tilespmem:v13+s19+$0x0] =	vst.idx.msk $0xffff, v28;
	v60 =	vor.u32 v12, v27;
	v32 =	vld [tilespmem:s2+$0xFFFFFFC0]  }
0x219: {  	v63 =	vor.u32 $0x400, v23;
	[tilespmem:v61+s19+$0x0] =	vst.idx.msk $0xffff, v38  }
0x21a: {  	v47 =	vor.u32 v63, v22;
	[tilespmem:v59+s19+$0x0] =	vst.idx.msk $0xffff, v34;
	v38 =	vld [tilespmem:s29+$0xFFFFD350]  }
0x21b: {  	v43 =	vor.u32 v63, v21;
	[tilespmem:v31+s19+$0x0] =	vst.idx.msk $0xffff, v30;
	v42 =	vld [tilespmem:s29+$0xFFFFD3D0]  }
0x21c: {  	v13 =	vor.u32 $0x400, v5;
	v50 =	vld [tilespmem:s26+$0xFFFFD380];
	[tilespmem:v62+s19+$0x0] =	vst.idx.msk $0xffff, v36  }
0x21d: {  	v48 =	vor.u32 v13, v26;
	v49 =	vld [tilespmem:s2+$0xFFFFD350];
	[tilespmem:v60+s19+$0x0] =	vst.idx.msk $0xffff, v32  }
0x21e: {  	v46 =	vor.u32 v13, v27;
	[tilespmem:v14+s19+$0x0] =	vst.idx.msk $0xffff, v29;
	v32 =	vld [tilespmem:s2+$0xFFFFD3D0]  }
0x21f: {  	[tilespmem:v47+s19+$0x0] =	vst.idx.msk $0xffff, v38;
	v51 =	vor.u32 $0x401, v23  }
0x220: {  	[tilespmem:v43+s19+$0x0] =	vst.idx.msk $0xffff, v42;
	v54 =	vor.u32 v51, v22;
	v55 =	vld [tilespmem:s29+$0xFFFFFF50]  }
0x221: {  	v30 =	vld [tilespmem:s29+$0xFFFFFFD0];
	v52 =	vor.u32 v51, v21;
	[tilespmem:v18+s19+$0x0] =	vst.idx.msk $0xffff, v50  }
0x222: {  	v44 =	vld [tilespmem:s28+$0xFFFFD3E0];
	v45 =	vor.u32 v15, v19;
	v14 =	vor.u32 $0x401, v5;
	[tilespmem:v48+s19+$0x0] =	vst.idx.msk $0xffff, v49  }
0x223: {  	v18 =	vor.u32 v14, v26;
	v29 =	vld [tilespmem:s2+$0xFFFFFF50];
	[tilespmem:v46+s19+$0x0] =	vst.idx.msk $0xffff, v32  }
0x224: {  	[tilespmem:v17+s19+$0x0] =	vst.idx.msk $0xffff, v16;
	v53 =	vor.u32 v14, v27;
	v32 =	vld [tilespmem:s2+$0xFFFFFFD0]  }
0x225: {  	v59 =	vor.u32 $0x420, v23;
	v61 =	vld [tilespmem:s28+$0xFFFFD360];
	[tilespmem:v54+s19+$0x0] =	vst.idx.msk $0xffff, v55;
	v60 =	vor.u32 v15, v20  }
0x226: {  	v63 =	vor.u32 v59, v22;
	[tilespmem:v52+s19+$0x0] =	vst.idx.msk $0xffff, v30;
	v35 =	vld [tilespmem:s29+$0xFFFFD360]  }
0x227: {  	[tilespmem:v45+s19+$0x0] =	vst.idx.msk $0xffff, v44;
	v56 =	vor.u32 $0x421, v24;
	v17 =	vor.u32 v59, v21;
	v16 =	vld [tilespmem:s29+$0xFFFFD3E0]  }
0x228: {  	v57 =	vld [tilespmem:s28+$0xFFFFFFE0];
	v58 =	vor.u32 v56, v19;
	v15 =	vor.u32 $0x420, v5;
	[tilespmem:v18+s19+$0x0] =	vst.idx.msk $0xffff, v29  }
0x229: {  	v42 =	vor.u32 v15, v26;
	v43 =	vld [tilespmem:s2+$0xFFFFD360];
	[tilespmem:v53+s19+$0x0] =	vst.idx.msk $0xffff, v32  }
0x22a: {  	v62 =	vor.u32 v15, v27;
	[tilespmem:v60+s19+$0x0] =	vst.idx.msk $0xffff, v61;
	v32 =	vld [tilespmem:s2+$0xFFFFD3E0]  }
0x22b: {  	v45 =	vor.u32 $0x421, v23;
	v28 =	vor.u32 v56, v20;
	[tilespmem:v63+s19+$0x0] =	vst.idx.msk $0xffff, v35;
	v31 =	vld [tilespmem:s28+$0xFFFFFF60]  }
0x22c: {  	[tilespmem:v17+s19+$0x0] =	vst.idx.msk $0xffff, v16;
	v48 =	vor.u32 v45, v22;
	v35 =	vld [tilespmem:s29+$0xFFFFFF60]  }
0x22d: {  	[tilespmem:v58+s19+$0x0] =	vst.idx.msk $0xffff, v57;
	v17 =	vld [tilespmem:s29+$0xFFFFFFE0];
	v46 =	vor.u32 v45, v21;
	v18 =	vor.u32 $0x440, v24  }
0x22e: {  	v37 =	vld [tilespmem:s28+$0xFFFFD3F0];
	v16 =	vor.u32 $0x421, v5;
	v44 =	vor.u32 v18, v19;
	[tilespmem:v42+s19+$0x0] =	vst.idx.msk $0xffff, v43  }
0x22f: {  	v50 =	vor.u32 v16, v26;
	v51 =	vld [tilespmem:s2+$0xFFFFFF60];
	[tilespmem:v62+s19+$0x0] =	vst.idx.msk $0xffff, v32  }
0x230: {  	v58 =	vor.u32 $0x460, v24;
	v47 =	vor.u32 v16, v27;
	[tilespmem:v28+s19+$0x0] =	vst.idx.msk $0xffff, v31;
	v32 =	vld [tilespmem:s2+$0xFFFFFFE0]  }
0x231: {  	v60 =	vor.u32 v58, v19;
	[tilespmem:v48+s19+$0x0] =	vst.idx.msk $0xffff, v35;
	v35 =	vor.u32 v58, v20;
	v58 =	vld [tilespmem:s26+$0xFFFFFF80]  }
0x232: {  	v18 =	vor.u32 v18, v20;
	[tilespmem:v46+s19+$0x0] =	vst.idx.msk $0xffff, v17;
	v53 =	vor.u32 $0x440, v23;
	v56 =	vld [tilespmem:s28+$0xFFFFD370]  }
0x233: {  	v54 =	vld [tilespmem:s29+$0xFFFFD3F0];
	v55 =	vor.u32 v53, v21;
	[tilespmem:v44+s19+$0x0] =	vst.idx.msk $0xffff, v37  }
0x234: {  	v17 =	vor.u32 $0x440, v5;
	v34 =	vld [tilespmem:s29+$0xFFFFD370];
	v30 =	vor.u32 v53, v22;
	[tilespmem:v50+s19+$0x0] =	vst.idx.msk $0xffff, v51  }
0x235: {  	v59 =	vor.u32 v17, v26;
	v37 =	vld [tilespmem:s2+$0xFFFFD370];
	[tilespmem:v47+s19+$0x0] =	vst.idx.msk $0xffff, v32  }
0x236: {  	v49 =	vor.u32 $0x441, v24;
	v57 =	vor.u32 v17, v27;
	[tilespmem:v25+s19+$0x0] =	vst.idx.msk $0xffff, v58;
	v32 =	vld [tilespmem:s2+$0xFFFFD3F0]  }
0x237: {  	v52 =	vor.u32 v49, v19;
	v38 =	vld [tilespmem:s28+$0xFFFFFFF0];
	[tilespmem:v18+s19+$0x0] =	vst.idx.msk $0xffff, v56  }
0x238: {  	v61 =	vor.u32 $0x441, v23;
	v29 =	vor.u32 v49, v20;
	[tilespmem:v55+s19+$0x0] =	vst.idx.msk $0xffff, v54;
	v42 =	vld [tilespmem:s28+$0xFFFFFF70]  }
0x239: {  	v63 =	vor.u32 v61, v21;
	[tilespmem:v30+s19+$0x0] =	vst.idx.msk $0xffff, v34;
	v62 =	vld [tilespmem:s29+$0xFFFFFFF0]  }
0x23a: {  	v31 =	vor.u32 v61, v22;
	v18 =	vor.u32 $0x441, v5;
	v34 =	vld [tilespmem:s29+$0xFFFFFF70];
	[tilespmem:v59+s19+$0x0] =	vst.idx.msk $0xffff, v37  }
0x23b: {  	v46 =	vor.u32 v18, v26;
	v36 =	vld [tilespmem:s2+$0xFFFFFF70];
	[tilespmem:v57+s19+$0x0] =	vst.idx.msk $0xffff, v32  }
0x23c: {  	v44 =	vor.u32 v18, v27;
	[tilespmem:v52+s19+$0x0] =	vst.idx.msk $0xffff, v38;
	v43 =	vld [tilespmem:s2+$0xFFFFFFF0]  }
0x23d: {  	v38 =	vld [tilespmem:s28+$0xFFFFD400];
	[tilespmem:v29+s19+$0x0] =	vst.idx.msk $0xffff, v42  }
0x23e: {  	v49 =	vor.u32 $0x460, v23;
	[tilespmem:v63+s19+$0x0] =	vst.idx.msk $0xffff, v62;
	v52 =	vld [tilespmem:s28+$0xFFFFD380]  }
0x23f: {  	v45 =	vor.u32 $0x461, v24;
	v51 =	vor.u32 v49, v21;
	[tilespmem:v31+s19+$0x0] =	vst.idx.msk $0xffff, v34;
	v50 =	vld [tilespmem:s29+$0xFFFFD400]  }
0x240: {  	v48 =	vor.u32 v45, v19;
	v19 =	vor.u32 $0x460, v5;
	v55 =	vor.u32 v49, v22;
	v34 =	vld [tilespmem:s29+$0xFFFFD380];
	[tilespmem:v46+s19+$0x0] =	vst.idx.msk $0xffff, v36  }
0x241: {  	v56 =	vor.u32 v19, v26;
	v57 =	vld [tilespmem:s2+$0xFFFFD380];
	[tilespmem:v44+s19+$0x0] =	vst.idx.msk $0xffff, v43  }
0x242: {  	v54 =	vor.u32 v19, v27;
	[tilespmem:v60+s19+$0x0] =	vst.idx.msk $0xffff, v38;
	v53 =	vld [tilespmem:s2+$0xFFFFD400]  }
0x243: {  	v47 =	vld [tilespmem:s28+$0x0];
	[tilespmem:v35+s19+$0x0] =	vst.idx.msk $0xffff, v52  }
0x244: {  	v24 =	vor.u32 v45, v20;
	v23 =	vor.u32 $0x461, v23;
	[tilespmem:v51+s19+$0x0] =	vst.idx.msk $0xffff, v50;
	v60 =	vld [tilespmem:s28+$0xFFFFFF80]  }
0x245: {  	v21 =	vor.u32 v23, v21;
	[tilespmem:v55+s19+$0x0] =	vst.idx.msk $0xffff, v34;
	v59 =	vld [tilespmem:s29+$0x0]  }
0x246: {  	v20 =	vor.u32 $0x461, v5;
	v22 =	vor.u32 v23, v22;
	v23 =	vld [tilespmem:s29+$0xFFFFFF80];
	[tilespmem:v56+s19+$0x0] =	vst.idx.msk $0xffff, v57  }
0x247: {  	v62 =	vor.u32 v20, v26;
	v63 =	vld [tilespmem:s2+$0xFFFFFF80];
	[tilespmem:v54+s19+$0x0] =	vst.idx.msk $0xffff, v53  }
0x248: {  	s31 =	sadd.s32 s6, s25;
	v27 =	vor.u32 v20, v27;
	[tilespmem:v48+s19+$0x0] =	vst.idx.msk $0xffff, v47;
	v61 =	vld [tilespmem:s2+$0x0]  }
0x249: {  	p1 =	seq.s32 s25, $0x18;
	s0 =	smul.u32 $0xB000, s31;
	[tilespmem:v24+s19+$0x0] =	vst.idx.msk $0xffff, v60  }
.Ltmp10:
0x24a: {  	[tilespmem:v21+s19+$0x0] =	vst.idx.msk $0xffff, v59;
	(pc) =	sbr.rel @p1 .LBB2_21-.Ltmp10, $4  }
0x24b: {  	s0 =	sadd.s32 s7, s0;
	[tilespmem:v22+s19+$0x0] =	vst.idx.msk $0xffff, v23  }
0x24c: {  	s0 =	sshrl.u32 s0, $0x3;
	[tilespmem:v62+s19+$0x0] =	vst.idx.msk $0xffff, v63  }
0x24d: {  	s25 =	sadd.s32 $0x1, s25;
	s26 =	sadd.s32 s8, s0;
	[tilespmem:v27+s19+$0x0] =	vst.idx.msk $0xffff, v61  }
0x24e: {  	[hbm4b:s26+s5] =	stream.linear.scatter [tilespmem:s19], [sflag:$0x5], $0x5800, $0x38;
	[tilespmem:$0x1B180] =	vst v63  }
0x24f: {  	s0 =	simm.s32 $0x7E70  }
0x250: {  	[tilespmem:s0+$0xFFFFD310] =	vst v4  }
0x251: {  	[tilespmem:s0+$0x0] =	vst v4  }
0x252: {  	[tilespmem:s0+$0xFFFFFFF0] =	vst v4  }
0x253: {  	[tilespmem:s0+$0xFFFFFFE0] =	vst v4  }
0x254: {  	[tilespmem:s0+$0xFFFFFFD0] =	vst v4  }
0x255: {  	[tilespmem:s0+$0xFFFFFFC0] =	vst v4  }
0x256: {  	[tilespmem:s0+$0xFFFFFFB0] =	vst v4  }
0x257: {  	[tilespmem:s0+$0xFFFFFFA0] =	vst v4  }
0x258: {  	[tilespmem:s0+$0xFFFFFF90] =	vst v4  }
0x259: {  	[tilespmem:s0+$0xFFFFD400] =	vst v4  }
0x25a: {  	[tilespmem:s0+$0xFFFFD3F0] =	vst v4  }
0x25b: {  	[tilespmem:s0+$0xFFFFD3E0] =	vst v4  }
0x25c: {  	[tilespmem:s0+$0xFFFFD3D0] =	vst v4  }
0x25d: {  	[tilespmem:s0+$0xFFFFD3C0] =	vst v4  }
0x25e: {  	[tilespmem:s0+$0xFFFFD3B0] =	vst v4  }
0x25f: {  	[tilespmem:s0+$0xFFFFD3A0] =	vst v4  }
0x260: {  	[tilespmem:s0+$0xFFFFD390] =	vst v4  }
0x261: {  	[tilespmem:s0+$0xFFFFFF80] =	vst v4  }
0x262: {  	[tilespmem:s0+$0xFFFFFF70] =	vst v4  }
0x263: {  	[tilespmem:s0+$0xFFFFFF60] =	vst v4  }
0x264: {  	[tilespmem:s0+$0xFFFFFF50] =	vst v4  }
0x265: {  	[tilespmem:s0+$0xFFFFFF40] =	vst v4  }
0x266: {  	[tilespmem:s0+$0xFFFFFF30] =	vst v4  }
0x267: {  	[tilespmem:s0+$0xFFFFFF20] =	vst v4  }
0x268: {  	[tilespmem:s0+$0xFFFFFF10] =	vst v4  }
0x269: {  	[tilespmem:s0+$0xFFFFD380] =	vst v4  }
0x26a: {  	[tilespmem:s0+$0xFFFFD370] =	vst v4  }
0x26b: {  	[tilespmem:s0+$0xFFFFD360] =	vst v4  }
0x26c: {  	[tilespmem:s0+$0xFFFFD350] =	vst v4  }
0x26d: {  	[tilespmem:s0+$0xFFFFD340] =	vst v4  }
0x26e: {  	s2 =	simm.s32 $0x0;
	[tilespmem:s0+$0xFFFFD330] =	vst v4  }
.LBB2_19:
0x26f: {  	s2 =	sadd.s32 $0x2, s2;
	[tilespmem:s0+$0xFFFFD320] =	vst v4;
	s0 =	sadd.s32 $0x100, s0  }
0x270: {  	[tilespmem:s0+$0xFFFFD310] =	vst v4;
	p1 =	slt.u32 s2, $0x56  }
0x271: {  	[tilespmem:s0+$0x0] =	vst v4  }
0x272: {  	[tilespmem:s0+$0xFFFFFFF0] =	vst v4  }
0x273: {  	[tilespmem:s0+$0xFFFFFFE0] =	vst v4  }
0x274: {  	[tilespmem:s0+$0xFFFFFFD0] =	vst v4  }
0x275: {  	[tilespmem:s0+$0xFFFFFFC0] =	vst v4  }
0x276: {  	[tilespmem:s0+$0xFFFFFFB0] =	vst v4  }
0x277: {  	[tilespmem:s0+$0xFFFFFFA0] =	vst v4  }
0x278: {  	[tilespmem:s0+$0xFFFFFF90] =	vst v4  }
0x279: {  	[tilespmem:s0+$0xFFFFD400] =	vst v4  }
0x27a: {  	[tilespmem:s0+$0xFFFFD3F0] =	vst v4  }
0x27b: {  	[tilespmem:s0+$0xFFFFD3E0] =	vst v4  }
0x27c: {  	[tilespmem:s0+$0xFFFFD3D0] =	vst v4  }
0x27d: {  	[tilespmem:s0+$0xFFFFD3C0] =	vst v4  }
0x27e: {  	[tilespmem:s0+$0xFFFFD3B0] =	vst v4  }
0x27f: {  	[tilespmem:s0+$0xFFFFD3A0] =	vst v4  }
0x280: {  	[tilespmem:s0+$0xFFFFD390] =	vst v4  }
0x281: {  	[tilespmem:s0+$0xFFFFFF80] =	vst v4  }
0x282: {  	[tilespmem:s0+$0xFFFFFF70] =	vst v4  }
0x283: {  	[tilespmem:s0+$0xFFFFFF60] =	vst v4  }
0x284: {  	[tilespmem:s0+$0xFFFFFF50] =	vst v4  }
0x285: {  	[tilespmem:s0+$0xFFFFFF40] =	vst v4  }
0x286: {  	[tilespmem:s0+$0xFFFFFF30] =	vst v4  }
0x287: {  	[tilespmem:s0+$0xFFFFFF20] =	vst v4  }
0x288: {  	[tilespmem:s0+$0xFFFFFF10] =	vst v4  }
0x289: {  	[tilespmem:s0+$0xFFFFD380] =	vst v4  }
.Ltmp11:
0x28a: {  	[tilespmem:s0+$0xFFFFD370] =	vst v4;
	(pc) =	sbr.rel @p1 .LBB2_19-.Ltmp11, $4  }
0x28b: {  	[tilespmem:s0+$0xFFFFD360] =	vst v4  }
0x28c: {  	[tilespmem:s0+$0xFFFFD350] =	vst v4  }
0x28d: {  	[tilespmem:s0+$0xFFFFD340] =	vst v4  }
0x28e: {  	[tilespmem:s0+$0xFFFFD330] =	vst v4  }
0x28f: {  	s31 =	smul.u32 $0x2C0, s25  }
0x290: {  	[tilespmem:s0+$0xFFFFD320] =	vst v4;
	(ifvalue) =	ssetifvalue $0xFFFFFFFF  }
0x291: {  	(ifvalue) =	ssetifvalue $0xFFFFFFFF;
	s0 =	sshra.s32 s31, $0x2  }
0x292: {  	[tilespmem:s9], [sflag:$0x3] =	stream.indirect.gather [hbm4b:s1+s12], $0x80, s0, s12, $0x40b8;
	[tilespmem:$0x1B180] =	vst v63  }
0x293: {  	(ifvalue) =	ssetifvalue $0xFFFFFFFF  }
0x294: {  	s0 =	sadd.s32 $0x1130, s0;
	(ifvalue) =	ssetifvalue $0xFFFFFFFF  }
0x295: {  	[tilespmem:s11], [sflag:$0x3] =	stream.indirect.gather [hbm4b:s1+s12], $0x80, s0, s12, $0x40b8;
	[tilespmem:$0x1B180] =	vst v63  }
.LBB2_21:
0x296: {  	_ =	swait.ge [sflag:s20], $0x2C00  }
0x297: {  	[sflag:s20] =	ssyncset.done $0x0  }
0x298: {  	[sflag:s20] =	ssyncadd.s32 $0xFFFFD400  }
0x299: {  	_ =	swait.ge [sflag:s20], $0x2C00  }
0x29a: {  	s0 =	simm.s32 $0x0;
	s2 =	simm.s32 $0x1;
	[sflag:s20] =	ssyncset.done $0x0  }
0x29b: {  	s4 =	simm.s32 @!p0 $0x6;
	v21 =	vmov s0;
	v22 =	vmov s2;
	[sflag:s20] =	ssyncadd.s32 $0xFFFFD400  }
0x29c: {  	v23 =	vshll.u32 v21, $0x8;
	v24 =	vshll.u32 v22, $0x8;
	v22 =	vshll.u32 v22, $0x7;
	_ =	swait.ge @!p0 [sflag:s4], $0x5800  }
0x29d: {  	v21 =	vshll.u32 v21, $0x7;
	v24 =	vand.u32 $0x7800, v24;
	v22 =	vand.u32 $0x380, v22;
	[sflag:s4] =	ssyncset.done @!p0 $0x0  }
0x29e: {  	s17 =	simm.s32 $0xD670;
	v23 =	vand.u32 $0x7800, v23;
	v21 =	vand.u32 $0x300, v21;
	v26 =	vor.u32 v22, v24;
	[sflag:s4] =	ssyncadd.s32 @!p0 $0xFFFFA800  }
0x29f: {  	v25 =	vor.u32 v21, v23;
	v22 =	vor.u32 v5, v26;
	v21 =	vld [tilespmem:s17+$0xFFFFD390]  }
0x2a0: {  	v24 =	vor.u32 v5, v25;
	v23 =	vld [tilespmem:s17+$0xFFFFD310];
	_ =	sdelay $0x3  }
0x2a1: {  	[tilespmem:v22+s21+$0x0] =	vst.idx.msk $0xffff, v21  }
0x2a2: {  	[tilespmem:v24+s21+$0x0] =	vst.idx.msk $0xffff, v23;
	v22 =	vor.u32 v6, v26;
	v21 =	vld [tilespmem:s17+$0xFFFFFF90]  }
0x2a3: {  	v24 =	vor.u32 v6, v25;
	v23 =	vld [tilespmem:s17+$0xFFFFFF10];
	_ =	sdelay $0x3  }
0x2a4: {  	[tilespmem:v22+s21+$0x0] =	vst.idx.msk $0xffff, v21  }
0x2a5: {  	[tilespmem:v24+s21+$0x0] =	vst.idx.msk $0xffff, v23;
	v22 =	vor.u32 v7, v26;
	v21 =	vld [tilespmem:s17+$0xFFFFD3A0]  }
0x2a6: {  	v24 =	vor.u32 v7, v25;
	v23 =	vld [tilespmem:s17+$0xFFFFD320];
	_ =	sdelay $0x3  }
0x2a7: {  	[tilespmem:v22+s21+$0x0] =	vst.idx.msk $0xffff, v21  }
0x2a8: {  	[tilespmem:v24+s21+$0x0] =	vst.idx.msk $0xffff, v23;
	v22 =	vor.u32 v8, v26;
	v21 =	vld [tilespmem:s17+$0xFFFFFFA0]  }
0x2a9: {  	v24 =	vor.u32 v8, v25;
	v23 =	vld [tilespmem:s17+$0xFFFFFF20];
	_ =	sdelay $0x3  }
0x2aa: {  	[tilespmem:v22+s21+$0x0] =	vst.idx.msk $0xffff, v21  }
0x2ab: {  	[tilespmem:v24+s21+$0x0] =	vst.idx.msk $0xffff, v23;
	v22 =	vor.u32 v9, v26;
	v21 =	vld [tilespmem:s17+$0xFFFFD3B0]  }
0x2ac: {  	v24 =	vor.u32 v9, v25;
	v23 =	vld [tilespmem:s17+$0xFFFFD330]  }
0x2ad: {  	s22 =	simm.s32 $0x2  }
0x2ae: {  	s23 =	simm.s32 $0x3;
	v27 =	vmov s22  }
0x2af: {  	v29 =	vmov s23;
	v28 =	vshll.u32 v27, $0x8;
	v27 =	vshll.u32 v27, $0x7  }
0x2b0: {  	v30 =	vshll.u32 v29, $0x8;
	v29 =	vshll.u32 v29, $0x7;
	v28 =	vand.u32 $0x7800, v28;
	[tilespmem:v22+s21+$0x0] =	vst.idx.msk $0xffff, v21  }
0x2b1: {  	v21 =	vand.u32 $0x7800, v30;
	v22 =	vand.u32 $0x380, v29;
	[tilespmem:v24+s21+$0x0] =	vst.idx.msk $0xffff, v23;
	v24 =	vor.u32 v10, v26;
	v23 =	vld [tilespmem:s17+$0xFFFFFFB0]  }
0x2b2: {  	s28 =	simm.s32 $0xD770;
	v27 =	vand.u32 $0x300, v27;
	v30 =	vor.u32 v10, v25;
	v21 =	vor.u32 v22, v21;
	v29 =	vld [tilespmem:s17+$0xFFFFFF30]  }
0x2b3: {  	v22 =	vor.u32 v27, v28;
	v27 =	vld [tilespmem:s28+$0xFFFFD390];
	v28 =	vor.u32 v5, v21  }
0x2b4: {  	v31 =	vld [tilespmem:s28+$0xFFFFD310];
	v32 =	vor.u32 v5, v22;
	_ =	sdelay $0x1  }
0x2b5: {  	[tilespmem:v24+s21+$0x0] =	vst.idx.msk $0xffff, v23  }
0x2b6: {  	[tilespmem:v30+s21+$0x0] =	vst.idx.msk $0xffff, v29;
	v24 =	vor.u32 v11, v26;
	v23 =	vld [tilespmem:s17+$0xFFFFD3C0]  }
0x2b7: {  	[tilespmem:v28+s21+$0x0] =	vst.idx.msk $0xffff, v27;
	v27 =	vld [tilespmem:s17+$0xFFFFD340];
	v28 =	vor.u32 v11, v25  }
0x2b8: {  	v30 =	vor.u32 v6, v21;
	[tilespmem:v32+s21+$0x0] =	vst.idx.msk $0xffff, v31;
	v29 =	vld [tilespmem:s28+$0xFFFFFF90]  }
0x2b9: {  	v41 =	vor.u32 v6, v22;
	v31 =	vld [tilespmem:s28+$0xFFFFFF10];
	_ =	sdelay $0x1  }
0x2ba: {  	[tilespmem:v24+s21+$0x0] =	vst.idx.msk $0xffff, v23  }
0x2bb: {  	[tilespmem:v28+s21+$0x0] =	vst.idx.msk $0xffff, v27;
	v24 =	vor.u32 v12, v26;
	v23 =	vld [tilespmem:s17+$0xFFFFFFC0]  }
0x2bc: {  	v28 =	vor.u32 v12, v25;
	[tilespmem:v30+s21+$0x0] =	vst.idx.msk $0xffff, v29;
	v27 =	vld [tilespmem:s17+$0xFFFFFF40]  }
0x2bd: {  	[tilespmem:v41+s21+$0x0] =	vst.idx.msk $0xffff, v31;
	v30 =	vor.u32 v7, v21;
	v29 =	vld [tilespmem:s28+$0xFFFFD3A0]  }
0x2be: {  	v42 =	vor.u32 v7, v22;
	v31 =	vld [tilespmem:s28+$0xFFFFD320];
	_ =	sdelay $0x1  }
0x2bf: {  	[tilespmem:v24+s21+$0x0] =	vst.idx.msk $0xffff, v23  }
0x2c0: {  	[tilespmem:v28+s21+$0x0] =	vst.idx.msk $0xffff, v27;
	v24 =	vor.u32 v13, v26;
	v23 =	vld [tilespmem:s17+$0xFFFFD3D0]  }
0x2c1: {  	v28 =	vor.u32 v13, v25;
	[tilespmem:v30+s21+$0x0] =	vst.idx.msk $0xffff, v29;
	v27 =	vld [tilespmem:s17+$0xFFFFD350]  }
0x2c2: {  	[tilespmem:v42+s21+$0x0] =	vst.idx.msk $0xffff, v31;
	v30 =	vor.u32 v8, v21;
	v29 =	vld [tilespmem:s28+$0xFFFFFFA0]  }
0x2c3: {  	v43 =	vor.u32 v8, v22;
	v31 =	vld [tilespmem:s28+$0xFFFFFF20];
	_ =	sdelay $0x1  }
0x2c4: {  	[tilespmem:v24+s21+$0x0] =	vst.idx.msk $0xffff, v23  }
0x2c5: {  	[tilespmem:v28+s21+$0x0] =	vst.idx.msk $0xffff, v27;
	v24 =	vor.u32 v14, v26;
	v23 =	vld [tilespmem:s17+$0xFFFFFFD0]  }
0x2c6: {  	v28 =	vor.u32 v14, v25;
	[tilespmem:v30+s21+$0x0] =	vst.idx.msk $0xffff, v29;
	v27 =	vld [tilespmem:s17+$0xFFFFFF50]  }
0x2c7: {  	[tilespmem:v43+s21+$0x0] =	vst.idx.msk $0xffff, v31;
	v30 =	vor.u32 v9, v21;
	v29 =	vld [tilespmem:s28+$0xFFFFD3B0]  }
0x2c8: {  	s24 =	simm.s32 $0x4;
	v44 =	vor.u32 v9, v22;
	v31 =	vld [tilespmem:s28+$0xFFFFD330]  }
0x2c9: {  	v33 =	vmov s24  }
0x2ca: {  	s30 =	simm.s32 $0x5;
	v34 =	vshll.u32 v33, $0x8;
	v33 =	vshll.u32 v33, $0x7;
	[tilespmem:v24+s21+$0x0] =	vst.idx.msk $0xffff, v23  }
0x2cb: {  	v46 =	vor.u32 v10, v21;
	v23 =	vmov s30;
	[tilespmem:v28+s21+$0x0] =	vst.idx.msk $0xffff, v27;
	v28 =	vor.u32 v15, v26;
	v27 =	vld [tilespmem:s17+$0xFFFFD3E0]  }
0x2cc: {  	v45 =	vshll.u32 v23, $0x8;
	v23 =	vshll.u32 v23, $0x7;
	[tilespmem:v30+s21+$0x0] =	vst.idx.msk $0xffff, v29;
	v29 =	vld [tilespmem:s17+$0xFFFFD360];
	v30 =	vor.u32 v15, v25  }
0x2cd: {  	v24 =	vand.u32 $0x7800, v34;
	[tilespmem:v44+s21+$0x0] =	vst.idx.msk $0xffff, v31;
	v34 =	vand.u32 $0x7800, v45;
	v23 =	vand.u32 $0x380, v23;
	v31 =	vld [tilespmem:s28+$0xFFFFFFB0]  }
0x2ce: {  	s29 =	simm.s32 $0xD870;
	v33 =	vand.u32 $0x300, v33;
	v35 =	vor.u32 v10, v22;
	v47 =	vld [tilespmem:s28+$0xFFFFFF30];
	v23 =	vor.u32 v23, v34  }
0x2cf: {  	v48 =	vld [tilespmem:s29+$0xFFFFD390];
	v24 =	vor.u32 v33, v24;
	v36 =	vor.u32 v5, v23  }
0x2d0: {  	v37 =	vld [tilespmem:s29+$0xFFFFD310];
	v38 =	vor.u32 v5, v24;
	[tilespmem:v28+s21+$0x0] =	vst.idx.msk $0xffff, v27  }
0x2d1: {  	[tilespmem:v30+s21+$0x0] =	vst.idx.msk $0xffff, v29;
	v28 =	vor.u32 v16, v26;
	v27 =	vld [tilespmem:s17+$0xFFFFFFE0]  }
0x2d2: {  	v30 =	vor.u32 v16, v25;
	[tilespmem:v46+s21+$0x0] =	vst.idx.msk $0xffff, v31;
	v29 =	vld [tilespmem:s17+$0xFFFFFF60]  }
0x2d3: {  	v49 =	vor.u32 v11, v21;
	[tilespmem:v35+s21+$0x0] =	vst.idx.msk $0xffff, v47;
	v31 =	vld [tilespmem:s28+$0xFFFFD3C0]  }
0x2d4: {  	v51 =	vor.u32 v11, v22;
	v50 =	vld [tilespmem:s28+$0xFFFFD340];
	[tilespmem:v36+s21+$0x0] =	vst.idx.msk $0xffff, v48  }
0x2d5: {  	v53 =	vor.u32 v6, v23;
	[tilespmem:v38+s21+$0x0] =	vst.idx.msk $0xffff, v37;
	v52 =	vld [tilespmem:s29+$0xFFFFFF90]  }
0x2d6: {  	v54 =	vor.u32 v6, v24;
	v37 =	vld [tilespmem:s29+$0xFFFFFF10];
	[tilespmem:v28+s21+$0x0] =	vst.idx.msk $0xffff, v27  }
0x2d7: {  	[tilespmem:v30+s21+$0x0] =	vst.idx.msk $0xffff, v29;
	v28 =	vor.u32 v17, v26;
	v27 =	vld [tilespmem:s17+$0xFFFFD3F0]  }
0x2d8: {  	v30 =	vor.u32 v17, v25;
	[tilespmem:v49+s21+$0x0] =	vst.idx.msk $0xffff, v31;
	v29 =	vld [tilespmem:s17+$0xFFFFD370]  }
0x2d9: {  	v55 =	vor.u32 v12, v21;
	[tilespmem:v51+s21+$0x0] =	vst.idx.msk $0xffff, v50;
	v31 =	vld [tilespmem:s28+$0xFFFFFFC0]  }
0x2da: {  	v56 =	vor.u32 v12, v22;
	v33 =	vld [tilespmem:s28+$0xFFFFFF40];
	[tilespmem:v53+s21+$0x0] =	vst.idx.msk $0xffff, v52  }
0x2db: {  	v57 =	vor.u32 v7, v23;
	[tilespmem:v54+s21+$0x0] =	vst.idx.msk $0xffff, v37;
	v35 =	vld [tilespmem:s29+$0xFFFFD3A0]  }
0x2dc: {  	v58 =	vor.u32 v7, v24;
	v37 =	vld [tilespmem:s29+$0xFFFFD320];
	[tilespmem:v28+s21+$0x0] =	vst.idx.msk $0xffff, v27  }
0x2dd: {  	[tilespmem:v30+s21+$0x0] =	vst.idx.msk $0xffff, v29;
	v28 =	vor.u32 v18, v26;
	v27 =	vld [tilespmem:s17+$0xFFFFFFF0]  }
0x2de: {  	v30 =	vor.u32 v18, v25;
	[tilespmem:v55+s21+$0x0] =	vst.idx.msk $0xffff, v31;
	v29 =	vld [tilespmem:s17+$0xFFFFFF70]  }
0x2df: {  	v59 =	vor.u32 v13, v21;
	[tilespmem:v56+s21+$0x0] =	vst.idx.msk $0xffff, v33;
	v31 =	vld [tilespmem:s28+$0xFFFFD3D0]  }
0x2e0: {  	v60 =	vor.u32 v13, v22;
	v33 =	vld [tilespmem:s28+$0xFFFFD350];
	[tilespmem:v57+s21+$0x0] =	vst.idx.msk $0xffff, v35  }
0x2e1: {  	v61 =	vor.u32 v8, v23;
	[tilespmem:v58+s21+$0x0] =	vst.idx.msk $0xffff, v37;
	v35 =	vld [tilespmem:s29+$0xFFFFFFA0]  }
0x2e2: {  	v62 =	vor.u32 v8, v24;
	v37 =	vld [tilespmem:s29+$0xFFFFFF20];
	[tilespmem:v28+s21+$0x0] =	vst.idx.msk $0xffff, v27  }
0x2e3: {  	[tilespmem:v30+s21+$0x0] =	vst.idx.msk $0xffff, v29;
	v28 =	vor.u32 v19, v26;
	v27 =	vld [tilespmem:s17+$0xFFFFD400]  }
0x2e4: {  	v30 =	vor.u32 v19, v25;
	[tilespmem:v59+s21+$0x0] =	vst.idx.msk $0xffff, v31;
	v29 =	vld [tilespmem:s17+$0xFFFFD380]  }
0x2e5: {  	v40 =	vor.u32 v14, v21;
	[tilespmem:v60+s21+$0x0] =	vst.idx.msk $0xffff, v33;
	v39 =	vld [tilespmem:s28+$0xFFFFFFD0]  }
0x2e6: {  	v32 =	vor.u32 v14, v22;
	v31 =	vld [tilespmem:s28+$0xFFFFFF50];
	[tilespmem:v61+s21+$0x0] =	vst.idx.msk $0xffff, v35  }
0x2e7: {  	v36 =	vor.u32 v9, v23;
	[tilespmem:v62+s21+$0x0] =	vst.idx.msk $0xffff, v37;
	v33 =	vld [tilespmem:s29+$0xFFFFD3B0]  }
0x2e8: {  	s31 =	simm.s32 $0x6;
	v34 =	vld [tilespmem:s29+$0xFFFFD330];
	v35 =	vor.u32 v9, v24;
	[tilespmem:v28+s21+$0x0] =	vst.idx.msk $0xffff, v27  }
0x2e9: {  	v63 =	vmov s31;
	[tilespmem:v30+s21+$0x0] =	vst.idx.msk $0xffff, v29;
	v28 =	vor.u32 v20, v26;
	v27 =	vld [tilespmem:s17+$0x0]  }
0x2ea: {  	s2 =	simm.s32 $0x8;
	s4 =	simm.s32 $0x7;
	v37 =	vshll.u32 v63, $0x8;
	v26 =	vshll.u32 v63, $0x7;
	v30 =	vor.u32 v20, v25;
	[tilespmem:v40+s21+$0x0] =	vst.idx.msk $0xffff, v39;
	v29 =	vld [tilespmem:s17+$0xFFFFFF80]  }
.LBB2_22:
0x2eb: {  	p0 =	slt.u32 s2, $0x56;
	v37 =	vand.u32 $0x7800, v37;
	v38 =	vmov s4;
	[tilespmem:v32+s21+$0x0] =	vst.idx.msk $0xffff, v31;
	v31 =	vld [tilespmem:s28+$0xFFFFD3E0];
	v32 =	vor.u32 v15, v21;
	v25 =	vmovc v24;
	s0 =	smov.u32 s29  }
0x2ec: {  	v24 =	vshll.u32 v38, $0x8;
	v38 =	vshll.u32 v38, $0x7;
	[tilespmem:v36+s21+$0x0] =	vst.idx.msk $0xffff, v33;
	v33 =	vld [tilespmem:s28+$0xFFFFD360];
	v36 =	vor.u32 v15, v22  }
0x2ed: {  	v24 =	vand.u32 $0x7800, v24;
	v38 =	vand.u32 $0x380, v38;
	[tilespmem:v35+s21+$0x0] =	vst.idx.msk $0xffff, v34;
	v34 =	vld [tilespmem:s29+$0xFFFFFFB0];
	v35 =	vor.u32 v10, v23  }
0x2ee: {  	v26 =	vand.u32 $0x300, v26;
	v40 =	vor.u32 v10, v25;
	s29 =	sadd.s32 $0x100, s29;
	v38 =	vor.u32 v38, v24;
	v39 =	vld [tilespmem:s0+$0xFFFFFF30];
	[tilespmem:v28+s21+$0x0] =	vst.idx.msk $0xffff, v27  }
0x2ef: {  	v24 =	vor.u32 v26, v37;
	v26 =	vld [tilespmem:s29+$0xFFFFD390];
	v27 =	vor.u32 v5, v38;
	[tilespmem:v30+s21+$0x0] =	vst.idx.msk $0xffff, v29  }
0x2f0: {  	v29 =	vor.u32 v5, v24;
	v28 =	vld [tilespmem:s29+$0xFFFFD310];
	[tilespmem:v32+s21+$0x0] =	vst.idx.msk $0xffff, v31  }
0x2f1: {  	v31 =	vor.u32 v16, v21;
	[tilespmem:v36+s21+$0x0] =	vst.idx.msk $0xffff, v33;
	v30 =	vld [tilespmem:s28+$0xFFFFFFE0]  }
0x2f2: {  	v33 =	vor.u32 v16, v22;
	[tilespmem:v35+s21+$0x0] =	vst.idx.msk $0xffff, v34;
	v32 =	vld [tilespmem:s28+$0xFFFFFF60]  }
0x2f3: {  	v35 =	vor.u32 v11, v23;
	[tilespmem:v40+s21+$0x0] =	vst.idx.msk $0xffff, v39;
	v34 =	vld [tilespmem:s0+$0xFFFFD3C0]  }
0x2f4: {  	[tilespmem:v27+s21+$0x0] =	vst.idx.msk $0xffff, v26;
	v26 =	vld [tilespmem:s0+$0xFFFFD340];
	v27 =	vor.u32 v11, v25  }
0x2f5: {  	[tilespmem:v29+s21+$0x0] =	vst.idx.msk $0xffff, v28;
	v28 =	vld [tilespmem:s29+$0xFFFFFF90];
	v29 =	vor.u32 v6, v38  }
0x2f6: {  	v37 =	vor.u32 v6, v24;
	v36 =	vld [tilespmem:s29+$0xFFFFFF10];
	[tilespmem:v31+s21+$0x0] =	vst.idx.msk $0xffff, v30  }
0x2f7: {  	v31 =	vor.u32 v17, v21;
	[tilespmem:v33+s21+$0x0] =	vst.idx.msk $0xffff, v32;
	v30 =	vld [tilespmem:s28+$0xFFFFD3F0]  }
0x2f8: {  	v33 =	vor.u32 v17, v22;
	[tilespmem:v35+s21+$0x0] =	vst.idx.msk $0xffff, v34;
	v32 =	vld [tilespmem:s28+$0xFFFFD370]  }
0x2f9: {  	[tilespmem:v27+s21+$0x0] =	vst.idx.msk $0xffff, v26;
	v26 =	vld [tilespmem:s0+$0xFFFFFFC0];
	v27 =	vor.u32 v12, v23  }
0x2fa: {  	[tilespmem:v29+s21+$0x0] =	vst.idx.msk $0xffff, v28;
	v28 =	vld [tilespmem:s0+$0xFFFFFF40];
	v29 =	vor.u32 v12, v25  }
0x2fb: {  	v35 =	vor.u32 v7, v38;
	[tilespmem:v37+s21+$0x0] =	vst.idx.msk $0xffff, v36;
	v34 =	vld [tilespmem:s29+$0xFFFFD3A0]  }
0x2fc: {  	v37 =	vor.u32 v7, v24;
	v36 =	vld [tilespmem:s29+$0xFFFFD320];
	[tilespmem:v31+s21+$0x0] =	vst.idx.msk $0xffff, v30  }
0x2fd: {  	v31 =	vor.u32 v18, v21;
	[tilespmem:v33+s21+$0x0] =	vst.idx.msk $0xffff, v32;
	v30 =	vld [tilespmem:s28+$0xFFFFFFF0]  }
0x2fe: {  	[tilespmem:v27+s21+$0x0] =	vst.idx.msk $0xffff, v26;
	v26 =	vld [tilespmem:s28+$0xFFFFFF70];
	v27 =	vor.u32 v18, v22  }
0x2ff: {  	[tilespmem:v29+s21+$0x0] =	vst.idx.msk $0xffff, v28;
	v28 =	vld [tilespmem:s0+$0xFFFFD3D0];
	v29 =	vor.u32 v13, v23  }
0x300: {  	v33 =	vor.u32 v13, v25;
	[tilespmem:v35+s21+$0x0] =	vst.idx.msk $0xffff, v34;
	v32 =	vld [tilespmem:s0+$0xFFFFD350]  }
0x301: {  	v35 =	vor.u32 v8, v38;
	[tilespmem:v37+s21+$0x0] =	vst.idx.msk $0xffff, v36;
	v34 =	vld [tilespmem:s29+$0xFFFFFFA0]  }
0x302: {  	v37 =	vor.u32 v8, v24;
	v36 =	vld [tilespmem:s29+$0xFFFFFF20];
	[tilespmem:v31+s21+$0x0] =	vst.idx.msk $0xffff, v30  }
0x303: {  	[tilespmem:v27+s21+$0x0] =	vst.idx.msk $0xffff, v26;
	v26 =	vld [tilespmem:s28+$0xFFFFD400];
	v27 =	vor.u32 v19, v21  }
0x304: {  	[tilespmem:v29+s21+$0x0] =	vst.idx.msk $0xffff, v28;
	v28 =	vld [tilespmem:s28+$0xFFFFD380];
	v29 =	vor.u32 v19, v22  }
0x305: {  	v39 =	vor.u32 v14, v23;
	[tilespmem:v33+s21+$0x0] =	vst.idx.msk $0xffff, v32;
	v30 =	vld [tilespmem:s0+$0xFFFFFFD0]  }
.Ltmp12:
0x306: {  	v32 =	vor.u32 v14, v25;
	[tilespmem:v35+s21+$0x0] =	vst.idx.msk $0xffff, v34;
	v31 =	vld [tilespmem:s0+$0xFFFFFF50];
	(pc) =	sbr.rel @p0 .LBB2_22-.Ltmp12, $4  }
0x307: {  	[tilespmem:v37+s21+$0x0] =	vst.idx.msk $0xffff, v36;
	v33 =	vld [tilespmem:s29+$0xFFFFD3B0];
	v36 =	vor.u32 v9, v38  }
0x308: {  	v35 =	vor.u32 v9, v24;
	v34 =	vld [tilespmem:s29+$0xFFFFD330];
	[tilespmem:v27+s21+$0x0] =	vst.idx.msk $0xffff, v26  }
0x309: {  	v26 =	vmov s2;
	[tilespmem:v29+s21+$0x0] =	vst.idx.msk $0xffff, v28;
	v27 =	vld [tilespmem:s28+$0x0];
	v28 =	vor.u32 v20, v21;
	v21 =	vmovc v23;
	v23 =	vmov v38  }
0x30a: {  	s4 =	sadd.s32 $0x1, s2;
	s2 =	sadd.s32 $0x2, s2;
	v37 =	vshll.u32 v26, $0x8;
	v26 =	vshll.u32 v26, $0x7;
	[tilespmem:v39+s21+$0x0] =	vst.idx.msk $0xffff, v30;
	v29 =	vld [tilespmem:s28+$0xFFFFFF80];
	v30 =	vor.u32 v20, v22;
	v22 =	vmovc v25;
	s28 =	smov.u32 s0  }
0x30b: {  	v25 =	vmov s4  }
0x30c: {  	v38 =	vshll.u32 v25, $0x8;
	v25 =	vshll.u32 v25, $0x7  }
0x30d: {  	v38 =	vand.u32 $0x7800, v38;
	v25 =	vand.u32 $0x380, v25  }
0x30e: {  	v37 =	vand.u32 $0x7800, v37;
	v39 =	vand.u32 $0x300, v26;
	s0 =	sadd.s32 $0x100, s29;
	v26 =	vor.u32 v25, v38  }
0x30f: {  	v62 =	vld [tilespmem:s0+$0xFFFFD390];
	v25 =	vor.u32 v39, v37;
	v38 =	vor.u32 v5, v26  }
0x310: {  	v63 =	vld [tilespmem:s0+$0xFFFFD310];
	v5 =	vor.u32 v5, v25;
	_ =	sdelay $0x3  }
0x311: {  	[tilespmem:v38+s21+$0x0] =	vst.idx.msk $0xffff, v62  }
0x312: {  	v40 =	vor.u32 v6, v26;
	[tilespmem:v5+s21+$0x0] =	vst.idx.msk $0xffff, v63;
	v5 =	vld [tilespmem:s0+$0xFFFFFF90]  }
0x313: {  	v6 =	vor.u32 v6, v25;
	v41 =	vld [tilespmem:s0+$0xFFFFFF10];
	_ =	sdelay $0x3  }
0x314: {  	[tilespmem:v40+s21+$0x0] =	vst.idx.msk $0xffff, v5  }
0x315: {  	[tilespmem:v6+s21+$0x0] =	vst.idx.msk $0xffff, v41;
	v6 =	vor.u32 v7, v26;
	v5 =	vld [tilespmem:s0+$0xFFFFD3A0]  }
0x316: {  	v7 =	vor.u32 v7, v25;
	v42 =	vld [tilespmem:s0+$0xFFFFD320];
	_ =	sdelay $0x3  }
0x317: {  	[tilespmem:v6+s21+$0x0] =	vst.idx.msk $0xffff, v5  }
0x318: {  	[tilespmem:v7+s21+$0x0] =	vst.idx.msk $0xffff, v42;
	v6 =	vor.u32 v8, v26;
	v5 =	vld [tilespmem:s0+$0xFFFFFFA0]  }
0x319: {  	v43 =	vor.u32 v8, v25;
	v7 =	vld [tilespmem:s0+$0xFFFFFF20];
	_ =	sdelay $0x3  }
0x31a: {  	[tilespmem:v6+s21+$0x0] =	vst.idx.msk $0xffff, v5  }
0x31b: {  	[tilespmem:v43+s21+$0x0] =	vst.idx.msk $0xffff, v7;
	v6 =	vor.u32 v9, v26;
	v5 =	vld [tilespmem:s0+$0xFFFFD3B0]  }
0x31c: {  	v44 =	vor.u32 v9, v25;
	v7 =	vld [tilespmem:s0+$0xFFFFD330];
	_ =	sdelay $0x1  }
0x31d: {  	[tilespmem:v36+s21+$0x0] =	vst.idx.msk $0xffff, v33  }
0x31e: {  	v46 =	vor.u32 v10, v23;
	[tilespmem:v35+s21+$0x0] =	vst.idx.msk $0xffff, v34;
	v45 =	vld [tilespmem:s29+$0xFFFFFFB0]  }
0x31f: {  	v47 =	vor.u32 v10, v24;
	v34 =	vld [tilespmem:s29+$0xFFFFFF30];
	[tilespmem:v6+s21+$0x0] =	vst.idx.msk $0xffff, v5  }
0x320: {  	[tilespmem:v44+s21+$0x0] =	vst.idx.msk $0xffff, v7;
	v6 =	vor.u32 v10, v26;
	v5 =	vld [tilespmem:s0+$0xFFFFFFB0]  }
0x321: {  	v48 =	vor.u32 v10, v25;
	v7 =	vld [tilespmem:s0+$0xFFFFFF30];
	_ =	sdelay $0x1  }
0x322: {  	[tilespmem:v46+s21+$0x0] =	vst.idx.msk $0xffff, v45  }
0x323: {  	v49 =	vor.u32 v11, v23;
	[tilespmem:v47+s21+$0x0] =	vst.idx.msk $0xffff, v34;
	v9 =	vld [tilespmem:s29+$0xFFFFD3C0]  }
0x324: {  	v51 =	vor.u32 v11, v24;
	v50 =	vld [tilespmem:s29+$0xFFFFD340];
	[tilespmem:v6+s21+$0x0] =	vst.idx.msk $0xffff, v5  }
0x325: {  	[tilespmem:v48+s21+$0x0] =	vst.idx.msk $0xffff, v7;
	v6 =	vor.u32 v11, v26;
	v5 =	vld [tilespmem:s0+$0xFFFFD3C0]  }
0x326: {  	v52 =	vor.u32 v11, v25;
	v7 =	vld [tilespmem:s0+$0xFFFFD340];
	_ =	sdelay $0x1  }
0x327: {  	[tilespmem:v49+s21+$0x0] =	vst.idx.msk $0xffff, v9  }
0x328: {  	v53 =	vor.u32 v12, v23;
	[tilespmem:v51+s21+$0x0] =	vst.idx.msk $0xffff, v50;
	v9 =	vld [tilespmem:s29+$0xFFFFFFC0]  }
0x329: {  	v55 =	vor.u32 v12, v24;
	v54 =	vld [tilespmem:s29+$0xFFFFFF40];
	[tilespmem:v6+s21+$0x0] =	vst.idx.msk $0xffff, v5  }
0x32a: {  	[tilespmem:v52+s21+$0x0] =	vst.idx.msk $0xffff, v7;
	v6 =	vor.u32 v12, v26;
	v5 =	vld [tilespmem:s0+$0xFFFFFFC0]  }
0x32b: {  	v56 =	vor.u32 v12, v25;
	v7 =	vld [tilespmem:s0+$0xFFFFFF40];
	_ =	sdelay $0x1  }
0x32c: {  	[tilespmem:v53+s21+$0x0] =	vst.idx.msk $0xffff, v9  }
0x32d: {  	v57 =	vor.u32 v13, v23;
	[tilespmem:v55+s21+$0x0] =	vst.idx.msk $0xffff, v54;
	v9 =	vld [tilespmem:s29+$0xFFFFD3D0]  }
0x32e: {  	v58 =	vor.u32 v13, v24;
	v11 =	vld [tilespmem:s29+$0xFFFFD350];
	[tilespmem:v6+s21+$0x0] =	vst.idx.msk $0xffff, v5  }
0x32f: {  	[tilespmem:v56+s21+$0x0] =	vst.idx.msk $0xffff, v7;
	v6 =	vor.u32 v13, v26;
	v5 =	vld [tilespmem:s0+$0xFFFFD3D0]  }
0x330: {  	v59 =	vor.u32 v13, v25;
	v7 =	vld [tilespmem:s0+$0xFFFFD350]  }
0x331: {  	[tilespmem:v32+s21+$0x0] =	vst.idx.msk $0xffff, v31  }
0x332: {  	[tilespmem:v57+s21+$0x0] =	vst.idx.msk $0xffff, v9  }
0x333: {  	v60 =	vor.u32 v14, v23;
	[tilespmem:v58+s21+$0x0] =	vst.idx.msk $0xffff, v11;
	v9 =	vld [tilespmem:s29+$0xFFFFFFD0]  }
0x334: {  	v61 =	vor.u32 v14, v24;
	v11 =	vld [tilespmem:s29+$0xFFFFFF50];
	[tilespmem:v6+s21+$0x0] =	vst.idx.msk $0xffff, v5  }
0x335: {  	[tilespmem:v59+s21+$0x0] =	vst.idx.msk $0xffff, v7;
	v6 =	vor.u32 v14, v26;
	v5 =	vld [tilespmem:s0+$0xFFFFFFD0]  }
0x336: {  	[tilespmem:v28+s21+$0x0] =	vst.idx.msk $0xffff, v27;
	v62 =	vor.u32 v14, v25;
	v7 =	vld [tilespmem:s0+$0xFFFFFF50]  }
0x337: {  	v32 =	vor.u32 v15, v21;
	[tilespmem:v30+s21+$0x0] =	vst.idx.msk $0xffff, v29;
	v63 =	vld [tilespmem:s28+$0xFFFFD3E0]  }
0x338: {  	v33 =	vld [tilespmem:s28+$0xFFFFD360];
	v34 =	vor.u32 v15, v22;
	[tilespmem:v60+s21+$0x0] =	vst.idx.msk $0xffff, v9  }
0x339: {  	v35 =	vor.u32 v15, v23;
	[tilespmem:v61+s21+$0x0] =	vst.idx.msk $0xffff, v11;
	v9 =	vld [tilespmem:s29+$0xFFFFD3E0]  }
0x33a: {  	v36 =	vor.u32 v15, v24;
	v11 =	vld [tilespmem:s29+$0xFFFFD360];
	[tilespmem:v6+s21+$0x0] =	vst.idx.msk $0xffff, v5  }
0x33b: {  	[tilespmem:v62+s21+$0x0] =	vst.idx.msk $0xffff, v7;
	v6 =	vor.u32 v15, v26;
	v5 =	vld [tilespmem:s0+$0xFFFFD3E0]  }
0x33c: {  	v37 =	vor.u32 v15, v25;
	[tilespmem:v32+s21+$0x0] =	vst.idx.msk $0xffff, v63;
	v7 =	vld [tilespmem:s0+$0xFFFFD360]  }
0x33d: {  	v38 =	vor.u32 v16, v21;
	[tilespmem:v34+s21+$0x0] =	vst.idx.msk $0xffff, v33;
	v13 =	vld [tilespmem:s28+$0xFFFFFFE0]  }
0x33e: {  	v39 =	vld [tilespmem:s28+$0xFFFFFF60];
	v40 =	vor.u32 v16, v22;
	[tilespmem:v35+s21+$0x0] =	vst.idx.msk $0xffff, v9  }
0x33f: {  	v41 =	vor.u32 v16, v23;
	[tilespmem:v36+s21+$0x0] =	vst.idx.msk $0xffff, v11;
	v9 =	vld [tilespmem:s29+$0xFFFFFFE0]  }
0x340: {  	v42 =	vor.u32 v16, v24;
	v11 =	vld [tilespmem:s29+$0xFFFFFF60];
	[tilespmem:v6+s21+$0x0] =	vst.idx.msk $0xffff, v5  }
0x341: {  	[tilespmem:v37+s21+$0x0] =	vst.idx.msk $0xffff, v7;
	v6 =	vor.u32 v16, v26;
	v5 =	vld [tilespmem:s0+$0xFFFFFFE0]  }
0x342: {  	v43 =	vor.u32 v16, v25;
	[tilespmem:v38+s21+$0x0] =	vst.idx.msk $0xffff, v13;
	v7 =	vld [tilespmem:s0+$0xFFFFFF60]  }
0x343: {  	[tilespmem:v40+s21+$0x0] =	vst.idx.msk $0xffff, v39;
	v44 =	vor.u32 v17, v21;
	v13 =	vld [tilespmem:s28+$0xFFFFD3F0]  }
0x344: {  	v45 =	vor.u32 v17, v22;
	[tilespmem:v41+s21+$0x0] =	vst.idx.msk $0xffff, v9;
	v15 =	vld [tilespmem:s28+$0xFFFFD370]  }
0x345: {  	v46 =	vor.u32 v17, v23;
	[tilespmem:v42+s21+$0x0] =	vst.idx.msk $0xffff, v11;
	v9 =	vld [tilespmem:s29+$0xFFFFD3F0]  }
0x346: {  	v47 =	vor.u32 v17, v24;
	v11 =	vld [tilespmem:s29+$0xFFFFD370];
	[tilespmem:v6+s21+$0x0] =	vst.idx.msk $0xffff, v5  }
0x347: {  	[tilespmem:v43+s21+$0x0] =	vst.idx.msk $0xffff, v7;
	v6 =	vor.u32 v17, v26;
	v5 =	vld [tilespmem:s0+$0xFFFFD3F0]  }
0x348: {  	v48 =	vor.u32 v17, v25;
	[tilespmem:v44+s21+$0x0] =	vst.idx.msk $0xffff, v13;
	v7 =	vld [tilespmem:s0+$0xFFFFD370]  }
0x349: {  	v49 =	vor.u32 v18, v21;
	v13 =	vld [tilespmem:s28+$0xFFFFFFF0];
	[tilespmem:v45+s21+$0x0] =	vst.idx.msk $0xffff, v15  }
0x34a: {  	v50 =	vor.u32 v18, v22;
	[tilespmem:v46+s21+$0x0] =	vst.idx.msk $0xffff, v9;
	v15 =	vld [tilespmem:s28+$0xFFFFFF70]  }
0x34b: {  	v51 =	vor.u32 v18, v23;
	[tilespmem:v47+s21+$0x0] =	vst.idx.msk $0xffff, v11;
	v9 =	vld [tilespmem:s29+$0xFFFFFFF0]  }
0x34c: {  	v52 =	vor.u32 v18, v24;
	v11 =	vld [tilespmem:s29+$0xFFFFFF70];
	[tilespmem:v6+s21+$0x0] =	vst.idx.msk $0xffff, v5  }
0x34d: {  	[tilespmem:v48+s21+$0x0] =	vst.idx.msk $0xffff, v7;
	v6 =	vor.u32 v18, v26;
	v5 =	vld [tilespmem:s0+$0xFFFFFFF0]  }
0x34e: {  	v53 =	vor.u32 v18, v25;
	[tilespmem:v49+s21+$0x0] =	vst.idx.msk $0xffff, v13;
	v7 =	vld [tilespmem:s0+$0xFFFFFF70]  }
0x34f: {  	v54 =	vor.u32 v19, v21;
	v13 =	vld [tilespmem:s28+$0xFFFFD400];
	[tilespmem:v50+s21+$0x0] =	vst.idx.msk $0xffff, v15  }
0x350: {  	v55 =	vor.u32 v19, v22;
	[tilespmem:v51+s21+$0x0] =	vst.idx.msk $0xffff, v9;
	v15 =	vld [tilespmem:s28+$0xFFFFD380]  }
0x351: {  	v56 =	vor.u32 v19, v23;
	[tilespmem:v52+s21+$0x0] =	vst.idx.msk $0xffff, v11;
	v9 =	vld [tilespmem:s29+$0xFFFFD400]  }
0x352: {  	v57 =	vor.u32 v19, v24;
	v11 =	vld [tilespmem:s29+$0xFFFFD380];
	[tilespmem:v6+s21+$0x0] =	vst.idx.msk $0xffff, v5  }
0x353: {  	[tilespmem:v53+s21+$0x0] =	vst.idx.msk $0xffff, v7;
	v6 =	vor.u32 v19, v26;
	v5 =	vld [tilespmem:s0+$0xFFFFD400]  }
0x354: {  	v58 =	vor.u32 v19, v25;
	[tilespmem:v54+s21+$0x0] =	vst.idx.msk $0xffff, v13;
	v7 =	vld [tilespmem:s0+$0xFFFFD380]  }
0x355: {  	v59 =	vor.u32 v20, v21;
	v13 =	vld [tilespmem:s28+$0x0];
	[tilespmem:v55+s21+$0x0] =	vst.idx.msk $0xffff, v15  }
0x356: {  	v60 =	vor.u32 v20, v22;
	[tilespmem:v56+s21+$0x0] =	vst.idx.msk $0xffff, v9;
	v15 =	vld [tilespmem:s28+$0xFFFFFF80]  }
0x357: {  	v61 =	vor.u32 v20, v23;
	[tilespmem:v57+s21+$0x0] =	vst.idx.msk $0xffff, v11;
	v9 =	vld [tilespmem:s29+$0x0]  }
0x358: {  	v62 =	vor.u32 v20, v24;
	v11 =	vld [tilespmem:s29+$0xFFFFFF80];
	[tilespmem:v6+s21+$0x0] =	vst.idx.msk $0xffff, v5  }
0x359: {  	[tilespmem:v58+s21+$0x0] =	vst.idx.msk $0xffff, v7;
	v6 =	vor.u32 v20, v26;
	v5 =	vld [tilespmem:s0+$0x0]  }
0x35a: {  	v63 =	vor.u32 v20, v25;
	[tilespmem:v59+s21+$0x0] =	vst.idx.msk $0xffff, v13;
	v7 =	vld [tilespmem:s0+$0xFFFFFF80]  }
0x35b: {  	p0 =	sne.s32 s25, $0x19;
	[tilespmem:v60+s21+$0x0] =	vst.idx.msk $0xffff, v15  }
.Ltmp13:
0x35c: {  	[tilespmem:v61+s21+$0x0] =	vst.idx.msk $0xffff, v9;
	(pc) =	sbr.rel @p0 .LBB2_13-.Ltmp13, $4  }
0x35d: {  	[tilespmem:v62+s21+$0x0] =	vst.idx.msk $0xffff, v11  }
0x35e: {  	[tilespmem:v6+s21+$0x0] =	vst.idx.msk $0xffff, v5  }
0x35f: {  	s31 =	sadd.s32 $0xB00, s26;
	[tilespmem:v63+s21+$0x0] =	vst.idx.msk $0xffff, v7  }
0x360: {  	[hbm4b:s31+s5] =	stream.linear.scatter [tilespmem:s21], [sflag:$0x6], $0x5800, $0x38;
	[tilespmem:$0x1B180] =	vst v63  }
0x361: {  	s0 =	simm.s32 $0x5  }
0x362: {  	_ =	swait.ge [sflag:s0], $0x5800  }
0x363: {  	[sflag:s0] =	ssyncset.done $0x0  }
0x364: {  	s2 =	simm.s32 $0x6;
	[sflag:s0] =	ssyncadd.s32 $0xFFFFA800  }
0x365: {  	_ =	swait.ge [sflag:s2], $0x5800  }
0x366: {  	s4 =	rddreg [dreg:$0x5]  }
0x367: {  	s31 =	rddreg [dreg:$0x4];
	s4 =	sadd.s32 $0x1, s4  }
0x368: {  	p0 =	sne.s32 s4, s31  }
.Ltmp14:
0x369: {  	_ = 	snop;
	(pc) =	sbr.rel @p0 .LBB2_1-.Ltmp14, $3  }
0x36a: {  	_ =	sdelay $0x1  }
0x36b: {  	[sflag:s2] =	ssyncset.done $0x0  }
0x36c: {  	[sflag:s2] =	ssyncadd.s32 $0xFFFFA800  }
0x36d: {  	_ =	sfence.sel $0x180000  }
0x36e: {  	[bflag:$0x0] =	sbarrier.arrive $0xFFFF  }
0x36f: {  	_ =	strace $0x90000047  }
0x370: {  	s0 =	stileid.u32;
	[bflag:$0x2] =	sbarrier.arrive $0xFFFF  }
0x371: {  	p0 =	sne.s32 s0, $0x0;
	s0 =	rddreg [dreg:$0x3]  }
0x372: {  	s0 =	sadd.s32 @!p0 $0x100000, s0  }
0x373: {  	[sflag:s0] =	ssyncadd.tile.s32 @!p0 $0x1;
	_ =	shalt  }
.Lfunc_end2:
_tile_overlayer_lowered:
.L_overlay_start_2:
0x374: {  	(tag) =	ssettag $0x2  }
0x375: {  	s0 =	rddreg [dreg:$0x0];
	s2 =	stileid.u32  }
0x376: {  	s1 =	rddreg [dreg:$0x1];
	p0 =	sne.s32 s2, $0x0  }
0x377: {  	s3 =	rddreg [dreg:$0x2];
	[bflag:$0x3] =	sbarrier.arrive $0xFFFF;
	s2 =	simm.s32 @!p0 $0x1C07  }
0x378: {  	[timem:s3], [sflag:s2] =	dma.local @!p0 [hbm:s0], s1  }
0x379: {  	s0 =	simm.s32 @!p0 $0x7  }
0x37a: {  	_ =	swait.ge @!p0 [sflag:s0], s1  }
0x37b: {  	s1 =	ssub.s32 @!p0 $0x0, s1;
	[sflag:s0] =	ssyncset.done @!p0 $0x0  }
0x37c: {  	[sflag:s0] =	ssyncadd.s32 @!p0 s1  }
0x37d: {  	[bflag:$0x3] =	sbarrier.arrive $0xFFFF  }
0x37e: {  	_ =	shalt  }

</sc_bundles>
